<compile_context>
chip_gen: v7x
topology: tpu7x:2x2x1
jax: 0.10.2.dev20260603
libtpu: 0.0.44.dev20260713+nightly
codegen_flags: <defaults>
</compile_context>

<pallas_src>
import functools

import jax
import jax.numpy as jnp
from jax import lax
from jax.experimental import pallas as pl
from jax.experimental.pallas import tpu as pltpu
from jax.experimental.pallas import tpu_sc as plsc

_B = 16384
_D = 128
_F = 13
_W = _F * _D


def _build_plan():
    plan = []
    off = [0, 0]
    for f in range(2 * _F):
        in_idx, c = divmod(f, _F)
        o = f % 2
        plan.append((o, off[o], in_idx, c))
        off[o] += 1
    return tuple(plan)


_PLAN = _build_plan()

_NC = 2
_NS = 16
_NW = _NC * _NS
_RPW = _B // _NW
_R = 16
_CHUNKS = _RPW // _R


@functools.partial(
    pl.kernel,
    mesh=plsc.VectorSubcoreMesh(core_axis_name="c", subcore_axis_name="s"),
    out_type=(
        jax.ShapeDtypeStruct((_B, _W), jnp.float32),
        jax.ShapeDtypeStruct((_B, _W), jnp.float32),
    ),
    scratch_types=[
        pltpu.VMEM((_R, _W), jnp.float32),
        pltpu.VMEM((_R, _W), jnp.float32),
        pltpu.VMEM((_R, _W), jnp.float32),
        pltpu.VMEM((_R, _W), jnp.float32),
        pltpu.SemaphoreType.DMA,
        pltpu.SemaphoreType.DMA,
        pltpu.SemaphoreType.DMA,
    ],
)
def _permute_sc(v0_hbm, v1_hbm, o0_hbm, o1_hbm,
                in0_a, in1_a, in0_b, in1_b, sem_r, sem_wa, sem_wb):
    wid = lax.axis_index("s") * _NC + lax.axis_index("c")
    base = wid * _RPW
    srcs = (v0_hbm, v1_hbm)
    outs = (o0_hbm, o1_hbm)
    bufs = ((in0_a, in1_a), (in0_b, in1_b))
    sem_w = (sem_wa, sem_wb)

    def fire_reads(r0, b):
        return [
            pltpu.async_copy(srcs[s].at[pl.ds(r0, _R), :], bufs[b][s], sem_r)
            for s in range(2)
        ]

    def fire_writes(r0, b):
        for (o, j, s, c) in _PLAN:
            pltpu.async_copy(
                bufs[b][s].at[:, pl.ds(c * _D, _D)],
                outs[o].at[pl.ds(r0, _R), pl.ds(j * _D, _D)],
                sem_w[b])

    def drain_writes(b):
        for s in range(2):
            pltpu.make_async_copy(
                bufs[b][s],
                outs[s].at[pl.ds(base, _R), :],
                sem_w[b]).wait()

    def chunk(i, b):
        r0 = base + i * _R
        reads = fire_reads(r0, b)
        for h in reads:
            h.wait()
        fire_writes(r0, b)

    chunk(0, 0)
    chunk(1, 1)

    def body(g, carry):
        r0a = base + (2 * g) * _R
        r0b = base + (2 * g + 1) * _R
        for b, r0 in ((0, r0a), (1, r0b)):
            drain_writes(b)
            reads = fire_reads(r0, b)
            for h in reads:
                h.wait()
            fire_writes(r0, b)
        return carry

    lax.fori_loop(1, _CHUNKS // 2, body, 0)

    drain_writes(0)
    drain_writes(1)


def kernel(v0, v1):
    return _permute_sc(v0, v1)

# --- scband reference (transcript-rebuilt; emitter-appended) ---
"""Pipeline reference for scband-permute-multi-embedding-68582037782900 (READ-ONLY COPY).

The authoritative reference and input builder live on the scoring server;
editing this copy changes nothing except your own understanding.
"""

import jax, jax.numpy as jnp
import numpy as np

B = 16384
D = 128
N_FEAT = 26
FEATS_PER_INPUT = 13


def _build_permutes():
    # Mirrors fbgemm permute_multi_embedding instruction rows:
    # (in_tensor_idx, out_tensor_idx, in_offset, out_offset, length)
    # Feature f lives in input tensor f // 13 at column offset (f % 13) * D.
    # Even features go to output group 0, odd features to output group 1,
    # matching the `groups` argument of PermuteMultiEmbedding.
    rows = []
    out_off = [0, 0]
    for f in range(N_FEAT):
        in_idx = f // FEATS_PER_INPUT
        in_start = (f % FEATS_PER_INPUT) * D
        out_idx = f % 2
        rows.append((in_idx, out_idx, in_start, out_off[out_idx], D))
        out_off[out_idx] += D
    return rows, out_off  # out_off == out_lengths per group


def setup_inputs(seed: int = 0) -> dict:
    key = jax.random.key(seed)
    k0, k1 = jax.random.split(key)
    v0 = jax.random.normal(k0, (B, FEATS_PER_INPUT * D), dtype=jnp.float32)
    v1 = jax.random.normal(k1, (B, FEATS_PER_INPUT * D), dtype=jnp.float32)
    return {"v0": v0, "v1": v1}


def reference(v0, v1):
    # Faithful translation of torch.ops.fbgemm.permute_multi_embedding:
    # copy column-slices from the input KT value tensors into the regrouped
    # output tensors according to the permute instruction rows.
    rows, out_lengths = _build_permutes()
    values = [v0, v1]
    batch = v0.shape[0]
    outs = [jnp.zeros((batch, L), dtype=v0.dtype) for L in out_lengths]
    for (in_idx, out_idx, in_start, out_start, length) in rows:
        outs[out_idx] = outs[out_idx].at[:, out_start:out_start + length].set(
            values[in_idx][:, in_start:in_start + length]
        )
    return tuple(outs)

if __name__ == "__main__":
    import jax
    _d = setup_inputs()
    print(jax.jit(kernel)(*tuple(_d.values())))

</pallas_src>

<mosaic_0001>
#map = affine_map<(d0, d1) -> (0, 0)>
module attributes {stable_mosaic.version = 14 : i64} {
  func.func @_permute_sc(%arg0: i32, %arg1: i32, %arg2: memref<16384x1664xf32, #tpu.memory_space<hbm>>, %arg3: memref<16384x1664xf32, #tpu.memory_space<hbm>>, %arg4: memref<16384x1664xf32, #tpu.memory_space<hbm>>, %arg5: memref<16384x1664xf32, #tpu.memory_space<hbm>>, %arg6: memref<16x1664xf32, #tpu.memory_space<vmem>>, %arg7: memref<16x1664xf32, #tpu.memory_space<vmem>>, %arg8: memref<16x1664xf32, #tpu.memory_space<vmem>>, %arg9: memref<16x1664xf32, #tpu.memory_space<vmem>>, %arg10: memref<!tpu.dma_semaphore, #tpu.memory_space<semaphore_mem>>, %arg11: memref<!tpu.dma_semaphore, #tpu.memory_space<semaphore_mem>>, %arg12: memref<!tpu.dma_semaphore, #tpu.memory_space<semaphore_mem>>) attributes {dimension_semantics = [#tpu.dimension_semantics<core_parallel>, #tpu.dimension_semantics<subcore_parallel>], iteration_bounds = array<i64: 2, 16>, scalar_prefetch = 0 : i64, scratch_operands = 7 : i64, tpu.core_type = #tpu.core_type<sc_vector_subcore>, window_params = [{transform_indices = #map}, {transform_indices = #map}, {transform_indices = #map}, {transform_indices = #map}]} {
    %mul3A = arith.constant 2 : i32
    %mul3A_0 = arith.muli %arg1, %mul3A : i32
    %add3A = arith.addi %mul3A_0, %arg0 : i32
    %mul3A_1 = arith.constant 512 : i32
    %mul3A_2 = arith.muli %add3A, %mul3A_1 : i32
    %add3A_3 = arith.constant 0 : i32
    %add3A_4 = arith.addi %mul3A_2, %add3A_3 : i32
    %dma_start3A = arith.constant 0 : i32
    %dma_start3A_5 = tpu.memref_slice %arg2[%add3A_4, %dma_start3A] : memref<16384x1664xf32, #tpu.memory_space<hbm>> -> memref<16x1664xf32, #tpu.memory_space<hbm>>
    %dma_start3A_6 = arith.constant 0 : i32
    %dma_start3A_7 = tpu.memref_slice %arg2[%add3A_4, %dma_start3A_6] : memref<16384x1664xf32, #tpu.memory_space<hbm>> -> memref<16x1664xf32, #tpu.memory_space<hbm>>
    tpu.enqueue_dma source(%dma_start3A_7 : memref<16x1664xf32, #tpu.memory_space<hbm>>) target(%arg6 : memref<16x1664xf32, #tpu.memory_space<vmem>>) target_semaphore(%arg10 : memref<!tpu.dma_semaphore, #tpu.memory_space<semaphore_mem>>)
    %dma_start3A_8 = arith.constant 0 : i32
    %dma_start3A_9 = tpu.memref_slice %arg3[%add3A_4, %dma_start3A_8] : memref<16384x1664xf32, #tpu.memory_space<hbm>> -> memref<16x1664xf32, #tpu.memory_space<hbm>>
    %dma_start3A_10 = arith.constant 0 : i32
    %dma_start3A_11 = tpu.memref_slice %arg3[%add3A_4, %dma_start3A_10] : memref<16384x1664xf32, #tpu.memory_space<hbm>> -> memref<16x1664xf32, #tpu.memory_space<hbm>>
    tpu.enqueue_dma source(%dma_start3A_11 : memref<16x1664xf32, #tpu.memory_space<hbm>>) target(%arg7 : memref<16x1664xf32, #tpu.memory_space<vmem>>) target_semaphore(%arg10 : memref<!tpu.dma_semaphore, #tpu.memory_space<semaphore_mem>>)
    %dma_wait3A = arith.constant 0 : i32
    %dma_wait3A_12 = tpu.memref_slice %arg2[%add3A_4, %dma_wait3A] : memref<16384x1664xf32, #tpu.memory_space<hbm>> -> memref<16x1664xf32, #tpu.memory_space<hbm>>
    %dma_wait3A_13 = arith.constant 0 : i32
    %dma_wait3A_14 = tpu.memref_slice %arg2[%add3A_4, %dma_wait3A_13] : memref<16384x1664xf32, #tpu.memory_space<hbm>> -> memref<16x1664xf32, #tpu.memory_space<hbm>>
    tpu.wait_dma2 semaphore(%arg10 : memref<!tpu.dma_semaphore, #tpu.memory_space<semaphore_mem>>) src(%dma_wait3A_14 : memref<16x1664xf32, #tpu.memory_space<hbm>>) dst(%arg6 : memref<16x1664xf32, #tpu.memory_space<vmem>>)
    %dma_wait3A_15 = arith.constant 0 : i32
    %dma_wait3A_16 = tpu.memref_slice %arg3[%add3A_4, %dma_wait3A_15] : memref<16384x1664xf32, #tpu.memory_space<hbm>> -> memref<16x1664xf32, #tpu.memory_space<hbm>>
    %dma_wait3A_17 = arith.constant 0 : i32
    %dma_wait3A_18 = tpu.memref_slice %arg3[%add3A_4, %dma_wait3A_17] : memref<16384x1664xf32, #tpu.memory_space<hbm>> -> memref<16x1664xf32, #tpu.memory_space<hbm>>
    tpu.wait_dma2 semaphore(%arg10 : memref<!tpu.dma_semaphore, #tpu.memory_space<semaphore_mem>>) src(%dma_wait3A_18 : memref<16x1664xf32, #tpu.memory_space<hbm>>) dst(%arg7 : memref<16x1664xf32, #tpu.memory_space<vmem>>)
    %dma_start3A_19 = arith.constant 0 : i32
    %dma_start3A_20 = arith.constant 0 : i32
    %dma_start3A_21 = tpu.memref_slice %arg6[%dma_start3A_19, %dma_start3A_20] : memref<16x1664xf32, #tpu.memory_space<vmem>> -> memref<16x128xf32, #tpu.memory_space<vmem>>
    %dma_start3A_22 = arith.constant 0 : i32
    %dma_start3A_23 = tpu.memref_slice %arg4[%add3A_4, %dma_start3A_22] : memref<16384x1664xf32, #tpu.memory_space<hbm>> -> memref<16x128xf32, #tpu.memory_space<hbm>>
    %dma_start3A_24 = arith.constant 0 : i32
    %dma_start3A_25 = tpu.memref_slice %arg4[%add3A_4, %dma_start3A_24] : memref<16384x1664xf32, #tpu.memory_space<hbm>> -> memref<16x128xf32, #tpu.memory_space<hbm>>
    %dma_start3A_26 = arith.constant 0 : i32
    %dma_start3A_27 = arith.constant 0 : i32
    %dma_start3A_28 = tpu.memref_slice %arg6[%dma_start3A_26, %dma_start3A_27] : memref<16x1664xf32, #tpu.memory_space<vmem>> -> memref<16x128xf32, #tpu.memory_space<vmem>>
    tpu.enqueue_dma source(%dma_start3A_28 : memref<16x128xf32, #tpu.memory_space<vmem>>) target(%dma_start3A_25 : memref<16x128xf32, #tpu.memory_space<hbm>>) target_semaphore(%arg11 : memref<!tpu.dma_semaphore, #tpu.memory_space<semaphore_mem>>)
    %dma_start3A_29 = arith.constant 0 : i32
    %dma_start3A_30 = arith.constant 128 : i32
    %dma_start3A_31 = tpu.memref_slice %arg6[%dma_start3A_29, %dma_start3A_30] : memref<16x1664xf32, #tpu.memory_space<vmem>> -> memref<16x128xf32, #tpu.memory_space<vmem>>
    %dma_start3A_32 = arith.constant 0 : i32
    %dma_start3A_33 = tpu.memref_slice %arg5[%add3A_4, %dma_start3A_32] : memref<16384x1664xf32, #tpu.memory_space<hbm>> -> memref<16x128xf32, #tpu.memory_space<hbm>>
    %dma_start3A_34 = arith.constant 0 : i32
    %dma_start3A_35 = tpu.memref_slice %arg5[%add3A_4, %dma_start3A_34] : memref<16384x1664xf32, #tpu.memory_space<hbm>> -> memref<16x128xf32, #tpu.memory_space<hbm>>
    %dma_start3A_36 = arith.constant 0 : i32
    %dma_start3A_37 = arith.constant 128 : i32
    %dma_start3A_38 = tpu.memref_slice %arg6[%dma_start3A_36, %dma_start3A_37] : memref<16x1664xf32, #tpu.memory_space<vmem>> -> memref<16x128xf32, #tpu.memory_space<vmem>>
    tpu.enqueue_dma source(%dma_start3A_38 : memref<16x128xf32, #tpu.memory_space<vmem>>) target(%dma_start3A_35 : memref<16x128xf32, #tpu.memory_space<hbm>>) target_semaphore(%arg11 : memref<!tpu.dma_semaphore, #tpu.memory_space<semaphore_mem>>)
    %dma_start3A_39 = arith.constant 0 : i32
    %dma_start3A_40 = arith.constant 256 : i32
    %dma_start3A_41 = tpu.memref_slice %arg6[%dma_start3A_39, %dma_start3A_40] : memref<16x1664xf32, #tpu.memory_space<vmem>> -> memref<16x128xf32, #tpu.memory_space<vmem>>
    %dma_start3A_42 = arith.constant 128 : i32
    %dma_start3A_43 = tpu.memref_slice %arg4[%add3A_4, %dma_start3A_42] : memref<16384x1664xf32, #tpu.memory_space<hbm>> -> memref<16x128xf32, #tpu.memory_space<hbm>>
    %dma_start3A_44 = arith.constant 128 : i32
    %dma_start3A_45 = tpu.memref_slice %arg4[%add3A_4, %dma_start3A_44] : memref<16384x1664xf32, #tpu.memory_space<hbm>> -> memref<16x128xf32, #tpu.memory_space<hbm>>
    %dma_start3A_46 = arith.constant 0 : i32
    %dma_start3A_47 = arith.constant 256 : i32
    %dma_start3A_48 = tpu.memref_slice %arg6[%dma_start3A_46, %dma_start3A_47] : memref<16x1664xf32, #tpu.memory_space<vmem>> -> memref<16x128xf32, #tpu.memory_space<vmem>>
    tpu.enqueue_dma source(%dma_start3A_48 : memref<16x128xf32, #tpu.memory_space<vmem>>) target(%dma_start3A_45 : memref<16x128xf32, #tpu.memory_space<hbm>>) target_semaphore(%arg11 : memref<!tpu.dma_semaphore, #tpu.memory_space<semaphore_mem>>)
    %dma_start3A_49 = arith.constant 0 : i32
    %dma_start3A_50 = arith.constant 384 : i32
    %dma_start3A_51 = tpu.memref_slice %arg6[%dma_start3A_49, %dma_start3A_50] : memref<16x1664xf32, #tpu.memory_space<vmem>> -> memref<16x128xf32, #tpu.memory_space<vmem>>
    %dma_start3A_52 = arith.constant 128 : i32
    %dma_start3A_53 = tpu.memref_slice %arg5[%add3A_4, %dma_start3A_52] : memref<16384x1664xf32, #tpu.memory_space<hbm>> -> memref<16x128xf32, #tpu.memory_space<hbm>>
    %dma_start3A_54 = arith.constant 128 : i32
    %dma_start3A_55 = tpu.memref_slice %arg5[%add3A_4, %dma_start3A_54] : memref<16384x1664xf32, #tpu.memory_space<hbm>> -> memref<16x128xf32, #tpu.memory_space<hbm>>
    %dma_start3A_56 = arith.constant 0 : i32
    %dma_start3A_57 = arith.constant 384 : i32
    %dma_start3A_58 = tpu.memref_slice %arg6[%dma_start3A_56, %dma_start3A_57] : memref<16x1664xf32, #tpu.memory_space<vmem>> -> memref<16x128xf32, #tpu.memory_space<vmem>>
    tpu.enqueue_dma source(%dma_start3A_58 : memref<16x128xf32, #tpu.memory_space<vmem>>) target(%dma_start3A_55 : memref<16x128xf32, #tpu.memory_space<hbm>>) target_semaphore(%arg11 : memref<!tpu.dma_semaphore, #tpu.memory_space<semaphore_mem>>)
    %dma_start3A_59 = arith.constant 0 : i32
    %dma_start3A_60 = arith.constant 512 : i32
    %dma_start3A_61 = tpu.memref_slice %arg6[%dma_start3A_59, %dma_start3A_60] : memref<16x1664xf32, #tpu.memory_space<vmem>> -> memref<16x128xf32, #tpu.memory_space<vmem>>
    %dma_start3A_62 = arith.constant 256 : i32
    %dma_start3A_63 = tpu.memref_slice %arg4[%add3A_4, %dma_start3A_62] : memref<16384x1664xf32, #tpu.memory_space<hbm>> -> memref<16x128xf32, #tpu.memory_space<hbm>>
    %dma_start3A_64 = arith.constant 256 : i32
    %dma_start3A_65 = tpu.memref_slice %arg4[%add3A_4, %dma_start3A_64] : memref<16384x1664xf32, #tpu.memory_space<hbm>> -> memref<16x128xf32, #tpu.memory_space<hbm>>
    %dma_start3A_66 = arith.constant 0 : i32
    %dma_start3A_67 = arith.constant 512 : i32
    %dma_start3A_68 = tpu.memref_slice %arg6[%dma_start3A_66, %dma_start3A_67] : memref<16x1664xf32, #tpu.memory_space<vmem>> -> memref<16x128xf32, #tpu.memory_space<vmem>>
    tpu.enqueue_dma source(%dma_start3A_68 : memref<16x128xf32, #tpu.memory_space<vmem>>) target(%dma_start3A_65 : memref<16x128xf32, #tpu.memory_space<hbm>>) target_semaphore(%arg11 : memref<!tpu.dma_semaphore, #tpu.memory_space<semaphore_mem>>)
    %dma_start3A_69 = arith.constant 0 : i32
    %dma_start3A_70 = arith.constant 640 : i32
    %dma_start3A_71 = tpu.memref_slice %arg6[%dma_start3A_69, %dma_start3A_70] : memref<16x1664xf32, #tpu.memory_space<vmem>> -> memref<16x128xf32, #tpu.memory_space<vmem>>
    %dma_start3A_72 = arith.constant 256 : i32
    %dma_start3A_73 = tpu.memref_slice %arg5[%add3A_4, %dma_start3A_72] : memref<16384x1664xf32, #tpu.memory_space<hbm>> -> memref<16x128xf32, #tpu.memory_space<hbm>>
    %dma_start3A_74 = arith.constant 256 : i32
    %dma_start3A_75 = tpu.memref_slice %arg5[%add3A_4, %dma_start3A_74] : memref<16384x1664xf32, #tpu.memory_space<hbm>> -> memref<16x128xf32, #tpu.memory_space<hbm>>
    %dma_start3A_76 = arith.constant 0 : i32
    %dma_start3A_77 = arith.constant 640 : i32
    %dma_start3A_78 = tpu.memref_slice %arg6[%dma_start3A_76, %dma_start3A_77] : memref<16x1664xf32, #tpu.memory_space<vmem>> -> memref<16x128xf32, #tpu.memory_space<vmem>>
    tpu.enqueue_dma source(%dma_start3A_78 : memref<16x128xf32, #tpu.memory_space<vmem>>) target(%dma_start3A_75 : memref<16x128xf32, #tpu.memory_space<hbm>>) target_semaphore(%arg11 : memref<!tpu.dma_semaphore, #tpu.memory_space<semaphore_mem>>)
    %dma_start3A_79 = arith.constant 0 : i32
    %dma_start3A_80 = arith.constant 768 : i32
    %dma_start3A_81 = tpu.memref_slice %arg6[%dma_start3A_79, %dma_start3A_80] : memref<16x1664xf32, #tpu.memory_space<vmem>> -> memref<16x128xf32, #tpu.memory_space<vmem>>
    %dma_start3A_82 = arith.constant 384 : i32
    %dma_start3A_83 = tpu.memref_slice %arg4[%add3A_4, %dma_start3A_82] : memref<16384x1664xf32, #tpu.memory_space<hbm>> -> memref<16x128xf32, #tpu.memory_space<hbm>>
    %dma_start3A_84 = arith.constant 384 : i32
    %dma_start3A_85 = tpu.memref_slice %arg4[%add3A_4, %dma_start3A_84] : memref<16384x1664xf32, #tpu.memory_space<hbm>> -> memref<16x128xf32, #tpu.memory_space<hbm>>
    %dma_start3A_86 = arith.constant 0 : i32
    %dma_start3A_87 = arith.constant 768 : i32
    %dma_start3A_88 = tpu.memref_slice %arg6[%dma_start3A_86, %dma_start3A_87] : memref<16x1664xf32, #tpu.memory_space<vmem>> -> memref<16x128xf32, #tpu.memory_space<vmem>>
    tpu.enqueue_dma source(%dma_start3A_88 : memref<16x128xf32, #tpu.memory_space<vmem>>) target(%dma_start3A_85 : memref<16x128xf32, #tpu.memory_space<hbm>>) target_semaphore(%arg11 : memref<!tpu.dma_semaphore, #tpu.memory_space<semaphore_mem>>)
    %dma_start3A_89 = arith.constant 0 : i32
    %dma_start3A_90 = arith.constant 896 : i32
    %dma_start3A_91 = tpu.memref_slice %arg6[%dma_start3A_89, %dma_start3A_90] : memref<16x1664xf32, #tpu.memory_space<vmem>> -> memref<16x128xf32, #tpu.memory_space<vmem>>
    %dma_start3A_92 = arith.constant 384 : i32
    %dma_start3A_93 = tpu.memref_slice %arg5[%add3A_4, %dma_start3A_92] : memref<16384x1664xf32, #tpu.memory_space<hbm>> -> memref<16x128xf32, #tpu.memory_space<hbm>>
    %dma_start3A_94 = arith.constant 384 : i32
    %dma_start3A_95 = tpu.memref_slice %arg5[%add3A_4, %dma_start3A_94] : memref<16384x1664xf32, #tpu.memory_space<hbm>> -> memref<16x128xf32, #tpu.memory_space<hbm>>
    %dma_start3A_96 = arith.constant 0 : i32
    %dma_start3A_97 = arith.constant 896 : i32
    %dma_start3A_98 = tpu.memref_slice %arg6[%dma_start3A_96, %dma_start3A_97] : memref<16x1664xf32, #tpu.memory_space<vmem>> -> memref<16x128xf32, #tpu.memory_space<vmem>>
    tpu.enqueue_dma source(%dma_start3A_98 : memref<16x128xf32, #tpu.memory_space<vmem>>) target(%dma_start3A_95 : memref<16x128xf32, #tpu.memory_space<hbm>>) target_semaphore(%arg11 : memref<!tpu.dma_semaphore, #tpu.memory_space<semaphore_mem>>)
    %dma_start3A_99 = arith.constant 0 : i32
    %dma_start3A_100 = arith.constant 1024 : i32
    %dma_start3A_101 = tpu.memref_slice %arg6[%dma_start3A_99, %dma_start3A_100] : memref<16x1664xf32, #tpu.memory_space<vmem>> -> memref<16x128xf32, #tpu.memory_space<vmem>>
    %dma_start3A_102 = arith.constant 512 : i32
    %dma_start3A_103 = tpu.memref_slice %arg4[%add3A_4, %dma_start3A_102] : memref<16384x1664xf32, #tpu.memory_space<hbm>> -> memref<16x128xf32, #tpu.memory_space<hbm>>
    %dma_start3A_104 = arith.constant 512 : i32
    %dma_start3A_105 = tpu.memref_slice %arg4[%add3A_4, %dma_start3A_104] : memref<16384x1664xf32, #tpu.memory_space<hbm>> -> memref<16x128xf32, #tpu.memory_space<hbm>>
    %dma_start3A_106 = arith.constant 0 : i32
    %dma_start3A_107 = arith.constant 1024 : i32
    %dma_start3A_108 = tpu.memref_slice %arg6[%dma_start3A_106, %dma_start3A_107] : memref<16x1664xf32, #tpu.memory_space<vmem>> -> memref<16x128xf32, #tpu.memory_space<vmem>>
    tpu.enqueue_dma source(%dma_start3A_108 : memref<16x128xf32, #tpu.memory_space<vmem>>) target(%dma_start3A_105 : memref<16x128xf32, #tpu.memory_space<hbm>>) target_semaphore(%arg11 : memref<!tpu.dma_semaphore, #tpu.memory_space<semaphore_mem>>)
    %dma_start3A_109 = arith.constant 0 : i32
    %dma_start3A_110 = arith.constant 1152 : i32
    %dma_start3A_111 = tpu.memref_slice %arg6[%dma_start3A_109, %dma_start3A_110] : memref<16x1664xf32, #tpu.memory_space<vmem>> -> memref<16x128xf32, #tpu.memory_space<vmem>>
    %dma_start3A_112 = arith.constant 512 : i32
    %dma_start3A_113 = tpu.memref_slice %arg5[%add3A_4, %dma_start3A_112] : memref<16384x1664xf32, #tpu.memory_space<hbm>> -> memref<16x128xf32, #tpu.memory_space<hbm>>
    %dma_start3A_114 = arith.constant 512 : i32
    %dma_start3A_115 = tpu.memref_slice %arg5[%add3A_4, %dma_start3A_114] : memref<16384x1664xf32, #tpu.memory_space<hbm>> -> memref<16x128xf32, #tpu.memory_space<hbm>>
    %dma_start3A_116 = arith.constant 0 : i32
    %dma_start3A_117 = arith.constant 1152 : i32
    %dma_start3A_118 = tpu.memref_slice %arg6[%dma_start3A_116, %dma_start3A_117] : memref<16x1664xf32, #tpu.memory_space<vmem>> -> memref<16x128xf32, #tpu.memory_space<vmem>>
    tpu.enqueue_dma source(%dma_start3A_118 : memref<16x128xf32, #tpu.memory_space<vmem>>) target(%dma_start3A_115 : memref<16x128xf32, #tpu.memory_space<hbm>>) target_semaphore(%arg11 : memref<!tpu.dma_semaphore, #tpu.memory_space<semaphore_mem>>)
    %dma_start3A_119 = arith.constant 0 : i32
    %dma_start3A_120 = arith.constant 1280 : i32
    %dma_start3A_121 = tpu.memref_slice %arg6[%dma_start3A_119, %dma_start3A_120] : memref<16x1664xf32, #tpu.memory_space<vmem>> -> memref<16x128xf32, #tpu.memory_space<vmem>>
    %dma_start3A_122 = arith.constant 640 : i32
    %dma_start3A_123 = tpu.memref_slice %arg4[%add3A_4, %dma_start3A_122] : memref<16384x1664xf32, #tpu.memory_space<hbm>> -> memref<16x128xf32, #tpu.memory_space<hbm>>
    %dma_start3A_124 = arith.constant 640 : i32
    %dma_start3A_125 = tpu.memref_slice %arg4[%add3A_4, %dma_start3A_124] : memref<16384x1664xf32, #tpu.memory_space<hbm>> -> memref<16x128xf32, #tpu.memory_space<hbm>>
    %dma_start3A_126 = arith.constant 0 : i32
    %dma_start3A_127 = arith.constant 1280 : i32
    %dma_start3A_128 = tpu.memref_slice %arg6[%dma_start3A_126, %dma_start3A_127] : memref<16x1664xf32, #tpu.memory_space<vmem>> -> memref<16x128xf32, #tpu.memory_space<vmem>>
    tpu.enqueue_dma source(%dma_start3A_128 : memref<16x128xf32, #tpu.memory_space<vmem>>) target(%dma_start3A_125 : memref<16x128xf32, #tpu.memory_space<hbm>>) target_semaphore(%arg11 : memref<!tpu.dma_semaphore, #tpu.memory_space<semaphore_mem>>)
    %dma_start3A_129 = arith.constant 0 : i32
    %dma_start3A_130 = arith.constant 1408 : i32
    %dma_start3A_131 = tpu.memref_slice %arg6[%dma_start3A_129, %dma_start3A_130] : memref<16x1664xf32, #tpu.memory_space<vmem>> -> memref<16x128xf32, #tpu.memory_space<vmem>>
    %dma_start3A_132 = arith.constant 640 : i32
    %dma_start3A_133 = tpu.memref_slice %arg5[%add3A_4, %dma_start3A_132] : memref<16384x1664xf32, #tpu.memory_space<hbm>> -> memref<16x128xf32, #tpu.memory_space<hbm>>
    %dma_start3A_134 = arith.constant 640 : i32
    %dma_start3A_135 = tpu.memref_slice %arg5[%add3A_4, %dma_start3A_134] : memref<16384x1664xf32, #tpu.memory_space<hbm>> -> memref<16x128xf32, #tpu.memory_space<hbm>>
    %dma_start3A_136 = arith.constant 0 : i32
    %dma_start3A_137 = arith.constant 1408 : i32
    %dma_start3A_138 = tpu.memref_slice %arg6[%dma_start3A_136, %dma_start3A_137] : memref<16x1664xf32, #tpu.memory_space<vmem>> -> memref<16x128xf32, #tpu.memory_space<vmem>>
    tpu.enqueue_dma source(%dma_start3A_138 : memref<16x128xf32, #tpu.memory_space<vmem>>) target(%dma_start3A_135 : memref<16x128xf32, #tpu.memory_space<hbm>>) target_semaphore(%arg11 : memref<!tpu.dma_semaphore, #tpu.memory_space<semaphore_mem>>)
    %dma_start3A_139 = arith.constant 0 : i32
    %dma_start3A_140 = arith.constant 1536 : i32
    %dma_start3A_141 = tpu.memref_slice %arg6[%dma_start3A_139, %dma_start3A_140] : memref<16x1664xf32, #tpu.memory_space<vmem>> -> memref<16x128xf32, #tpu.memory_space<vmem>>
    %dma_start3A_142 = arith.constant 768 : i32
    %dma_start3A_143 = tpu.memref_slice %arg4[%add3A_4, %dma_start3A_142] : memref<16384x1664xf32, #tpu.memory_space<hbm>> -> memref<16x128xf32, #tpu.memory_space<hbm>>
    %dma_start3A_144 = arith.constant 768 : i32
    %dma_start3A_145 = tpu.memref_slice %arg4[%add3A_4, %dma_start3A_144] : memref<16384x1664xf32, #tpu.memory_space<hbm>> -> memref<16x128xf32, #tpu.memory_space<hbm>>
    %dma_start3A_146 = arith.constant 0 : i32
    %dma_start3A_147 = arith.constant 1536 : i32
    %dma_start3A_148 = tpu.memref_slice %arg6[%dma_start3A_146, %dma_start3A_147] : memref<16x1664xf32, #tpu.memory_space<vmem>> -> memref<16x128xf32, #tpu.memory_space<vmem>>
    tpu.enqueue_dma source(%dma_start3A_148 : memref<16x128xf32, #tpu.memory_space<vmem>>) target(%dma_start3A_145 : memref<16x128xf32, #tpu.memory_space<hbm>>) target_semaphore(%arg11 : memref<!tpu.dma_semaphore, #tpu.memory_space<semaphore_mem>>)
    %dma_start3A_149 = arith.constant 0 : i32
    %dma_start3A_150 = arith.constant 0 : i32
    %dma_start3A_151 = tpu.memref_slice %arg7[%dma_start3A_149, %dma_start3A_150] : memref<16x1664xf32, #tpu.memory_space<vmem>> -> memref<16x128xf32, #tpu.memory_space<vmem>>
    %dma_start3A_152 = arith.constant 768 : i32
    %dma_start3A_153 = tpu.memref_slice %arg5[%add3A_4, %dma_start3A_152] : memref<16384x1664xf32, #tpu.memory_space<hbm>> -> memref<16x128xf32, #tpu.memory_space<hbm>>
    %dma_start3A_154 = arith.constant 768 : i32
    %dma_start3A_155 = tpu.memref_slice %arg5[%add3A_4, %dma_start3A_154] : memref<16384x1664xf32, #tpu.memory_space<hbm>> -> memref<16x128xf32, #tpu.memory_space<hbm>>
    %dma_start3A_156 = arith.constant 0 : i32
    %dma_start3A_157 = arith.constant 0 : i32
    %dma_start3A_158 = tpu.memref_slice %arg7[%dma_start3A_156, %dma_start3A_157] : memref<16x1664xf32, #tpu.memory_space<vmem>> -> memref<16x128xf32, #tpu.memory_space<vmem>>
    tpu.enqueue_dma source(%dma_start3A_158 : memref<16x128xf32, #tpu.memory_space<vmem>>) target(%dma_start3A_155 : memref<16x128xf32, #tpu.memory_space<hbm>>) target_semaphore(%arg11 : memref<!tpu.dma_semaphore, #tpu.memory_space<semaphore_mem>>)
    %dma_start3A_159 = arith.constant 0 : i32
    %dma_start3A_160 = arith.constant 128 : i32
    %dma_start3A_161 = tpu.memref_slice %arg7[%dma_start3A_159, %dma_start3A_160] : memref<16x1664xf32, #tpu.memory_space<vmem>> -> memref<16x128xf32, #tpu.memory_space<vmem>>
    %dma_start3A_162 = arith.constant 896 : i32
    %dma_start3A_163 = tpu.memref_slice %arg4[%add3A_4, %dma_start3A_162] : memref<16384x1664xf32, #tpu.memory_space<hbm>> -> memref<16x128xf32, #tpu.memory_space<hbm>>
    %dma_start3A_164 = arith.constant 896 : i32
    %dma_start3A_165 = tpu.memref_slice %arg4[%add3A_4, %dma_start3A_164] : memref<16384x1664xf32, #tpu.memory_space<hbm>> -> memref<16x128xf32, #tpu.memory_space<hbm>>
    %dma_start3A_166 = arith.constant 0 : i32
    %dma_start3A_167 = arith.constant 128 : i32
    %dma_start3A_168 = tpu.memref_slice %arg7[%dma_start3A_166, %dma_start3A_167] : memref<16x1664xf32, #tpu.memory_space<vmem>> -> memref<16x128xf32, #tpu.memory_space<vmem>>
    tpu.enqueue_dma source(%dma_start3A_168 : memref<16x128xf32, #tpu.memory_space<vmem>>) target(%dma_start3A_165 : memref<16x128xf32, #tpu.memory_space<hbm>>) target_semaphore(%arg11 : memref<!tpu.dma_semaphore, #tpu.memory_space<semaphore_mem>>)
    %dma_start3A_169 = arith.constant 0 : i32
    %dma_start3A_170 = arith.constant 256 : i32
    %dma_start3A_171 = tpu.memref_slice %arg7[%dma_start3A_169, %dma_start3A_170] : memref<16x1664xf32, #tpu.memory_space<vmem>> -> memref<16x128xf32, #tpu.memory_space<vmem>>
    %dma_start3A_172 = arith.constant 896 : i32
    %dma_start3A_173 = tpu.memref_slice %arg5[%add3A_4, %dma_start3A_172] : memref<16384x1664xf32, #tpu.memory_space<hbm>> -> memref<16x128xf32, #tpu.memory_space<hbm>>
    %dma_start3A_174 = arith.constant 896 : i32
    %dma_start3A_175 = tpu.memref_slice %arg5[%add3A_4, %dma_start3A_174] : memref<16384x1664xf32, #tpu.memory_space<hbm>> -> memref<16x128xf32, #tpu.memory_space<hbm>>
    %dma_start3A_176 = arith.constant 0 : i32
    %dma_start3A_177 = arith.constant 256 : i32
    %dma_start3A_178 = tpu.memref_slice %arg7[%dma_start3A_176, %dma_start3A_177] : memref<16x1664xf32, #tpu.memory_space<vmem>> -> memref<16x128xf32, #tpu.memory_space<vmem>>
    tpu.enqueue_dma source(%dma_start3A_178 : memref<16x128xf32, #tpu.memory_space<vmem>>) target(%dma_start3A_175 : memref<16x128xf32, #tpu.memory_space<hbm>>) target_semaphore(%arg11 : memref<!tpu.dma_semaphore, #tpu.memory_space<semaphore_mem>>)
    %dma_start3A_179 = arith.constant 0 : i32
    %dma_start3A_180 = arith.constant 384 : i32
    %dma_start3A_181 = tpu.memref_slice %arg7[%dma_start3A_179, %dma_start3A_180] : memref<16x1664xf32, #tpu.memory_space<vmem>> -> memref<16x128xf32, #tpu.memory_space<vmem>>
    %dma_start3A_182 = arith.constant 1024 : i32
    %dma_start3A_183 = tpu.memref_slice %arg4[%add3A_4, %dma_start3A_182] : memref<16384x1664xf32, #tpu.memory_space<hbm>> -> memref<16x128xf32, #tpu.memory_space<hbm>>
    %dma_start3A_184 = arith.constant 1024 : i32
    %dma_start3A_185 = tpu.memref_slice %arg4[%add3A_4, %dma_start3A_184] : memref<16384x1664xf32, #tpu.memory_space<hbm>> -> memref<16x128xf32, #tpu.memory_space<hbm>>
    %dma_start3A_186 = arith.constant 0 : i32
    %dma_start3A_187 = arith.constant 384 : i32
    %dma_start3A_188 = tpu.memref_slice %arg7[%dma_start3A_186, %dma_start3A_187] : memref<16x1664xf32, #tpu.memory_space<vmem>> -> memref<16x128xf32, #tpu.memory_space<vmem>>
    tpu.enqueue_dma source(%dma_start3A_188 : memref<16x128xf32, #tpu.memory_space<vmem>>) target(%dma_start3A_185 : memref<16x128xf32, #tpu.memory_space<hbm>>) target_semaphore(%arg11 : memref<!tpu.dma_semaphore, #tpu.memory_space<semaphore_mem>>)
    %dma_start3A_189 = arith.constant 0 : i32
    %dma_start3A_190 = arith.constant 512 : i32
    %dma_start3A_191 = tpu.memref_slice %arg7[%dma_start3A_189, %dma_start3A_190] : memref<16x1664xf32, #tpu.memory_space<vmem>> -> memref<16x128xf32, #tpu.memory_space<vmem>>
    %dma_start3A_192 = arith.constant 1024 : i32
    %dma_start3A_193 = tpu.memref_slice %arg5[%add3A_4, %dma_start3A_192] : memref<16384x1664xf32, #tpu.memory_space<hbm>> -> memref<16x128xf32, #tpu.memory_space<hbm>>
    %dma_start3A_194 = arith.constant 1024 : i32
    %dma_start3A_195 = tpu.memref_slice %arg5[%add3A_4, %dma_start3A_194] : memref<16384x1664xf32, #tpu.memory_space<hbm>> -> memref<16x128xf32, #tpu.memory_space<hbm>>
    %dma_start3A_196 = arith.constant 0 : i32
    %dma_start3A_197 = arith.constant 512 : i32
    %dma_start3A_198 = tpu.memref_slice %arg7[%dma_start3A_196, %dma_start3A_197] : memref<16x1664xf32, #tpu.memory_space<vmem>> -> memref<16x128xf32, #tpu.memory_space<vmem>>
    tpu.enqueue_dma source(%dma_start3A_198 : memref<16x128xf32, #tpu.memory_space<vmem>>) target(%dma_start3A_195 : memref<16x128xf32, #tpu.memory_space<hbm>>) target_semaphore(%arg11 : memref<!tpu.dma_semaphore, #tpu.memory_space<semaphore_mem>>)
    %dma_start3A_199 = arith.constant 0 : i32
    %dma_start3A_200 = arith.constant 640 : i32
    %dma_start3A_201 = tpu.memref_slice %arg7[%dma_start3A_199, %dma_start3A_200] : memref<16x1664xf32, #tpu.memory_space<vmem>> -> memref<16x128xf32, #tpu.memory_space<vmem>>
    %dma_start3A_202 = arith.constant 1152 : i32
    %dma_start3A_203 = tpu.memref_slice %arg4[%add3A_4, %dma_start3A_202] : memref<16384x1664xf32, #tpu.memory_space<hbm>> -> memref<16x128xf32, #tpu.memory_space<hbm>>
    %dma_start3A_204 = arith.constant 1152 : i32
    %dma_start3A_205 = tpu.memref_slice %arg4[%add3A_4, %dma_start3A_204] : memref<16384x1664xf32, #tpu.memory_space<hbm>> -> memref<16x128xf32, #tpu.memory_space<hbm>>
    %dma_start3A_206 = arith.constant 0 : i32
    %dma_start3A_207 = arith.constant 640 : i32
    %dma_start3A_208 = tpu.memref_slice %arg7[%dma_start3A_206, %dma_start3A_207] : memref<16x1664xf32, #tpu.memory_space<vmem>> -> memref<16x128xf32, #tpu.memory_space<vmem>>
    tpu.enqueue_dma source(%dma_start3A_208 : memref<16x128xf32, #tpu.memory_space<vmem>>) target(%dma_start3A_205 : memref<16x128xf32, #tpu.memory_space<hbm>>) target_semaphore(%arg11 : memref<!tpu.dma_semaphore, #tpu.memory_space<semaphore_mem>>)
    %dma_start3A_209 = arith.constant 0 : i32
    %dma_start3A_210 = arith.constant 768 : i32
    %dma_start3A_211 = tpu.memref_slice %arg7[%dma_start3A_209, %dma_start3A_210] : memref<16x1664xf32, #tpu.memory_space<vmem>> -> memref<16x128xf32, #tpu.memory_space<vmem>>
    %dma_start3A_212 = arith.constant 1152 : i32
    %dma_start3A_213 = tpu.memref_slice %arg5[%add3A_4, %dma_start3A_212] : memref<16384x1664xf32, #tpu.memory_space<hbm>> -> memref<16x128xf32, #tpu.memory_space<hbm>>
    %dma_start3A_214 = arith.constant 1152 : i32
    %dma_start3A_215 = tpu.memref_slice %arg5[%add3A_4, %dma_start3A_214] : memref<16384x1664xf32, #tpu.memory_space<hbm>> -> memref<16x128xf32, #tpu.memory_space<hbm>>
    %dma_start3A_216 = arith.constant 0 : i32
    %dma_start3A_217 = arith.constant 768 : i32
    %dma_start3A_218 = tpu.memref_slice %arg7[%dma_start3A_216, %dma_start3A_217] : memref<16x1664xf32, #tpu.memory_space<vmem>> -> memref<16x128xf32, #tpu.memory_space<vmem>>
    tpu.enqueue_dma source(%dma_start3A_218 : memref<16x128xf32, #tpu.memory_space<vmem>>) target(%dma_start3A_215 : memref<16x128xf32, #tpu.memory_space<hbm>>) target_semaphore(%arg11 : memref<!tpu.dma_semaphore, #tpu.memory_space<semaphore_mem>>)
    %dma_start3A_219 = arith.constant 0 : i32
    %dma_start3A_220 = arith.constant 896 : i32
    %dma_start3A_221 = tpu.memref_slice %arg7[%dma_start3A_219, %dma_start3A_220] : memref<16x1664xf32, #tpu.memory_space<vmem>> -> memref<16x128xf32, #tpu.memory_space<vmem>>
    %dma_start3A_222 = arith.constant 1280 : i32
    %dma_start3A_223 = tpu.memref_slice %arg4[%add3A_4, %dma_start3A_222] : memref<16384x1664xf32, #tpu.memory_space<hbm>> -> memref<16x128xf32, #tpu.memory_space<hbm>>
    %dma_start3A_224 = arith.constant 1280 : i32
    %dma_start3A_225 = tpu.memref_slice %arg4[%add3A_4, %dma_start3A_224] : memref<16384x1664xf32, #tpu.memory_space<hbm>> -> memref<16x128xf32, #tpu.memory_space<hbm>>
    %dma_start3A_226 = arith.constant 0 : i32
    %dma_start3A_227 = arith.constant 896 : i32
    %dma_start3A_228 = tpu.memref_slice %arg7[%dma_start3A_226, %dma_start3A_227] : memref<16x1664xf32, #tpu.memory_space<vmem>> -> memref<16x128xf32, #tpu.memory_space<vmem>>
    tpu.enqueue_dma source(%dma_start3A_228 : memref<16x128xf32, #tpu.memory_space<vmem>>) target(%dma_start3A_225 : memref<16x128xf32, #tpu.memory_space<hbm>>) target_semaphore(%arg11 : memref<!tpu.dma_semaphore, #tpu.memory_space<semaphore_mem>>)
    %dma_start3A_229 = arith.constant 0 : i32
    %dma_start3A_230 = arith.constant 1024 : i32
    %dma_start3A_231 = tpu.memref_slice %arg7[%dma_start3A_229, %dma_start3A_230] : memref<16x1664xf32, #tpu.memory_space<vmem>> -> memref<16x128xf32, #tpu.memory_space<vmem>>
    %dma_start3A_232 = arith.constant 1280 : i32
    %dma_start3A_233 = tpu.memref_slice %arg5[%add3A_4, %dma_start3A_232] : memref<16384x1664xf32, #tpu.memory_space<hbm>> -> memref<16x128xf32, #tpu.memory_space<hbm>>
    %dma_start3A_234 = arith.constant 1280 : i32
    %dma_start3A_235 = tpu.memref_slice %arg5[%add3A_4, %dma_start3A_234] : memref<16384x1664xf32, #tpu.memory_space<hbm>> -> memref<16x128xf32, #tpu.memory_space<hbm>>
    %dma_start3A_236 = arith.constant 0 : i32
    %dma_start3A_237 = arith.constant 1024 : i32
    %dma_start3A_238 = tpu.memref_slice %arg7[%dma_start3A_236, %dma_start3A_237] : memref<16x1664xf32, #tpu.memory_space<vmem>> -> memref<16x128xf32, #tpu.memory_space<vmem>>
    tpu.enqueue_dma source(%dma_start3A_238 : memref<16x128xf32, #tpu.memory_space<vmem>>) target(%dma_start3A_235 : memref<16x128xf32, #tpu.memory_space<hbm>>) target_semaphore(%arg11 : memref<!tpu.dma_semaphore, #tpu.memory_space<semaphore_mem>>)
    %dma_start3A_239 = arith.constant 0 : i32
    %dma_start3A_240 = arith.constant 1152 : i32
    %dma_start3A_241 = tpu.memref_slice %arg7[%dma_start3A_239, %dma_start3A_240] : memref<16x1664xf32, #tpu.memory_space<vmem>> -> memref<16x128xf32, #tpu.memory_space<vmem>>
    %dma_start3A_242 = arith.constant 1408 : i32
    %dma_start3A_243 = tpu.memref_slice %arg4[%add3A_4, %dma_start3A_242] : memref<16384x1664xf32, #tpu.memory_space<hbm>> -> memref<16x128xf32, #tpu.memory_space<hbm>>
    %dma_start3A_244 = arith.constant 1408 : i32
    %dma_start3A_245 = tpu.memref_slice %arg4[%add3A_4, %dma_start3A_244] : memref<16384x1664xf32, #tpu.memory_space<hbm>> -> memref<16x128xf32, #tpu.memory_space<hbm>>
    %dma_start3A_246 = arith.constant 0 : i32
    %dma_start3A_247 = arith.constant 1152 : i32
    %dma_start3A_248 = tpu.memref_slice %arg7[%dma_start3A_246, %dma_start3A_247] : memref<16x1664xf32, #tpu.memory_space<vmem>> -> memref<16x128xf32, #tpu.memory_space<vmem>>
    tpu.enqueue_dma source(%dma_start3A_248 : memref<16x128xf32, #tpu.memory_space<vmem>>) target(%dma_start3A_245 : memref<16x128xf32, #tpu.memory_space<hbm>>) target_semaphore(%arg11 : memref<!tpu.dma_semaphore, #tpu.memory_space<semaphore_mem>>)
    %dma_start3A_249 = arith.constant 0 : i32
    %dma_start3A_250 = arith.constant 1280 : i32
    %dma_start3A_251 = tpu.memref_slice %arg7[%dma_start3A_249, %dma_start3A_250] : memref<16x1664xf32, #tpu.memory_space<vmem>> -> memref<16x128xf32, #tpu.memory_space<vmem>>
    %dma_start3A_252 = arith.constant 1408 : i32
    %dma_start3A_253 = tpu.memref_slice %arg5[%add3A_4, %dma_start3A_252] : memref<16384x1664xf32, #tpu.memory_space<hbm>> -> memref<16x128xf32, #tpu.memory_space<hbm>>
    %dma_start3A_254 = arith.constant 1408 : i32
    %dma_start3A_255 = tpu.memref_slice %arg5[%add3A_4, %dma_start3A_254] : memref<16384x1664xf32, #tpu.memory_space<hbm>> -> memref<16x128xf32, #tpu.memory_space<hbm>>
    %dma_start3A_256 = arith.constant 0 : i32
    %dma_start3A_257 = arith.constant 1280 : i32
    %dma_start3A_258 = tpu.memref_slice %arg7[%dma_start3A_256, %dma_start3A_257] : memref<16x1664xf32, #tpu.memory_space<vmem>> -> memref<16x128xf32, #tpu.memory_space<vmem>>
    tpu.enqueue_dma source(%dma_start3A_258 : memref<16x128xf32, #tpu.memory_space<vmem>>) target(%dma_start3A_255 : memref<16x128xf32, #tpu.memory_space<hbm>>) target_semaphore(%arg11 : memref<!tpu.dma_semaphore, #tpu.memory_space<semaphore_mem>>)
    %dma_start3A_259 = arith.constant 0 : i32
    %dma_start3A_260 = arith.constant 1408 : i32
    %dma_start3A_261 = tpu.memref_slice %arg7[%dma_start3A_259, %dma_start3A_260] : memref<16x1664xf32, #tpu.memory_space<vmem>> -> memref<16x128xf32, #tpu.memory_space<vmem>>
    %dma_start3A_262 = arith.constant 1536 : i32
    %dma_start3A_263 = tpu.memref_slice %arg4[%add3A_4, %dma_start3A_262] : memref<16384x1664xf32, #tpu.memory_space<hbm>> -> memref<16x128xf32, #tpu.memory_space<hbm>>
    %dma_start3A_264 = arith.constant 1536 : i32
    %dma_start3A_265 = tpu.memref_slice %arg4[%add3A_4, %dma_start3A_264] : memref<16384x1664xf32, #tpu.memory_space<hbm>> -> memref<16x128xf32, #tpu.memory_space<hbm>>
    %dma_start3A_266 = arith.constant 0 : i32
    %dma_start3A_267 = arith.constant 1408 : i32
    %dma_start3A_268 = tpu.memref_slice %arg7[%dma_start3A_266, %dma_start3A_267] : memref<16x1664xf32, #tpu.memory_space<vmem>> -> memref<16x128xf32, #tpu.memory_space<vmem>>
    tpu.enqueue_dma source(%dma_start3A_268 : memref<16x128xf32, #tpu.memory_space<vmem>>) target(%dma_start3A_265 : memref<16x128xf32, #tpu.memory_space<hbm>>) target_semaphore(%arg11 : memref<!tpu.dma_semaphore, #tpu.memory_space<semaphore_mem>>)
    %dma_start3A_269 = arith.constant 0 : i32
    %dma_start3A_270 = arith.constant 1536 : i32
    %dma_start3A_271 = tpu.memref_slice %arg7[%dma_start3A_269, %dma_start3A_270] : memref<16x1664xf32, #tpu.memory_space<vmem>> -> memref<16x128xf32, #tpu.memory_space<vmem>>
    %dma_start3A_272 = arith.constant 1536 : i32
    %dma_start3A_273 = tpu.memref_slice %arg5[%add3A_4, %dma_start3A_272] : memref<16384x1664xf32, #tpu.memory_space<hbm>> -> memref<16x128xf32, #tpu.memory_space<hbm>>
    %dma_start3A_274 = arith.constant 1536 : i32
    %dma_start3A_275 = tpu.memref_slice %arg5[%add3A_4, %dma_start3A_274] : memref<16384x1664xf32, #tpu.memory_space<hbm>> -> memref<16x128xf32, #tpu.memory_space<hbm>>
    %dma_start3A_276 = arith.constant 0 : i32
    %dma_start3A_277 = arith.constant 1536 : i32
    %dma_start3A_278 = tpu.memref_slice %arg7[%dma_start3A_276, %dma_start3A_277] : memref<16x1664xf32, #tpu.memory_space<vmem>> -> memref<16x128xf32, #tpu.memory_space<vmem>>
    tpu.enqueue_dma source(%dma_start3A_278 : memref<16x128xf32, #tpu.memory_space<vmem>>) target(%dma_start3A_275 : memref<16x128xf32, #tpu.memory_space<hbm>>) target_semaphore(%arg11 : memref<!tpu.dma_semaphore, #tpu.memory_space<semaphore_mem>>)
    %add3A_279 = arith.constant 16 : i32
    %add3A_280 = arith.addi %mul3A_2, %add3A_279 : i32
    %dma_start3A_281 = arith.constant 0 : i32
    %dma_start3A_282 = tpu.memref_slice %arg2[%add3A_280, %dma_start3A_281] : memref<16384x1664xf32, #tpu.memory_space<hbm>> -> memref<16x1664xf32, #tpu.memory_space<hbm>>
    %dma_start3A_283 = arith.constant 0 : i32
    %dma_start3A_284 = tpu.memref_slice %arg2[%add3A_280, %dma_start3A_283] : memref<16384x1664xf32, #tpu.memory_space<hbm>> -> memref<16x1664xf32, #tpu.memory_space<hbm>>
    tpu.enqueue_dma source(%dma_start3A_284 : memref<16x1664xf32, #tpu.memory_space<hbm>>) target(%arg8 : memref<16x1664xf32, #tpu.memory_space<vmem>>) target_semaphore(%arg10 : memref<!tpu.dma_semaphore, #tpu.memory_space<semaphore_mem>>)
    %dma_start3A_285 = arith.constant 0 : i32
    %dma_start3A_286 = tpu.memref_slice %arg3[%add3A_280, %dma_start3A_285] : memref<16384x1664xf32, #tpu.memory_space<hbm>> -> memref<16x1664xf32, #tpu.memory_space<hbm>>
    %dma_start3A_287 = arith.constant 0 : i32
    %dma_start3A_288 = tpu.memref_slice %arg3[%add3A_280, %dma_start3A_287] : memref<16384x1664xf32, #tpu.memory_space<hbm>> -> memref<16x1664xf32, #tpu.memory_space<hbm>>
    tpu.enqueue_dma source(%dma_start3A_288 : memref<16x1664xf32, #tpu.memory_space<hbm>>) target(%arg9 : memref<16x1664xf32, #tpu.memory_space<vmem>>) target_semaphore(%arg10 : memref<!tpu.dma_semaphore, #tpu.memory_space<semaphore_mem>>)
    %dma_wait3A_289 = arith.constant 0 : i32
    %dma_wait3A_290 = tpu.memref_slice %arg2[%add3A_280, %dma_wait3A_289] : memref<16384x1664xf32, #tpu.memory_space<hbm>> -> memref<16x1664xf32, #tpu.memory_space<hbm>>
    %dma_wait3A_291 = arith.constant 0 : i32
    %dma_wait3A_292 = tpu.memref_slice %arg2[%add3A_280, %dma_wait3A_291] : memref<16384x1664xf32, #tpu.memory_space<hbm>> -> memref<16x1664xf32, #tpu.memory_space<hbm>>
    tpu.wait_dma2 semaphore(%arg10 : memref<!tpu.dma_semaphore, #tpu.memory_space<semaphore_mem>>) src(%dma_wait3A_292 : memref<16x1664xf32, #tpu.memory_space<hbm>>) dst(%arg8 : memref<16x1664xf32, #tpu.memory_space<vmem>>)
    %dma_wait3A_293 = arith.constant 0 : i32
    %dma_wait3A_294 = tpu.memref_slice %arg3[%add3A_280, %dma_wait3A_293] : memref<16384x1664xf32, #tpu.memory_space<hbm>> -> memref<16x1664xf32, #tpu.memory_space<hbm>>
    %dma_wait3A_295 = arith.constant 0 : i32
    %dma_wait3A_296 = tpu.memref_slice %arg3[%add3A_280, %dma_wait3A_295] : memref<16384x1664xf32, #tpu.memory_space<hbm>> -> memref<16x1664xf32, #tpu.memory_space<hbm>>
    tpu.wait_dma2 semaphore(%arg10 : memref<!tpu.dma_semaphore, #tpu.memory_space<semaphore_mem>>) src(%dma_wait3A_296 : memref<16x1664xf32, #tpu.memory_space<hbm>>) dst(%arg9 : memref<16x1664xf32, #tpu.memory_space<vmem>>)
    %dma_start3A_297 = arith.constant 0 : i32
    %dma_start3A_298 = arith.constant 0 : i32
    %dma_start3A_299 = tpu.memref_slice %arg8[%dma_start3A_297, %dma_start3A_298] : memref<16x1664xf32, #tpu.memory_space<vmem>> -> memref<16x128xf32, #tpu.memory_space<vmem>>
    %dma_start3A_300 = arith.constant 0 : i32
    %dma_start3A_301 = tpu.memref_slice %arg4[%add3A_280, %dma_start3A_300] : memref<16384x1664xf32, #tpu.memory_space<hbm>> -> memref<16x128xf32, #tpu.memory_space<hbm>>
    %dma_start3A_302 = arith.constant 0 : i32
    %dma_start3A_303 = tpu.memref_slice %arg4[%add3A_280, %dma_start3A_302] : memref<16384x1664xf32, #tpu.memory_space<hbm>> -> memref<16x128xf32, #tpu.memory_space<hbm>>
    %dma_start3A_304 = arith.constant 0 : i32
    %dma_start3A_305 = arith.constant 0 : i32
    %dma_start3A_306 = tpu.memref_slice %arg8[%dma_start3A_304, %dma_start3A_305] : memref<16x1664xf32, #tpu.memory_space<vmem>> -> memref<16x128xf32, #tpu.memory_space<vmem>>
    tpu.enqueue_dma source(%dma_start3A_306 : memref<16x128xf32, #tpu.memory_space<vmem>>) target(%dma_start3A_303 : memref<16x128xf32, #tpu.memory_space<hbm>>) target_semaphore(%arg12 : memref<!tpu.dma_semaphore, #tpu.memory_space<semaphore_mem>>)
    %dma_start3A_307 = arith.constant 0 : i32
    %dma_start3A_308 = arith.constant 128 : i32
    %dma_start3A_309 = tpu.memref_slice %arg8[%dma_start3A_307, %dma_start3A_308] : memref<16x1664xf32, #tpu.memory_space<vmem>> -> memref<16x128xf32, #tpu.memory_space<vmem>>
    %dma_start3A_310 = arith.constant 0 : i32
    %dma_start3A_311 = tpu.memref_slice %arg5[%add3A_280, %dma_start3A_310] : memref<16384x1664xf32, #tpu.memory_space<hbm>> -> memref<16x128xf32, #tpu.memory_space<hbm>>
    %dma_start3A_312 = arith.constant 0 : i32
    %dma_start3A_313 = tpu.memref_slice %arg5[%add3A_280, %dma_start3A_312] : memref<16384x1664xf32, #tpu.memory_space<hbm>> -> memref<16x128xf32, #tpu.memory_space<hbm>>
    %dma_start3A_314 = arith.constant 0 : i32
    %dma_start3A_315 = arith.constant 128 : i32
    %dma_start3A_316 = tpu.memref_slice %arg8[%dma_start3A_314, %dma_start3A_315] : memref<16x1664xf32, #tpu.memory_space<vmem>> -> memref<16x128xf32, #tpu.memory_space<vmem>>
    tpu.enqueue_dma source(%dma_start3A_316 : memref<16x128xf32, #tpu.memory_space<vmem>>) target(%dma_start3A_313 : memref<16x128xf32, #tpu.memory_space<hbm>>) target_semaphore(%arg12 : memref<!tpu.dma_semaphore, #tpu.memory_space<semaphore_mem>>)
    %dma_start3A_317 = arith.constant 0 : i32
    %dma_start3A_318 = arith.constant 256 : i32
    %dma_start3A_319 = tpu.memref_slice %arg8[%dma_start3A_317, %dma_start3A_318] : memref<16x1664xf32, #tpu.memory_space<vmem>> -> memref<16x128xf32, #tpu.memory_space<vmem>>
    %dma_start3A_320 = arith.constant 128 : i32
    %dma_start3A_321 = tpu.memref_slice %arg4[%add3A_280, %dma_start3A_320] : memref<16384x1664xf32, #tpu.memory_space<hbm>> -> memref<16x128xf32, #tpu.memory_space<hbm>>
    %dma_start3A_322 = arith.constant 128 : i32
    %dma_start3A_323 = tpu.memref_slice %arg4[%add3A_280, %dma_start3A_322] : memref<16384x1664xf32, #tpu.memory_space<hbm>> -> memref<16x128xf32, #tpu.memory_space<hbm>>
    %dma_start3A_324 = arith.constant 0 : i32
    %dma_start3A_325 = arith.constant 256 : i32
    %dma_start3A_326 = tpu.memref_slice %arg8[%dma_start3A_324, %dma_start3A_325] : memref<16x1664xf32, #tpu.memory_space<vmem>> -> memref<16x128xf32, #tpu.memory_space<vmem>>
    tpu.enqueue_dma source(%dma_start3A_326 : memref<16x128xf32, #tpu.memory_space<vmem>>) target(%dma_start3A_323 : memref<16x128xf32, #tpu.memory_space<hbm>>) target_semaphore(%arg12 : memref<!tpu.dma_semaphore, #tpu.memory_space<semaphore_mem>>)
    %dma_start3A_327 = arith.constant 0 : i32
    %dma_start3A_328 = arith.constant 384 : i32
    %dma_start3A_329 = tpu.memref_slice %arg8[%dma_start3A_327, %dma_start3A_328] : memref<16x1664xf32, #tpu.memory_space<vmem>> -> memref<16x128xf32, #tpu.memory_space<vmem>>
    %dma_start3A_330 = arith.constant 128 : i32
    %dma_start3A_331 = tpu.memref_slice %arg5[%add3A_280, %dma_start3A_330] : memref<16384x1664xf32, #tpu.memory_space<hbm>> -> memref<16x128xf32, #tpu.memory_space<hbm>>
    %dma_start3A_332 = arith.constant 128 : i32
    %dma_start3A_333 = tpu.memref_slice %arg5[%add3A_280, %dma_start3A_332] : memref<16384x1664xf32, #tpu.memory_space<hbm>> -> memref<16x128xf32, #tpu.memory_space<hbm>>
    %dma_start3A_334 = arith.constant 0 : i32
    %dma_start3A_335 = arith.constant 384 : i32
    %dma_start3A_336 = tpu.memref_slice %arg8[%dma_start3A_334, %dma_start3A_335] : memref<16x1664xf32, #tpu.memory_space<vmem>> -> memref<16x128xf32, #tpu.memory_space<vmem>>
    tpu.enqueue_dma source(%dma_start3A_336 : memref<16x128xf32, #tpu.memory_space<vmem>>) target(%dma_start3A_333 : memref<16x128xf32, #tpu.memory_space<hbm>>) target_semaphore(%arg12 : memref<!tpu.dma_semaphore, #tpu.memory_space<semaphore_mem>>)
    %dma_start3A_337 = arith.constant 0 : i32
    %dma_start3A_338 = arith.constant 512 : i32
    %dma_start3A_339 = tpu.memref_slice %arg8[%dma_start3A_337, %dma_start3A_338] : memref<16x1664xf32, #tpu.memory_space<vmem>> -> memref<16x128xf32, #tpu.memory_space<vmem>>
    %dma_start3A_340 = arith.constant 256 : i32
    %dma_start3A_341 = tpu.memref_slice %arg4[%add3A_280, %dma_start3A_340] : memref<16384x1664xf32, #tpu.memory_space<hbm>> -> memref<16x128xf32, #tpu.memory_space<hbm>>
    %dma_start3A_342 = arith.constant 256 : i32
    %dma_start3A_343 = tpu.memref_slice %arg4[%add3A_280, %dma_start3A_342] : memref<16384x1664xf32, #tpu.memory_space<hbm>> -> memref<16x128xf32, #tpu.memory_space<hbm>>
    %dma_start3A_344 = arith.constant 0 : i32
    %dma_start3A_345 = arith.constant 512 : i32
    %dma_start3A_346 = tpu.memref_slice %arg8[%dma_start3A_344, %dma_start3A_345] : memref<16x1664xf32, #tpu.memory_space<vmem>> -> memref<16x128xf32, #tpu.memory_space<vmem>>
    tpu.enqueue_dma source(%dma_start3A_346 : memref<16x128xf32, #tpu.memory_space<vmem>>) target(%dma_start3A_343 : memref<16x128xf32, #tpu.memory_space<hbm>>) target_semaphore(%arg12 : memref<!tpu.dma_semaphore, #tpu.memory_space<semaphore_mem>>)
    %dma_start3A_347 = arith.constant 0 : i32
    %dma_start3A_348 = arith.constant 640 : i32
    %dma_start3A_349 = tpu.memref_slice %arg8[%dma_start3A_347, %dma_start3A_348] : memref<16x1664xf32, #tpu.memory_space<vmem>> -> memref<16x128xf32, #tpu.memory_space<vmem>>
    %dma_start3A_350 = arith.constant 256 : i32
    %dma_start3A_351 = tpu.memref_slice %arg5[%add3A_280, %dma_start3A_350] : memref<16384x1664xf32, #tpu.memory_space<hbm>> -> memref<16x128xf32, #tpu.memory_space<hbm>>
    %dma_start3A_352 = arith.constant 256 : i32
    %dma_start3A_353 = tpu.memref_slice %arg5[%add3A_280, %dma_start3A_352] : memref<16384x1664xf32, #tpu.memory_space<hbm>> -> memref<16x128xf32, #tpu.memory_space<hbm>>
    %dma_start3A_354 = arith.constant 0 : i32
    %dma_start3A_355 = arith.constant 640 : i32
    %dma_start3A_356 = tpu.memref_slice %arg8[%dma_start3A_354, %dma_start3A_355] : memref<16x1664xf32, #tpu.memory_space<vmem>> -> memref<16x128xf32, #tpu.memory_space<vmem>>
    tpu.enqueue_dma source(%dma_start3A_356 : memref<16x128xf32, #tpu.memory_space<vmem>>) target(%dma_start3A_353 : memref<16x128xf32, #tpu.memory_space<hbm>>) target_semaphore(%arg12 : memref<!tpu.dma_semaphore, #tpu.memory_space<semaphore_mem>>)
    %dma_start3A_357 = arith.constant 0 : i32
    %dma_start3A_358 = arith.constant 768 : i32
    %dma_start3A_359 = tpu.memref_slice %arg8[%dma_start3A_357, %dma_start3A_358] : memref<16x1664xf32, #tpu.memory_space<vmem>> -> memref<16x128xf32, #tpu.memory_space<vmem>>
    %dma_start3A_360 = arith.constant 384 : i32
    %dma_start3A_361 = tpu.memref_slice %arg4[%add3A_280, %dma_start3A_360] : memref<16384x1664xf32, #tpu.memory_space<hbm>> -> memref<16x128xf32, #tpu.memory_space<hbm>>
    %dma_start3A_362 = arith.constant 384 : i32
    %dma_start3A_363 = tpu.memref_slice %arg4[%add3A_280, %dma_start3A_362] : memref<16384x1664xf32, #tpu.memory_space<hbm>> -> memref<16x128xf32, #tpu.memory_space<hbm>>
    %dma_start3A_364 = arith.constant 0 : i32
    %dma_start3A_365 = arith.constant 768 : i32
    %dma_start3A_366 = tpu.memref_slice %arg8[%dma_start3A_364, %dma_start3A_365] : memref<16x1664xf32, #tpu.memory_space<vmem>> -> memref<16x128xf32, #tpu.memory_space<vmem>>
    tpu.enqueue_dma source(%dma_start3A_366 : memref<16x128xf32, #tpu.memory_space<vmem>>) target(%dma_start3A_363 : memref<16x128xf32, #tpu.memory_space<hbm>>) target_semaphore(%arg12 : memref<!tpu.dma_semaphore, #tpu.memory_space<semaphore_mem>>)
    %dma_start3A_367 = arith.constant 0 : i32
    %dma_start3A_368 = arith.constant 896 : i32
    %dma_start3A_369 = tpu.memref_slice %arg8[%dma_start3A_367, %dma_start3A_368] : memref<16x1664xf32, #tpu.memory_space<vmem>> -> memref<16x128xf32, #tpu.memory_space<vmem>>
    %dma_start3A_370 = arith.constant 384 : i32
    %dma_start3A_371 = tpu.memref_slice %arg5[%add3A_280, %dma_start3A_370] : memref<16384x1664xf32, #tpu.memory_space<hbm>> -> memref<16x128xf32, #tpu.memory_space<hbm>>
    %dma_start3A_372 = arith.constant 384 : i32
    %dma_start3A_373 = tpu.memref_slice %arg5[%add3A_280, %dma_start3A_372] : memref<16384x1664xf32, #tpu.memory_space<hbm>> -> memref<16x128xf32, #tpu.memory_space<hbm>>
    %dma_start3A_374 = arith.constant 0 : i32
    %dma_start3A_375 = arith.constant 896 : i32
    %dma_start3A_376 = tpu.memref_slice %arg8[%dma_start3A_374, %dma_start3A_375] : memref<16x1664xf32, #tpu.memory_space<vmem>> -> memref<16x128xf32, #tpu.memory_space<vmem>>
    tpu.enqueue_dma source(%dma_start3A_376 : memref<16x128xf32, #tpu.memory_space<vmem>>) target(%dma_start3A_373 : memref<16x128xf32, #tpu.memory_space<hbm>>) target_semaphore(%arg12 : memref<!tpu.dma_semaphore, #tpu.memory_space<semaphore_mem>>)
    %dma_start3A_377 = arith.constant 0 : i32
    %dma_start3A_378 = arith.constant 1024 : i32
    %dma_start3A_379 = tpu.memref_slice %arg8[%dma_start3A_377, %dma_start3A_378] : memref<16x1664xf32, #tpu.memory_space<vmem>> -> memref<16x128xf32, #tpu.memory_space<vmem>>
    %dma_start3A_380 = arith.constant 512 : i32
    %dma_start3A_381 = tpu.memref_slice %arg4[%add3A_280, %dma_start3A_380] : memref<16384x1664xf32, #tpu.memory_space<hbm>> -> memref<16x128xf32, #tpu.memory_space<hbm>>
    %dma_start3A_382 = arith.constant 512 : i32
    %dma_start3A_383 = tpu.memref_slice %arg4[%add3A_280, %dma_start3A_382] : memref<16384x1664xf32, #tpu.memory_space<hbm>> -> memref<16x128xf32, #tpu.memory_space<hbm>>
    %dma_start3A_384 = arith.constant 0 : i32
    %dma_start3A_385 = arith.constant 1024 : i32
    %dma_start3A_386 = tpu.memref_slice %arg8[%dma_start3A_384, %dma_start3A_385] : memref<16x1664xf32, #tpu.memory_space<vmem>> -> memref<16x128xf32, #tpu.memory_space<vmem>>
    tpu.enqueue_dma source(%dma_start3A_386 : memref<16x128xf32, #tpu.memory_space<vmem>>) target(%dma_start3A_383 : memref<16x128xf32, #tpu.memory_space<hbm>>) target_semaphore(%arg12 : memref<!tpu.dma_semaphore, #tpu.memory_space<semaphore_mem>>)
    %dma_start3A_387 = arith.constant 0 : i32
    %dma_start3A_388 = arith.constant 1152 : i32
    %dma_start3A_389 = tpu.memref_slice %arg8[%dma_start3A_387, %dma_start3A_388] : memref<16x1664xf32, #tpu.memory_space<vmem>> -> memref<16x128xf32, #tpu.memory_space<vmem>>
    %dma_start3A_390 = arith.constant 512 : i32
    %dma_start3A_391 = tpu.memref_slice %arg5[%add3A_280, %dma_start3A_390] : memref<16384x1664xf32, #tpu.memory_space<hbm>> -> memref<16x128xf32, #tpu.memory_space<hbm>>
    %dma_start3A_392 = arith.constant 512 : i32
    %dma_start3A_393 = tpu.memref_slice %arg5[%add3A_280, %dma_start3A_392] : memref<16384x1664xf32, #tpu.memory_space<hbm>> -> memref<16x128xf32, #tpu.memory_space<hbm>>
    %dma_start3A_394 = arith.constant 0 : i32
    %dma_start3A_395 = arith.constant 1152 : i32
    %dma_start3A_396 = tpu.memref_slice %arg8[%dma_start3A_394, %dma_start3A_395] : memref<16x1664xf32, #tpu.memory_space<vmem>> -> memref<16x128xf32, #tpu.memory_space<vmem>>
    tpu.enqueue_dma source(%dma_start3A_396 : memref<16x128xf32, #tpu.memory_space<vmem>>) target(%dma_start3A_393 : memref<16x128xf32, #tpu.memory_space<hbm>>) target_semaphore(%arg12 : memref<!tpu.dma_semaphore, #tpu.memory_space<semaphore_mem>>)
    %dma_start3A_397 = arith.constant 0 : i32
    %dma_start3A_398 = arith.constant 1280 : i32
    %dma_start3A_399 = tpu.memref_slice %arg8[%dma_start3A_397, %dma_start3A_398] : memref<16x1664xf32, #tpu.memory_space<vmem>> -> memref<16x128xf32, #tpu.memory_space<vmem>>
    %dma_start3A_400 = arith.constant 640 : i32
    %dma_start3A_401 = tpu.memref_slice %arg4[%add3A_280, %dma_start3A_400] : memref<16384x1664xf32, #tpu.memory_space<hbm>> -> memref<16x128xf32, #tpu.memory_space<hbm>>
    %dma_start3A_402 = arith.constant 640 : i32
    %dma_start3A_403 = tpu.memref_slice %arg4[%add3A_280, %dma_start3A_402] : memref<16384x1664xf32, #tpu.memory_space<hbm>> -> memref<16x128xf32, #tpu.memory_space<hbm>>
    %dma_start3A_404 = arith.constant 0 : i32
    %dma_start3A_405 = arith.constant 1280 : i32
    %dma_start3A_406 = tpu.memref_slice %arg8[%dma_start3A_404, %dma_start3A_405] : memref<16x1664xf32, #tpu.memory_space<vmem>> -> memref<16x128xf32, #tpu.memory_space<vmem>>
    tpu.enqueue_dma source(%dma_start3A_406 : memref<16x128xf32, #tpu.memory_space<vmem>>) target(%dma_start3A_403 : memref<16x128xf32, #tpu.memory_space<hbm>>) target_semaphore(%arg12 : memref<!tpu.dma_semaphore, #tpu.memory_space<semaphore_mem>>)
    %dma_start3A_407 = arith.constant 0 : i32
    %dma_start3A_408 = arith.constant 1408 : i32
    %dma_start3A_409 = tpu.memref_slice %arg8[%dma_start3A_407, %dma_start3A_408] : memref<16x1664xf32, #tpu.memory_space<vmem>> -> memref<16x128xf32, #tpu.memory_space<vmem>>
    %dma_start3A_410 = arith.constant 640 : i32
    %dma_start3A_411 = tpu.memref_slice %arg5[%add3A_280, %dma_start3A_410] : memref<16384x1664xf32, #tpu.memory_space<hbm>> -> memref<16x128xf32, #tpu.memory_space<hbm>>
    %dma_start3A_412 = arith.constant 640 : i32
    %dma_start3A_413 = tpu.memref_slice %arg5[%add3A_280, %dma_start3A_412] : memref<16384x1664xf32, #tpu.memory_space<hbm>> -> memref<16x128xf32, #tpu.memory_space<hbm>>
    %dma_start3A_414 = arith.constant 0 : i32
    %dma_start3A_415 = arith.constant 1408 : i32
    %dma_start3A_416 = tpu.memref_slice %arg8[%dma_start3A_414, %dma_start3A_415] : memref<16x1664xf32, #tpu.memory_space<vmem>> -> memref<16x128xf32, #tpu.memory_space<vmem>>
    tpu.enqueue_dma source(%dma_start3A_416 : memref<16x128xf32, #tpu.memory_space<vmem>>) target(%dma_start3A_413 : memref<16x128xf32, #tpu.memory_space<hbm>>) target_semaphore(%arg12 : memref<!tpu.dma_semaphore, #tpu.memory_space<semaphore_mem>>)
    %dma_start3A_417 = arith.constant 0 : i32
    %dma_start3A_418 = arith.constant 1536 : i32
    %dma_start3A_419 = tpu.memref_slice %arg8[%dma_start3A_417, %dma_start3A_418] : memref<16x1664xf32, #tpu.memory_space<vmem>> -> memref<16x128xf32, #tpu.memory_space<vmem>>
    %dma_start3A_420 = arith.constant 768 : i32
    %dma_start3A_421 = tpu.memref_slice %arg4[%add3A_280, %dma_start3A_420] : memref<16384x1664xf32, #tpu.memory_space<hbm>> -> memref<16x128xf32, #tpu.memory_space<hbm>>
    %dma_start3A_422 = arith.constant 768 : i32
    %dma_start3A_423 = tpu.memref_slice %arg4[%add3A_280, %dma_start3A_422] : memref<16384x1664xf32, #tpu.memory_space<hbm>> -> memref<16x128xf32, #tpu.memory_space<hbm>>
    %dma_start3A_424 = arith.constant 0 : i32
    %dma_start3A_425 = arith.constant 1536 : i32
    %dma_start3A_426 = tpu.memref_slice %arg8[%dma_start3A_424, %dma_start3A_425] : memref<16x1664xf32, #tpu.memory_space<vmem>> -> memref<16x128xf32, #tpu.memory_space<vmem>>
    tpu.enqueue_dma source(%dma_start3A_426 : memref<16x128xf32, #tpu.memory_space<vmem>>) target(%dma_start3A_423 : memref<16x128xf32, #tpu.memory_space<hbm>>) target_semaphore(%arg12 : memref<!tpu.dma_semaphore, #tpu.memory_space<semaphore_mem>>)
    %dma_start3A_427 = arith.constant 0 : i32
    %dma_start3A_428 = arith.constant 0 : i32
    %dma_start3A_429 = tpu.memref_slice %arg9[%dma_start3A_427, %dma_start3A_428] : memref<16x1664xf32, #tpu.memory_space<vmem>> -> memref<16x128xf32, #tpu.memory_space<vmem>>
    %dma_start3A_430 = arith.constant 768 : i32
    %dma_start3A_431 = tpu.memref_slice %arg5[%add3A_280, %dma_start3A_430] : memref<16384x1664xf32, #tpu.memory_space<hbm>> -> memref<16x128xf32, #tpu.memory_space<hbm>>
    %dma_start3A_432 = arith.constant 768 : i32
    %dma_start3A_433 = tpu.memref_slice %arg5[%add3A_280, %dma_start3A_432] : memref<16384x1664xf32, #tpu.memory_space<hbm>> -> memref<16x128xf32, #tpu.memory_space<hbm>>
    %dma_start3A_434 = arith.constant 0 : i32
    %dma_start3A_435 = arith.constant 0 : i32
    %dma_start3A_436 = tpu.memref_slice %arg9[%dma_start3A_434, %dma_start3A_435] : memref<16x1664xf32, #tpu.memory_space<vmem>> -> memref<16x128xf32, #tpu.memory_space<vmem>>
    tpu.enqueue_dma source(%dma_start3A_436 : memref<16x128xf32, #tpu.memory_space<vmem>>) target(%dma_start3A_433 : memref<16x128xf32, #tpu.memory_space<hbm>>) target_semaphore(%arg12 : memref<!tpu.dma_semaphore, #tpu.memory_space<semaphore_mem>>)
    %dma_start3A_437 = arith.constant 0 : i32
    %dma_start3A_438 = arith.constant 128 : i32
    %dma_start3A_439 = tpu.memref_slice %arg9[%dma_start3A_437, %dma_start3A_438] : memref<16x1664xf32, #tpu.memory_space<vmem>> -> memref<16x128xf32, #tpu.memory_space<vmem>>
    %dma_start3A_440 = arith.constant 896 : i32
    %dma_start3A_441 = tpu.memref_slice %arg4[%add3A_280, %dma_start3A_440] : memref<16384x1664xf32, #tpu.memory_space<hbm>> -> memref<16x128xf32, #tpu.memory_space<hbm>>
    %dma_start3A_442 = arith.constant 896 : i32
    %dma_start3A_443 = tpu.memref_slice %arg4[%add3A_280, %dma_start3A_442] : memref<16384x1664xf32, #tpu.memory_space<hbm>> -> memref<16x128xf32, #tpu.memory_space<hbm>>
    %dma_start3A_444 = arith.constant 0 : i32
    %dma_start3A_445 = arith.constant 128 : i32
    %dma_start3A_446 = tpu.memref_slice %arg9[%dma_start3A_444, %dma_start3A_445] : memref<16x1664xf32, #tpu.memory_space<vmem>> -> memref<16x128xf32, #tpu.memory_space<vmem>>
    tpu.enqueue_dma source(%dma_start3A_446 : memref<16x128xf32, #tpu.memory_space<vmem>>) target(%dma_start3A_443 : memref<16x128xf32, #tpu.memory_space<hbm>>) target_semaphore(%arg12 : memref<!tpu.dma_semaphore, #tpu.memory_space<semaphore_mem>>)
    %dma_start3A_447 = arith.constant 0 : i32
    %dma_start3A_448 = arith.constant 256 : i32
    %dma_start3A_449 = tpu.memref_slice %arg9[%dma_start3A_447, %dma_start3A_448] : memref<16x1664xf32, #tpu.memory_space<vmem>> -> memref<16x128xf32, #tpu.memory_space<vmem>>
    %dma_start3A_450 = arith.constant 896 : i32
    %dma_start3A_451 = tpu.memref_slice %arg5[%add3A_280, %dma_start3A_450] : memref<16384x1664xf32, #tpu.memory_space<hbm>> -> memref<16x128xf32, #tpu.memory_space<hbm>>
    %dma_start3A_452 = arith.constant 896 : i32
    %dma_start3A_453 = tpu.memref_slice %arg5[%add3A_280, %dma_start3A_452] : memref<16384x1664xf32, #tpu.memory_space<hbm>> -> memref<16x128xf32, #tpu.memory_space<hbm>>
    %dma_start3A_454 = arith.constant 0 : i32
    %dma_start3A_455 = arith.constant 256 : i32
    %dma_start3A_456 = tpu.memref_slice %arg9[%dma_start3A_454, %dma_start3A_455] : memref<16x1664xf32, #tpu.memory_space<vmem>> -> memref<16x128xf32, #tpu.memory_space<vmem>>
    tpu.enqueue_dma source(%dma_start3A_456 : memref<16x128xf32, #tpu.memory_space<vmem>>) target(%dma_start3A_453 : memref<16x128xf32, #tpu.memory_space<hbm>>) target_semaphore(%arg12 : memref<!tpu.dma_semaphore, #tpu.memory_space<semaphore_mem>>)
    %dma_start3A_457 = arith.constant 0 : i32
    %dma_start3A_458 = arith.constant 384 : i32
    %dma_start3A_459 = tpu.memref_slice %arg9[%dma_start3A_457, %dma_start3A_458] : memref<16x1664xf32, #tpu.memory_space<vmem>> -> memref<16x128xf32, #tpu.memory_space<vmem>>
    %dma_start3A_460 = arith.constant 1024 : i32
    %dma_start3A_461 = tpu.memref_slice %arg4[%add3A_280, %dma_start3A_460] : memref<16384x1664xf32, #tpu.memory_space<hbm>> -> memref<16x128xf32, #tpu.memory_space<hbm>>
    %dma_start3A_462 = arith.constant 1024 : i32
    %dma_start3A_463 = tpu.memref_slice %arg4[%add3A_280, %dma_start3A_462] : memref<16384x1664xf32, #tpu.memory_space<hbm>> -> memref<16x128xf32, #tpu.memory_space<hbm>>
    %dma_start3A_464 = arith.constant 0 : i32
    %dma_start3A_465 = arith.constant 384 : i32
    %dma_start3A_466 = tpu.memref_slice %arg9[%dma_start3A_464, %dma_start3A_465] : memref<16x1664xf32, #tpu.memory_space<vmem>> -> memref<16x128xf32, #tpu.memory_space<vmem>>
    tpu.enqueue_dma source(%dma_start3A_466 : memref<16x128xf32, #tpu.memory_space<vmem>>) target(%dma_start3A_463 : memref<16x128xf32, #tpu.memory_space<hbm>>) target_semaphore(%arg12 : memref<!tpu.dma_semaphore, #tpu.memory_space<semaphore_mem>>)
    %dma_start3A_467 = arith.constant 0 : i32
    %dma_start3A_468 = arith.constant 512 : i32
    %dma_start3A_469 = tpu.memref_slice %arg9[%dma_start3A_467, %dma_start3A_468] : memref<16x1664xf32, #tpu.memory_space<vmem>> -> memref<16x128xf32, #tpu.memory_space<vmem>>
    %dma_start3A_470 = arith.constant 1024 : i32
    %dma_start3A_471 = tpu.memref_slice %arg5[%add3A_280, %dma_start3A_470] : memref<16384x1664xf32, #tpu.memory_space<hbm>> -> memref<16x128xf32, #tpu.memory_space<hbm>>
    %dma_start3A_472 = arith.constant 1024 : i32
    %dma_start3A_473 = tpu.memref_slice %arg5[%add3A_280, %dma_start3A_472] : memref<16384x1664xf32, #tpu.memory_space<hbm>> -> memref<16x128xf32, #tpu.memory_space<hbm>>
    %dma_start3A_474 = arith.constant 0 : i32
    %dma_start3A_475 = arith.constant 512 : i32
    %dma_start3A_476 = tpu.memref_slice %arg9[%dma_start3A_474, %dma_start3A_475] : memref<16x1664xf32, #tpu.memory_space<vmem>> -> memref<16x128xf32, #tpu.memory_space<vmem>>
    tpu.enqueue_dma source(%dma_start3A_476 : memref<16x128xf32, #tpu.memory_space<vmem>>) target(%dma_start3A_473 : memref<16x128xf32, #tpu.memory_space<hbm>>) target_semaphore(%arg12 : memref<!tpu.dma_semaphore, #tpu.memory_space<semaphore_mem>>)
    %dma_start3A_477 = arith.constant 0 : i32
    %dma_start3A_478 = arith.constant 640 : i32
    %dma_start3A_479 = tpu.memref_slice %arg9[%dma_start3A_477, %dma_start3A_478] : memref<16x1664xf32, #tpu.memory_space<vmem>> -> memref<16x128xf32, #tpu.memory_space<vmem>>
    %dma_start3A_480 = arith.constant 1152 : i32
    %dma_start3A_481 = tpu.memref_slice %arg4[%add3A_280, %dma_start3A_480] : memref<16384x1664xf32, #tpu.memory_space<hbm>> -> memref<16x128xf32, #tpu.memory_space<hbm>>
    %dma_start3A_482 = arith.constant 1152 : i32
    %dma_start3A_483 = tpu.memref_slice %arg4[%add3A_280, %dma_start3A_482] : memref<16384x1664xf32, #tpu.memory_space<hbm>> -> memref<16x128xf32, #tpu.memory_space<hbm>>
    %dma_start3A_484 = arith.constant 0 : i32
    %dma_start3A_485 = arith.constant 640 : i32
    %dma_start3A_486 = tpu.memref_slice %arg9[%dma_start3A_484, %dma_start3A_485] : memref<16x1664xf32, #tpu.memory_space<vmem>> -> memref<16x128xf32, #tpu.memory_space<vmem>>
    tpu.enqueue_dma source(%dma_start3A_486 : memref<16x128xf32, #tpu.memory_space<vmem>>) target(%dma_start3A_483 : memref<16x128xf32, #tpu.memory_space<hbm>>) target_semaphore(%arg12 : memref<!tpu.dma_semaphore, #tpu.memory_space<semaphore_mem>>)
    %dma_start3A_487 = arith.constant 0 : i32
    %dma_start3A_488 = arith.constant 768 : i32
    %dma_start3A_489 = tpu.memref_slice %arg9[%dma_start3A_487, %dma_start3A_488] : memref<16x1664xf32, #tpu.memory_space<vmem>> -> memref<16x128xf32, #tpu.memory_space<vmem>>
    %dma_start3A_490 = arith.constant 1152 : i32
    %dma_start3A_491 = tpu.memref_slice %arg5[%add3A_280, %dma_start3A_490] : memref<16384x1664xf32, #tpu.memory_space<hbm>> -> memref<16x128xf32, #tpu.memory_space<hbm>>
    %dma_start3A_492 = arith.constant 1152 : i32
    %dma_start3A_493 = tpu.memref_slice %arg5[%add3A_280, %dma_start3A_492] : memref<16384x1664xf32, #tpu.memory_space<hbm>> -> memref<16x128xf32, #tpu.memory_space<hbm>>
    %dma_start3A_494 = arith.constant 0 : i32
    %dma_start3A_495 = arith.constant 768 : i32
    %dma_start3A_496 = tpu.memref_slice %arg9[%dma_start3A_494, %dma_start3A_495] : memref<16x1664xf32, #tpu.memory_space<vmem>> -> memref<16x128xf32, #tpu.memory_space<vmem>>
    tpu.enqueue_dma source(%dma_start3A_496 : memref<16x128xf32, #tpu.memory_space<vmem>>) target(%dma_start3A_493 : memref<16x128xf32, #tpu.memory_space<hbm>>) target_semaphore(%arg12 : memref<!tpu.dma_semaphore, #tpu.memory_space<semaphore_mem>>)
    %dma_start3A_497 = arith.constant 0 : i32
    %dma_start3A_498 = arith.constant 896 : i32
    %dma_start3A_499 = tpu.memref_slice %arg9[%dma_start3A_497, %dma_start3A_498] : memref<16x1664xf32, #tpu.memory_space<vmem>> -> memref<16x128xf32, #tpu.memory_space<vmem>>
    %dma_start3A_500 = arith.constant 1280 : i32
    %dma_start3A_501 = tpu.memref_slice %arg4[%add3A_280, %dma_start3A_500] : memref<16384x1664xf32, #tpu.memory_space<hbm>> -> memref<16x128xf32, #tpu.memory_space<hbm>>
    %dma_start3A_502 = arith.constant 1280 : i32
    %dma_start3A_503 = tpu.memref_slice %arg4[%add3A_280, %dma_start3A_502] : memref<16384x1664xf32, #tpu.memory_space<hbm>> -> memref<16x128xf32, #tpu.memory_space<hbm>>
    %dma_start3A_504 = arith.constant 0 : i32
    %dma_start3A_505 = arith.constant 896 : i32
    %dma_start3A_506 = tpu.memref_slice %arg9[%dma_start3A_504, %dma_start3A_505] : memref<16x1664xf32, #tpu.memory_space<vmem>> -> memref<16x128xf32, #tpu.memory_space<vmem>>
    tpu.enqueue_dma source(%dma_start3A_506 : memref<16x128xf32, #tpu.memory_space<vmem>>) target(%dma_start3A_503 : memref<16x128xf32, #tpu.memory_space<hbm>>) target_semaphore(%arg12 : memref<!tpu.dma_semaphore, #tpu.memory_space<semaphore_mem>>)
    %dma_start3A_507 = arith.constant 0 : i32
    %dma_start3A_508 = arith.constant 1024 : i32
    %dma_start3A_509 = tpu.memref_slice %arg9[%dma_start3A_507, %dma_start3A_508] : memref<16x1664xf32, #tpu.memory_space<vmem>> -> memref<16x128xf32, #tpu.memory_space<vmem>>
    %dma_start3A_510 = arith.constant 1280 : i32
    %dma_start3A_511 = tpu.memref_slice %arg5[%add3A_280, %dma_start3A_510] : memref<16384x1664xf32, #tpu.memory_space<hbm>> -> memref<16x128xf32, #tpu.memory_space<hbm>>
    %dma_start3A_512 = arith.constant 1280 : i32
    %dma_start3A_513 = tpu.memref_slice %arg5[%add3A_280, %dma_start3A_512] : memref<16384x1664xf32, #tpu.memory_space<hbm>> -> memref<16x128xf32, #tpu.memory_space<hbm>>
    %dma_start3A_514 = arith.constant 0 : i32
    %dma_start3A_515 = arith.constant 1024 : i32
    %dma_start3A_516 = tpu.memref_slice %arg9[%dma_start3A_514, %dma_start3A_515] : memref<16x1664xf32, #tpu.memory_space<vmem>> -> memref<16x128xf32, #tpu.memory_space<vmem>>
    tpu.enqueue_dma source(%dma_start3A_516 : memref<16x128xf32, #tpu.memory_space<vmem>>) target(%dma_start3A_513 : memref<16x128xf32, #tpu.memory_space<hbm>>) target_semaphore(%arg12 : memref<!tpu.dma_semaphore, #tpu.memory_space<semaphore_mem>>)
    %dma_start3A_517 = arith.constant 0 : i32
    %dma_start3A_518 = arith.constant 1152 : i32
    %dma_start3A_519 = tpu.memref_slice %arg9[%dma_start3A_517, %dma_start3A_518] : memref<16x1664xf32, #tpu.memory_space<vmem>> -> memref<16x128xf32, #tpu.memory_space<vmem>>
    %dma_start3A_520 = arith.constant 1408 : i32
    %dma_start3A_521 = tpu.memref_slice %arg4[%add3A_280, %dma_start3A_520] : memref<16384x1664xf32, #tpu.memory_space<hbm>> -> memref<16x128xf32, #tpu.memory_space<hbm>>
    %dma_start3A_522 = arith.constant 1408 : i32
    %dma_start3A_523 = tpu.memref_slice %arg4[%add3A_280, %dma_start3A_522] : memref<16384x1664xf32, #tpu.memory_space<hbm>> -> memref<16x128xf32, #tpu.memory_space<hbm>>
    %dma_start3A_524 = arith.constant 0 : i32
    %dma_start3A_525 = arith.constant 1152 : i32
    %dma_start3A_526 = tpu.memref_slice %arg9[%dma_start3A_524, %dma_start3A_525] : memref<16x1664xf32, #tpu.memory_space<vmem>> -> memref<16x128xf32, #tpu.memory_space<vmem>>
    tpu.enqueue_dma source(%dma_start3A_526 : memref<16x128xf32, #tpu.memory_space<vmem>>) target(%dma_start3A_523 : memref<16x128xf32, #tpu.memory_space<hbm>>) target_semaphore(%arg12 : memref<!tpu.dma_semaphore, #tpu.memory_space<semaphore_mem>>)
    %dma_start3A_527 = arith.constant 0 : i32
    %dma_start3A_528 = arith.constant 1280 : i32
    %dma_start3A_529 = tpu.memref_slice %arg9[%dma_start3A_527, %dma_start3A_528] : memref<16x1664xf32, #tpu.memory_space<vmem>> -> memref<16x128xf32, #tpu.memory_space<vmem>>
    %dma_start3A_530 = arith.constant 1408 : i32
    %dma_start3A_531 = tpu.memref_slice %arg5[%add3A_280, %dma_start3A_530] : memref<16384x1664xf32, #tpu.memory_space<hbm>> -> memref<16x128xf32, #tpu.memory_space<hbm>>
    %dma_start3A_532 = arith.constant 1408 : i32
    %dma_start3A_533 = tpu.memref_slice %arg5[%add3A_280, %dma_start3A_532] : memref<16384x1664xf32, #tpu.memory_space<hbm>> -> memref<16x128xf32, #tpu.memory_space<hbm>>
    %dma_start3A_534 = arith.constant 0 : i32
    %dma_start3A_535 = arith.constant 1280 : i32
    %dma_start3A_536 = tpu.memref_slice %arg9[%dma_start3A_534, %dma_start3A_535] : memref<16x1664xf32, #tpu.memory_space<vmem>> -> memref<16x128xf32, #tpu.memory_space<vmem>>
    tpu.enqueue_dma source(%dma_start3A_536 : memref<16x128xf32, #tpu.memory_space<vmem>>) target(%dma_start3A_533 : memref<16x128xf32, #tpu.memory_space<hbm>>) target_semaphore(%arg12 : memref<!tpu.dma_semaphore, #tpu.memory_space<semaphore_mem>>)
    %dma_start3A_537 = arith.constant 0 : i32
    %dma_start3A_538 = arith.constant 1408 : i32
    %dma_start3A_539 = tpu.memref_slice %arg9[%dma_start3A_537, %dma_start3A_538] : memref<16x1664xf32, #tpu.memory_space<vmem>> -> memref<16x128xf32, #tpu.memory_space<vmem>>
    %dma_start3A_540 = arith.constant 1536 : i32
    %dma_start3A_541 = tpu.memref_slice %arg4[%add3A_280, %dma_start3A_540] : memref<16384x1664xf32, #tpu.memory_space<hbm>> -> memref<16x128xf32, #tpu.memory_space<hbm>>
    %dma_start3A_542 = arith.constant 1536 : i32
    %dma_start3A_543 = tpu.memref_slice %arg4[%add3A_280, %dma_start3A_542] : memref<16384x1664xf32, #tpu.memory_space<hbm>> -> memref<16x128xf32, #tpu.memory_space<hbm>>
    %dma_start3A_544 = arith.constant 0 : i32
    %dma_start3A_545 = arith.constant 1408 : i32
    %dma_start3A_546 = tpu.memref_slice %arg9[%dma_start3A_544, %dma_start3A_545] : memref<16x1664xf32, #tpu.memory_space<vmem>> -> memref<16x128xf32, #tpu.memory_space<vmem>>
    tpu.enqueue_dma source(%dma_start3A_546 : memref<16x128xf32, #tpu.memory_space<vmem>>) target(%dma_start3A_543 : memref<16x128xf32, #tpu.memory_space<hbm>>) target_semaphore(%arg12 : memref<!tpu.dma_semaphore, #tpu.memory_space<semaphore_mem>>)
    %dma_start3A_547 = arith.constant 0 : i32
    %dma_start3A_548 = arith.constant 1536 : i32
    %dma_start3A_549 = tpu.memref_slice %arg9[%dma_start3A_547, %dma_start3A_548] : memref<16x1664xf32, #tpu.memory_space<vmem>> -> memref<16x128xf32, #tpu.memory_space<vmem>>
    %dma_start3A_550 = arith.constant 1536 : i32
    %dma_start3A_551 = tpu.memref_slice %arg5[%add3A_280, %dma_start3A_550] : memref<16384x1664xf32, #tpu.memory_space<hbm>> -> memref<16x128xf32, #tpu.memory_space<hbm>>
    %dma_start3A_552 = arith.constant 1536 : i32
    %dma_start3A_553 = tpu.memref_slice %arg5[%add3A_280, %dma_start3A_552] : memref<16384x1664xf32, #tpu.memory_space<hbm>> -> memref<16x128xf32, #tpu.memory_space<hbm>>
    %dma_start3A_554 = arith.constant 0 : i32
    %dma_start3A_555 = arith.constant 1536 : i32
    %dma_start3A_556 = tpu.memref_slice %arg9[%dma_start3A_554, %dma_start3A_555] : memref<16x1664xf32, #tpu.memory_space<vmem>> -> memref<16x128xf32, #tpu.memory_space<vmem>>
    tpu.enqueue_dma source(%dma_start3A_556 : memref<16x128xf32, #tpu.memory_space<vmem>>) target(%dma_start3A_553 : memref<16x128xf32, #tpu.memory_space<hbm>>) target_semaphore(%arg12 : memref<!tpu.dma_semaphore, #tpu.memory_space<semaphore_mem>>)
    %scan3A = arith.constant 0 : i32
    %scan3A_557 = arith.constant 1 : i32
    %scan3A_558 = arith.constant 15 : i32
    %scan3A_559 = arith.addi %scan3A_557, %scan3A_558 : i32
    %scan3A_560 = arith.constant 1 : i32
    scf.for %scan3A_578 = %scan3A_557 to %scan3A_559 step %scan3A_560  : i32 {
      %mul3A_579 = arith.constant 2 : i32
      %mul3A_580 = arith.muli %mul3A_579, %scan3A_578 : i32
      %mul3A_581 = arith.constant 16 : i32
      %mul3A_582 = arith.muli %mul3A_580, %mul3A_581 : i32
      %add3A_583 = arith.addi %mul3A_2, %mul3A_582 : i32
      %mul3A_584 = arith.constant 2 : i32
      %mul3A_585 = arith.muli %mul3A_584, %scan3A_578 : i32
      %add3A_586 = arith.constant 1 : i32
      %add3A_587 = arith.addi %mul3A_585, %add3A_586 : i32
      %mul3A_588 = arith.constant 16 : i32
      %mul3A_589 = arith.muli %add3A_587, %mul3A_588 : i32
      %add3A_590 = arith.addi %mul3A_2, %mul3A_589 : i32
      %dma_wait3A_591 = arith.constant 0 : i32
      %dma_wait3A_592 = tpu.memref_slice %arg4[%mul3A_2, %dma_wait3A_591] : memref<16384x1664xf32, #tpu.memory_space<hbm>> -> memref<16x1664xf32, #tpu.memory_space<hbm>>
      %dma_wait3A_593 = arith.constant 0 : i32
      %dma_wait3A_594 = tpu.memref_slice %arg4[%mul3A_2, %dma_wait3A_593] : memref<16384x1664xf32, #tpu.memory_space<hbm>> -> memref<16x1664xf32, #tpu.memory_space<hbm>>
      tpu.wait_dma2 semaphore(%arg11 : memref<!tpu.dma_semaphore, #tpu.memory_space<semaphore_mem>>) src(%arg6 : memref<16x1664xf32, #tpu.memory_space<vmem>>) dst(%dma_wait3A_594 : memref<16x1664xf32, #tpu.memory_space<hbm>>)
      %dma_wait3A_595 = arith.constant 0 : i32
      %dma_wait3A_596 = tpu.memref_slice %arg5[%mul3A_2, %dma_wait3A_595] : memref<16384x1664xf32, #tpu.memory_space<hbm>> -> memref<16x1664xf32, #tpu.memory_space<hbm>>
      %dma_wait3A_597 = arith.constant 0 : i32
      %dma_wait3A_598 = tpu.memref_slice %arg5[%mul3A_2, %dma_wait3A_597] : memref<16384x1664xf32, #tpu.memory_space<hbm>> -> memref<16x1664xf32, #tpu.memory_space<hbm>>
      tpu.wait_dma2 semaphore(%arg11 : memref<!tpu.dma_semaphore, #tpu.memory_space<semaphore_mem>>) src(%arg7 : memref<16x1664xf32, #tpu.memory_space<vmem>>) dst(%dma_wait3A_598 : memref<16x1664xf32, #tpu.memory_space<hbm>>)
      %dma_start3A_599 = arith.constant 0 : i32
      %dma_start3A_600 = tpu.memref_slice %arg2[%add3A_583, %dma_start3A_599] : memref<16384x1664xf32, #tpu.memory_space<hbm>> -> memref<16x1664xf32, #tpu.memory_space<hbm>>
      %dma_start3A_601 = arith.constant 0 : i32
      %dma_start3A_602 = tpu.memref_slice %arg2[%add3A_583, %dma_start3A_601] : memref<16384x1664xf32, #tpu.memory_space<hbm>> -> memref<16x1664xf32, #tpu.memory_space<hbm>>
      tpu.enqueue_dma source(%dma_start3A_602 : memref<16x1664xf32, #tpu.memory_space<hbm>>) target(%arg6 : memref<16x1664xf32, #tpu.memory_space<vmem>>) target_semaphore(%arg10 : memref<!tpu.dma_semaphore, #tpu.memory_space<semaphore_mem>>)
      %dma_start3A_603 = arith.constant 0 : i32
      %dma_start3A_604 = tpu.memref_slice %arg3[%add3A_583, %dma_start3A_603] : memref<16384x1664xf32, #tpu.memory_space<hbm>> -> memref<16x1664xf32, #tpu.memory_space<hbm>>
      %dma_start3A_605 = arith.constant 0 : i32
      %dma_start3A_606 = tpu.memref_slice %arg3[%add3A_583, %dma_start3A_605] : memref<16384x1664xf32, #tpu.memory_space<hbm>> -> memref<16x1664xf32, #tpu.memory_space<hbm>>
      tpu.enqueue_dma source(%dma_start3A_606 : memref<16x1664xf32, #tpu.memory_space<hbm>>) target(%arg7 : memref<16x1664xf32, #tpu.memory_space<vmem>>) target_semaphore(%arg10 : memref<!tpu.dma_semaphore, #tpu.memory_space<semaphore_mem>>)
      %dma_wait3A_607 = arith.constant 0 : i32
      %dma_wait3A_608 = tpu.memref_slice %arg2[%add3A_583, %dma_wait3A_607] : memref<16384x1664xf32, #tpu.memory_space<hbm>> -> memref<16x1664xf32, #tpu.memory_space<hbm>>
      %dma_wait3A_609 = arith.constant 0 : i32
      %dma_wait3A_610 = tpu.memref_slice %arg2[%add3A_583, %dma_wait3A_609] : memref<16384x1664xf32, #tpu.memory_space<hbm>> -> memref<16x1664xf32, #tpu.memory_space<hbm>>
      tpu.wait_dma2 semaphore(%arg10 : memref<!tpu.dma_semaphore, #tpu.memory_space<semaphore_mem>>) src(%dma_wait3A_610 : memref<16x1664xf32, #tpu.memory_space<hbm>>) dst(%arg6 : memref<16x1664xf32, #tpu.memory_space<vmem>>)
      %dma_wait3A_611 = arith.constant 0 : i32
      %dma_wait3A_612 = tpu.memref_slice %arg3[%add3A_583, %dma_wait3A_611] : memref<16384x1664xf32, #tpu.memory_space<hbm>> -> memref<16x1664xf32, #tpu.memory_space<hbm>>
      %dma_wait3A_613 = arith.constant 0 : i32
      %dma_wait3A_614 = tpu.memref_slice %arg3[%add3A_583, %dma_wait3A_613] : memref<16384x1664xf32, #tpu.memory_space<hbm>> -> memref<16x1664xf32, #tpu.memory_space<hbm>>
      tpu.wait_dma2 semaphore(%arg10 : memref<!tpu.dma_semaphore, #tpu.memory_space<semaphore_mem>>) src(%dma_wait3A_614 : memref<16x1664xf32, #tpu.memory_space<hbm>>) dst(%arg7 : memref<16x1664xf32, #tpu.memory_space<vmem>>)
      %dma_start3A_615 = arith.constant 0 : i32
      %dma_start3A_616 = arith.constant 0 : i32
      %dma_start3A_617 = tpu.memref_slice %arg6[%dma_start3A_615, %dma_start3A_616] : memref<16x1664xf32, #tpu.memory_space<vmem>> -> memref<16x128xf32, #tpu.memory_space<vmem>>
      %dma_start3A_618 = arith.constant 0 : i32
      %dma_start3A_619 = tpu.memref_slice %arg4[%add3A_583, %dma_start3A_618] : memref<16384x1664xf32, #tpu.memory_space<hbm>> -> memref<16x128xf32, #tpu.memory_space<hbm>>
      %dma_start3A_620 = arith.constant 0 : i32
      %dma_start3A_621 = tpu.memref_slice %arg4[%add3A_583, %dma_start3A_620] : memref<16384x1664xf32, #tpu.memory_space<hbm>> -> memref<16x128xf32, #tpu.memory_space<hbm>>
      %dma_start3A_622 = arith.constant 0 : i32
      %dma_start3A_623 = arith.constant 0 : i32
      %dma_start3A_624 = tpu.memref_slice %arg6[%dma_start3A_622, %dma_start3A_623] : memref<16x1664xf32, #tpu.memory_space<vmem>> -> memref<16x128xf32, #tpu.memory_space<vmem>>
      tpu.enqueue_dma source(%dma_start3A_624 : memref<16x128xf32, #tpu.memory_space<vmem>>) target(%dma_start3A_621 : memref<16x128xf32, #tpu.memory_space<hbm>>) target_semaphore(%arg11 : memref<!tpu.dma_semaphore, #tpu.memory_space<semaphore_mem>>)
      %dma_start3A_625 = arith.constant 0 : i32
      %dma_start3A_626 = arith.constant 128 : i32
      %dma_start3A_627 = tpu.memref_slice %arg6[%dma_start3A_625, %dma_start3A_626] : memref<16x1664xf32, #tpu.memory_space<vmem>> -> memref<16x128xf32, #tpu.memory_space<vmem>>
      %dma_start3A_628 = arith.constant 0 : i32
      %dma_start3A_629 = tpu.memref_slice %arg5[%add3A_583, %dma_start3A_628] : memref<16384x1664xf32, #tpu.memory_space<hbm>> -> memref<16x128xf32, #tpu.memory_space<hbm>>
      %dma_start3A_630 = arith.constant 0 : i32
      %dma_start3A_631 = tpu.memref_slice %arg5[%add3A_583, %dma_start3A_630] : memref<16384x1664xf32, #tpu.memory_space<hbm>> -> memref<16x128xf32, #tpu.memory_space<hbm>>
      %dma_start3A_632 = arith.constant 0 : i32
      %dma_start3A_633 = arith.constant 128 : i32
      %dma_start3A_634 = tpu.memref_slice %arg6[%dma_start3A_632, %dma_start3A_633] : memref<16x1664xf32, #tpu.memory_space<vmem>> -> memref<16x128xf32, #tpu.memory_space<vmem>>
      tpu.enqueue_dma source(%dma_start3A_634 : memref<16x128xf32, #tpu.memory_space<vmem>>) target(%dma_start3A_631 : memref<16x128xf32, #tpu.memory_space<hbm>>) target_semaphore(%arg11 : memref<!tpu.dma_semaphore, #tpu.memory_space<semaphore_mem>>)
      %dma_start3A_635 = arith.constant 0 : i32
      %dma_start3A_636 = arith.constant 256 : i32
      %dma_start3A_637 = tpu.memref_slice %arg6[%dma_start3A_635, %dma_start3A_636] : memref<16x1664xf32, #tpu.memory_space<vmem>> -> memref<16x128xf32, #tpu.memory_space<vmem>>
      %dma_start3A_638 = arith.constant 128 : i32
      %dma_start3A_639 = tpu.memref_slice %arg4[%add3A_583, %dma_start3A_638] : memref<16384x1664xf32, #tpu.memory_space<hbm>> -> memref<16x128xf32, #tpu.memory_space<hbm>>
      %dma_start3A_640 = arith.constant 128 : i32
      %dma_start3A_641 = tpu.memref_slice %arg4[%add3A_583, %dma_start3A_640] : memref<16384x1664xf32, #tpu.memory_space<hbm>> -> memref<16x128xf32, #tpu.memory_space<hbm>>
      %dma_start3A_642 = arith.constant 0 : i32
      %dma_start3A_643 = arith.constant 256 : i32
      %dma_start3A_644 = tpu.memref_slice %arg6[%dma_start3A_642, %dma_start3A_643] : memref<16x1664xf32, #tpu.memory_space<vmem>> -> memref<16x128xf32, #tpu.memory_space<vmem>>
      tpu.enqueue_dma source(%dma_start3A_644 : memref<16x128xf32, #tpu.memory_space<vmem>>) target(%dma_start3A_641 : memref<16x128xf32, #tpu.memory_space<hbm>>) target_semaphore(%arg11 : memref<!tpu.dma_semaphore, #tpu.memory_space<semaphore_mem>>)
      %dma_start3A_645 = arith.constant 0 : i32
      %dma_start3A_646 = arith.constant 384 : i32
      %dma_start3A_647 = tpu.memref_slice %arg6[%dma_start3A_645, %dma_start3A_646] : memref<16x1664xf32, #tpu.memory_space<vmem>> -> memref<16x128xf32, #tpu.memory_space<vmem>>
      %dma_start3A_648 = arith.constant 128 : i32
      %dma_start3A_649 = tpu.memref_slice %arg5[%add3A_583, %dma_start3A_648] : memref<16384x1664xf32, #tpu.memory_space<hbm>> -> memref<16x128xf32, #tpu.memory_space<hbm>>
      %dma_start3A_650 = arith.constant 128 : i32
      %dma_start3A_651 = tpu.memref_slice %arg5[%add3A_583, %dma_start3A_650] : memref<16384x1664xf32, #tpu.memory_space<hbm>> -> memref<16x128xf32, #tpu.memory_space<hbm>>
      %dma_start3A_652 = arith.constant 0 : i32
      %dma_start3A_653 = arith.constant 384 : i32
      %dma_start3A_654 = tpu.memref_slice %arg6[%dma_start3A_652, %dma_start3A_653] : memref<16x1664xf32, #tpu.memory_space<vmem>> -> memref<16x128xf32, #tpu.memory_space<vmem>>
      tpu.enqueue_dma source(%dma_start3A_654 : memref<16x128xf32, #tpu.memory_space<vmem>>) target(%dma_start3A_651 : memref<16x128xf32, #tpu.memory_space<hbm>>) target_semaphore(%arg11 : memref<!tpu.dma_semaphore, #tpu.memory_space<semaphore_mem>>)
      %dma_start3A_655 = arith.constant 0 : i32
      %dma_start3A_656 = arith.constant 512 : i32
      %dma_start3A_657 = tpu.memref_slice %arg6[%dma_start3A_655, %dma_start3A_656] : memref<16x1664xf32, #tpu.memory_space<vmem>> -> memref<16x128xf32, #tpu.memory_space<vmem>>
      %dma_start3A_658 = arith.constant 256 : i32
      %dma_start3A_659 = tpu.memref_slice %arg4[%add3A_583, %dma_start3A_658] : memref<16384x1664xf32, #tpu.memory_space<hbm>> -> memref<16x128xf32, #tpu.memory_space<hbm>>
      %dma_start3A_660 = arith.constant 256 : i32
      %dma_start3A_661 = tpu.memref_slice %arg4[%add3A_583, %dma_start3A_660] : memref<16384x1664xf32, #tpu.memory_space<hbm>> -> memref<16x128xf32, #tpu.memory_space<hbm>>
      %dma_start3A_662 = arith.constant 0 : i32
      %dma_start3A_663 = arith.constant 512 : i32
      %dma_start3A_664 = tpu.memref_slice %arg6[%dma_start3A_662, %dma_start3A_663] : memref<16x1664xf32, #tpu.memory_space<vmem>> -> memref<16x128xf32, #tpu.memory_space<vmem>>
      tpu.enqueue_dma source(%dma_start3A_664 : memref<16x128xf32, #tpu.memory_space<vmem>>) target(%dma_start3A_661 : memref<16x128xf32, #tpu.memory_space<hbm>>) target_semaphore(%arg11 : memref<!tpu.dma_semaphore, #tpu.memory_space<semaphore_mem>>)
      %dma_start3A_665 = arith.constant 0 : i32
      %dma_start3A_666 = arith.constant 640 : i32
      %dma_start3A_667 = tpu.memref_slice %arg6[%dma_start3A_665, %dma_start3A_666] : memref<16x1664xf32, #tpu.memory_space<vmem>> -> memref<16x128xf32, #tpu.memory_space<vmem>>
      %dma_start3A_668 = arith.constant 256 : i32
      %dma_start3A_669 = tpu.memref_slice %arg5[%add3A_583, %dma_start3A_668] : memref<16384x1664xf32, #tpu.memory_space<hbm>> -> memref<16x128xf32, #tpu.memory_space<hbm>>
      %dma_start3A_670 = arith.constant 256 : i32
      %dma_start3A_671 = tpu.memref_slice %arg5[%add3A_583, %dma_start3A_670] : memref<16384x1664xf32, #tpu.memory_space<hbm>> -> memref<16x128xf32, #tpu.memory_space<hbm>>
      %dma_start3A_672 = arith.constant 0 : i32
      %dma_start3A_673 = arith.constant 640 : i32
      %dma_start3A_674 = tpu.memref_slice %arg6[%dma_start3A_672, %dma_start3A_673] : memref<16x1664xf32, #tpu.memory_space<vmem>> -> memref<16x128xf32, #tpu.memory_space<vmem>>
      tpu.enqueue_dma source(%dma_start3A_674 : memref<16x128xf32, #tpu.memory_space<vmem>>) target(%dma_start3A_671 : memref<16x128xf32, #tpu.memory_space<hbm>>) target_semaphore(%arg11 : memref<!tpu.dma_semaphore, #tpu.memory_space<semaphore_mem>>)
      %dma_start3A_675 = arith.constant 0 : i32
      %dma_start3A_676 = arith.constant 768 : i32
      %dma_start3A_677 = tpu.memref_slice %arg6[%dma_start3A_675, %dma_start3A_676] : memref<16x1664xf32, #tpu.memory_space<vmem>> -> memref<16x128xf32, #tpu.memory_space<vmem>>
      %dma_start3A_678 = arith.constant 384 : i32
      %dma_start3A_679 = tpu.memref_slice %arg4[%add3A_583, %dma_start3A_678] : memref<16384x1664xf32, #tpu.memory_space<hbm>> -> memref<16x128xf32, #tpu.memory_space<hbm>>
      %dma_start3A_680 = arith.constant 384 : i32
      %dma_start3A_681 = tpu.memref_slice %arg4[%add3A_583, %dma_start3A_680] : memref<16384x1664xf32, #tpu.memory_space<hbm>> -> memref<16x128xf32, #tpu.memory_space<hbm>>
      %dma_start3A_682 = arith.constant 0 : i32
      %dma_start3A_683 = arith.constant 768 : i32
      %dma_start3A_684 = tpu.memref_slice %arg6[%dma_start3A_682, %dma_start3A_683] : memref<16x1664xf32, #tpu.memory_space<vmem>> -> memref<16x128xf32, #tpu.memory_space<vmem>>
      tpu.enqueue_dma source(%dma_start3A_684 : memref<16x128xf32, #tpu.memory_space<vmem>>) target(%dma_start3A_681 : memref<16x128xf32, #tpu.memory_space<hbm>>) target_semaphore(%arg11 : memref<!tpu.dma_semaphore, #tpu.memory_space<semaphore_mem>>)
      %dma_start3A_685 = arith.constant 0 : i32
      %dma_start3A_686 = arith.constant 896 : i32
      %dma_start3A_687 = tpu.memref_slice %arg6[%dma_start3A_685, %dma_start3A_686] : memref<16x1664xf32, #tpu.memory_space<vmem>> -> memref<16x128xf32, #tpu.memory_space<vmem>>
      %dma_start3A_688 = arith.constant 384 : i32
      %dma_start3A_689 = tpu.memref_slice %arg5[%add3A_583, %dma_start3A_688] : memref<16384x1664xf32, #tpu.memory_space<hbm>> -> memref<16x128xf32, #tpu.memory_space<hbm>>
      %dma_start3A_690 = arith.constant 384 : i32
      %dma_start3A_691 = tpu.memref_slice %arg5[%add3A_583, %dma_start3A_690] : memref<16384x1664xf32, #tpu.memory_space<hbm>> -> memref<16x128xf32, #tpu.memory_space<hbm>>
      %dma_start3A_692 = arith.constant 0 : i32
      %dma_start3A_693 = arith.constant 896 : i32
      %dma_start3A_694 = tpu.memref_slice %arg6[%dma_start3A_692, %dma_start3A_693] : memref<16x1664xf32, #tpu.memory_space<vmem>> -> memref<16x128xf32, #tpu.memory_space<vmem>>
      tpu.enqueue_dma source(%dma_start3A_694 : memref<16x128xf32, #tpu.memory_space<vmem>>) target(%dma_start3A_691 : memref<16x128xf32, #tpu.memory_space<hbm>>) target_semaphore(%arg11 : memref<!tpu.dma_semaphore, #tpu.memory_space<semaphore_mem>>)
      %dma_start3A_695 = arith.constant 0 : i32
      %dma_start3A_696 = arith.constant 1024 : i32
      %dma_start3A_697 = tpu.memref_slice %arg6[%dma_start3A_695, %dma_start3A_696] : memref<16x1664xf32, #tpu.memory_space<vmem>> -> memref<16x128xf32, #tpu.memory_space<vmem>>
      %dma_start3A_698 = arith.constant 512 : i32
      %dma_start3A_699 = tpu.memref_slice %arg4[%add3A_583, %dma_start3A_698] : memref<16384x1664xf32, #tpu.memory_space<hbm>> -> memref<16x128xf32, #tpu.memory_space<hbm>>
      %dma_start3A_700 = arith.constant 512 : i32
      %dma_start3A_701 = tpu.memref_slice %arg4[%add3A_583, %dma_start3A_700] : memref<16384x1664xf32, #tpu.memory_space<hbm>> -> memref<16x128xf32, #tpu.memory_space<hbm>>
      %dma_start3A_702 = arith.constant 0 : i32
      %dma_start3A_703 = arith.constant 1024 : i32
      %dma_start3A_704 = tpu.memref_slice %arg6[%dma_start3A_702, %dma_start3A_703] : memref<16x1664xf32, #tpu.memory_space<vmem>> -> memref<16x128xf32, #tpu.memory_space<vmem>>
      tpu.enqueue_dma source(%dma_start3A_704 : memref<16x128xf32, #tpu.memory_space<vmem>>) target(%dma_start3A_701 : memref<16x128xf32, #tpu.memory_space<hbm>>) target_semaphore(%arg11 : memref<!tpu.dma_semaphore, #tpu.memory_space<semaphore_mem>>)
      %dma_start3A_705 = arith.constant 0 : i32
      %dma_start3A_706 = arith.constant 1152 : i32
      %dma_start3A_707 = tpu.memref_slice %arg6[%dma_start3A_705, %dma_start3A_706] : memref<16x1664xf32, #tpu.memory_space<vmem>> -> memref<16x128xf32, #tpu.memory_space<vmem>>
      %dma_start3A_708 = arith.constant 512 : i32
      %dma_start3A_709 = tpu.memref_slice %arg5[%add3A_583, %dma_start3A_708] : memref<16384x1664xf32, #tpu.memory_space<hbm>> -> memref<16x128xf32, #tpu.memory_space<hbm>>
      %dma_start3A_710 = arith.constant 512 : i32
      %dma_start3A_711 = tpu.memref_slice %arg5[%add3A_583, %dma_start3A_710] : memref<16384x1664xf32, #tpu.memory_space<hbm>> -> memref<16x128xf32, #tpu.memory_space<hbm>>
      %dma_start3A_712 = arith.constant 0 : i32
      %dma_start3A_713 = arith.constant 1152 : i32
      %dma_start3A_714 = tpu.memref_slice %arg6[%dma_start3A_712, %dma_start3A_713] : memref<16x1664xf32, #tpu.memory_space<vmem>> -> memref<16x128xf32, #tpu.memory_space<vmem>>
      tpu.enqueue_dma source(%dma_start3A_714 : memref<16x128xf32, #tpu.memory_space<vmem>>) target(%dma_start3A_711 : memref<16x128xf32, #tpu.memory_space<hbm>>) target_semaphore(%arg11 : memref<!tpu.dma_semaphore, #tpu.memory_space<semaphore_mem>>)
      %dma_start3A_715 = arith.constant 0 : i32
      %dma_start3A_716 = arith.constant 1280 : i32
      %dma_start3A_717 = tpu.memref_slice %arg6[%dma_start3A_715, %dma_start3A_716] : memref<16x1664xf32, #tpu.memory_space<vmem>> -> memref<16x128xf32, #tpu.memory_space<vmem>>
      %dma_start3A_718 = arith.constant 640 : i32
      %dma_start3A_719 = tpu.memref_slice %arg4[%add3A_583, %dma_start3A_718] : memref<16384x1664xf32, #tpu.memory_space<hbm>> -> memref<16x128xf32, #tpu.memory_space<hbm>>
      %dma_start3A_720 = arith.constant 640 : i32
      %dma_start3A_721 = tpu.memref_slice %arg4[%add3A_583, %dma_start3A_720] : memref<16384x1664xf32, #tpu.memory_space<hbm>> -> memref<16x128xf32, #tpu.memory_space<hbm>>
      %dma_start3A_722 = arith.constant 0 : i32
      %dma_start3A_723 = arith.constant 1280 : i32
      %dma_start3A_724 = tpu.memref_slice %arg6[%dma_start3A_722, %dma_start3A_723] : memref<16x1664xf32, #tpu.memory_space<vmem>> -> memref<16x128xf32, #tpu.memory_space<vmem>>
      tpu.enqueue_dma source(%dma_start3A_724 : memref<16x128xf32, #tpu.memory_space<vmem>>) target(%dma_start3A_721 : memref<16x128xf32, #tpu.memory_space<hbm>>) target_semaphore(%arg11 : memref<!tpu.dma_semaphore, #tpu.memory_space<semaphore_mem>>)
      %dma_start3A_725 = arith.constant 0 : i32
      %dma_start3A_726 = arith.constant 1408 : i32
      %dma_start3A_727 = tpu.memref_slice %arg6[%dma_start3A_725, %dma_start3A_726] : memref<16x1664xf32, #tpu.memory_space<vmem>> -> memref<16x128xf32, #tpu.memory_space<vmem>>
      %dma_start3A_728 = arith.constant 640 : i32
      %dma_start3A_729 = tpu.memref_slice %arg5[%add3A_583, %dma_start3A_728] : memref<16384x1664xf32, #tpu.memory_space<hbm>> -> memref<16x128xf32, #tpu.memory_space<hbm>>
      %dma_start3A_730 = arith.constant 640 : i32
      %dma_start3A_731 = tpu.memref_slice %arg5[%add3A_583, %dma_start3A_730] : memref<16384x1664xf32, #tpu.memory_space<hbm>> -> memref<16x128xf32, #tpu.memory_space<hbm>>
      %dma_start3A_732 = arith.constant 0 : i32
      %dma_start3A_733 = arith.constant 1408 : i32
      %dma_start3A_734 = tpu.memref_slice %arg6[%dma_start3A_732, %dma_start3A_733] : memref<16x1664xf32, #tpu.memory_space<vmem>> -> memref<16x128xf32, #tpu.memory_space<vmem>>
      tpu.enqueue_dma source(%dma_start3A_734 : memref<16x128xf32, #tpu.memory_space<vmem>>) target(%dma_start3A_731 : memref<16x128xf32, #tpu.memory_space<hbm>>) target_semaphore(%arg11 : memref<!tpu.dma_semaphore, #tpu.memory_space<semaphore_mem>>)
      %dma_start3A_735 = arith.constant 0 : i32
      %dma_start3A_736 = arith.constant 1536 : i32
      %dma_start3A_737 = tpu.memref_slice %arg6[%dma_start3A_735, %dma_start3A_736] : memref<16x1664xf32, #tpu.memory_space<vmem>> -> memref<16x128xf32, #tpu.memory_space<vmem>>
      %dma_start3A_738 = arith.constant 768 : i32
      %dma_start3A_739 = tpu.memref_slice %arg4[%add3A_583, %dma_start3A_738] : memref<16384x1664xf32, #tpu.memory_space<hbm>> -> memref<16x128xf32, #tpu.memory_space<hbm>>
      %dma_start3A_740 = arith.constant 768 : i32
      %dma_start3A_741 = tpu.memref_slice %arg4[%add3A_583, %dma_start3A_740] : memref<16384x1664xf32, #tpu.memory_space<hbm>> -> memref<16x128xf32, #tpu.memory_space<hbm>>
      %dma_start3A_742 = arith.constant 0 : i32
      %dma_start3A_743 = arith.constant 1536 : i32
      %dma_start3A_744 = tpu.memref_slice %arg6[%dma_start3A_742, %dma_start3A_743] : memref<16x1664xf32, #tpu.memory_space<vmem>> -> memref<16x128xf32, #tpu.memory_space<vmem>>
      tpu.enqueue_dma source(%dma_start3A_744 : memref<16x128xf32, #tpu.memory_space<vmem>>) target(%dma_start3A_741 : memref<16x128xf32, #tpu.memory_space<hbm>>) target_semaphore(%arg11 : memref<!tpu.dma_semaphore, #tpu.memory_space<semaphore_mem>>)
      %dma_start3A_745 = arith.constant 0 : i32
      %dma_start3A_746 = arith.constant 0 : i32
      %dma_start3A_747 = tpu.memref_slice %arg7[%dma_start3A_745, %dma_start3A_746] : memref<16x1664xf32, #tpu.memory_space<vmem>> -> memref<16x128xf32, #tpu.memory_space<vmem>>
      %dma_start3A_748 = arith.constant 768 : i32
      %dma_start3A_749 = tpu.memref_slice %arg5[%add3A_583, %dma_start3A_748] : memref<16384x1664xf32, #tpu.memory_space<hbm>> -> memref<16x128xf32, #tpu.memory_space<hbm>>
      %dma_start3A_750 = arith.constant 768 : i32
      %dma_start3A_751 = tpu.memref_slice %arg5[%add3A_583, %dma_start3A_750] : memref<16384x1664xf32, #tpu.memory_space<hbm>> -> memref<16x128xf32, #tpu.memory_space<hbm>>
      %dma_start3A_752 = arith.constant 0 : i32
      %dma_start3A_753 = arith.constant 0 : i32
      %dma_start3A_754 = tpu.memref_slice %arg7[%dma_start3A_752, %dma_start3A_753] : memref<16x1664xf32, #tpu.memory_space<vmem>> -> memref<16x128xf32, #tpu.memory_space<vmem>>
      tpu.enqueue_dma source(%dma_start3A_754 : memref<16x128xf32, #tpu.memory_space<vmem>>) target(%dma_start3A_751 : memref<16x128xf32, #tpu.memory_space<hbm>>) target_semaphore(%arg11 : memref<!tpu.dma_semaphore, #tpu.memory_space<semaphore_mem>>)
      %dma_start3A_755 = arith.constant 0 : i32
      %dma_start3A_756 = arith.constant 128 : i32
      %dma_start3A_757 = tpu.memref_slice %arg7[%dma_start3A_755, %dma_start3A_756] : memref<16x1664xf32, #tpu.memory_space<vmem>> -> memref<16x128xf32, #tpu.memory_space<vmem>>
      %dma_start3A_758 = arith.constant 896 : i32
      %dma_start3A_759 = tpu.memref_slice %arg4[%add3A_583, %dma_start3A_758] : memref<16384x1664xf32, #tpu.memory_space<hbm>> -> memref<16x128xf32, #tpu.memory_space<hbm>>
      %dma_start3A_760 = arith.constant 896 : i32
      %dma_start3A_761 = tpu.memref_slice %arg4[%add3A_583, %dma_start3A_760] : memref<16384x1664xf32, #tpu.memory_space<hbm>> -> memref<16x128xf32, #tpu.memory_space<hbm>>
      %dma_start3A_762 = arith.constant 0 : i32
      %dma_start3A_763 = arith.constant 128 : i32
      %dma_start3A_764 = tpu.memref_slice %arg7[%dma_start3A_762, %dma_start3A_763] : memref<16x1664xf32, #tpu.memory_space<vmem>> -> memref<16x128xf32, #tpu.memory_space<vmem>>
      tpu.enqueue_dma source(%dma_start3A_764 : memref<16x128xf32, #tpu.memory_space<vmem>>) target(%dma_start3A_761 : memref<16x128xf32, #tpu.memory_space<hbm>>) target_semaphore(%arg11 : memref<!tpu.dma_semaphore, #tpu.memory_space<semaphore_mem>>)
      %dma_start3A_765 = arith.constant 0 : i32
      %dma_start3A_766 = arith.constant 256 : i32
      %dma_start3A_767 = tpu.memref_slice %arg7[%dma_start3A_765, %dma_start3A_766] : memref<16x1664xf32, #tpu.memory_space<vmem>> -> memref<16x128xf32, #tpu.memory_space<vmem>>
      %dma_start3A_768 = arith.constant 896 : i32
      %dma_start3A_769 = tpu.memref_slice %arg5[%add3A_583, %dma_start3A_768] : memref<16384x1664xf32, #tpu.memory_space<hbm>> -> memref<16x128xf32, #tpu.memory_space<hbm>>
      %dma_start3A_770 = arith.constant 896 : i32
      %dma_start3A_771 = tpu.memref_slice %arg5[%add3A_583, %dma_start3A_770] : memref<16384x1664xf32, #tpu.memory_space<hbm>> -> memref<16x128xf32, #tpu.memory_space<hbm>>
      %dma_start3A_772 = arith.constant 0 : i32
      %dma_start3A_773 = arith.constant 256 : i32
      %dma_start3A_774 = tpu.memref_slice %arg7[%dma_start3A_772, %dma_start3A_773] : memref<16x1664xf32, #tpu.memory_space<vmem>> -> memref<16x128xf32, #tpu.memory_space<vmem>>
      tpu.enqueue_dma source(%dma_start3A_774 : memref<16x128xf32, #tpu.memory_space<vmem>>) target(%dma_start3A_771 : memref<16x128xf32, #tpu.memory_space<hbm>>) target_semaphore(%arg11 : memref<!tpu.dma_semaphore, #tpu.memory_space<semaphore_mem>>)
      %dma_start3A_775 = arith.constant 0 : i32
      %dma_start3A_776 = arith.constant 384 : i32
      %dma_start3A_777 = tpu.memref_slice %arg7[%dma_start3A_775, %dma_start3A_776] : memref<16x1664xf32, #tpu.memory_space<vmem>> -> memref<16x128xf32, #tpu.memory_space<vmem>>
      %dma_start3A_778 = arith.constant 1024 : i32
      %dma_start3A_779 = tpu.memref_slice %arg4[%add3A_583, %dma_start3A_778] : memref<16384x1664xf32, #tpu.memory_space<hbm>> -> memref<16x128xf32, #tpu.memory_space<hbm>>
      %dma_start3A_780 = arith.constant 1024 : i32
      %dma_start3A_781 = tpu.memref_slice %arg4[%add3A_583, %dma_start3A_780] : memref<16384x1664xf32, #tpu.memory_space<hbm>> -> memref<16x128xf32, #tpu.memory_space<hbm>>
      %dma_start3A_782 = arith.constant 0 : i32
      %dma_start3A_783 = arith.constant 384 : i32
      %dma_start3A_784 = tpu.memref_slice %arg7[%dma_start3A_782, %dma_start3A_783] : memref<16x1664xf32, #tpu.memory_space<vmem>> -> memref<16x128xf32, #tpu.memory_space<vmem>>
      tpu.enqueue_dma source(%dma_start3A_784 : memref<16x128xf32, #tpu.memory_space<vmem>>) target(%dma_start3A_781 : memref<16x128xf32, #tpu.memory_space<hbm>>) target_semaphore(%arg11 : memref<!tpu.dma_semaphore, #tpu.memory_space<semaphore_mem>>)
      %dma_start3A_785 = arith.constant 0 : i32
      %dma_start3A_786 = arith.constant 512 : i32
      %dma_start3A_787 = tpu.memref_slice %arg7[%dma_start3A_785, %dma_start3A_786] : memref<16x1664xf32, #tpu.memory_space<vmem>> -> memref<16x128xf32, #tpu.memory_space<vmem>>
      %dma_start3A_788 = arith.constant 1024 : i32
      %dma_start3A_789 = tpu.memref_slice %arg5[%add3A_583, %dma_start3A_788] : memref<16384x1664xf32, #tpu.memory_space<hbm>> -> memref<16x128xf32, #tpu.memory_space<hbm>>
      %dma_start3A_790 = arith.constant 1024 : i32
      %dma_start3A_791 = tpu.memref_slice %arg5[%add3A_583, %dma_start3A_790] : memref<16384x1664xf32, #tpu.memory_space<hbm>> -> memref<16x128xf32, #tpu.memory_space<hbm>>
      %dma_start3A_792 = arith.constant 0 : i32
      %dma_start3A_793 = arith.constant 512 : i32
      %dma_start3A_794 = tpu.memref_slice %arg7[%dma_start3A_792, %dma_start3A_793] : memref<16x1664xf32, #tpu.memory_space<vmem>> -> memref<16x128xf32, #tpu.memory_space<vmem>>
      tpu.enqueue_dma source(%dma_start3A_794 : memref<16x128xf32, #tpu.memory_space<vmem>>) target(%dma_start3A_791 : memref<16x128xf32, #tpu.memory_space<hbm>>) target_semaphore(%arg11 : memref<!tpu.dma_semaphore, #tpu.memory_space<semaphore_mem>>)
      %dma_start3A_795 = arith.constant 0 : i32
      %dma_start3A_796 = arith.constant 640 : i32
      %dma_start3A_797 = tpu.memref_slice %arg7[%dma_start3A_795, %dma_start3A_796] : memref<16x1664xf32, #tpu.memory_space<vmem>> -> memref<16x128xf32, #tpu.memory_space<vmem>>
      %dma_start3A_798 = arith.constant 1152 : i32
      %dma_start3A_799 = tpu.memref_slice %arg4[%add3A_583, %dma_start3A_798] : memref<16384x1664xf32, #tpu.memory_space<hbm>> -> memref<16x128xf32, #tpu.memory_space<hbm>>
      %dma_start3A_800 = arith.constant 1152 : i32
      %dma_start3A_801 = tpu.memref_slice %arg4[%add3A_583, %dma_start3A_800] : memref<16384x1664xf32, #tpu.memory_space<hbm>> -> memref<16x128xf32, #tpu.memory_space<hbm>>
      %dma_start3A_802 = arith.constant 0 : i32
      %dma_start3A_803 = arith.constant 640 : i32
      %dma_start3A_804 = tpu.memref_slice %arg7[%dma_start3A_802, %dma_start3A_803] : memref<16x1664xf32, #tpu.memory_space<vmem>> -> memref<16x128xf32, #tpu.memory_space<vmem>>
      tpu.enqueue_dma source(%dma_start3A_804 : memref<16x128xf32, #tpu.memory_space<vmem>>) target(%dma_start3A_801 : memref<16x128xf32, #tpu.memory_space<hbm>>) target_semaphore(%arg11 : memref<!tpu.dma_semaphore, #tpu.memory_space<semaphore_mem>>)
      %dma_start3A_805 = arith.constant 0 : i32
      %dma_start3A_806 = arith.constant 768 : i32
      %dma_start3A_807 = tpu.memref_slice %arg7[%dma_start3A_805, %dma_start3A_806] : memref<16x1664xf32, #tpu.memory_space<vmem>> -> memref<16x128xf32, #tpu.memory_space<vmem>>
      %dma_start3A_808 = arith.constant 1152 : i32
      %dma_start3A_809 = tpu.memref_slice %arg5[%add3A_583, %dma_start3A_808] : memref<16384x1664xf32, #tpu.memory_space<hbm>> -> memref<16x128xf32, #tpu.memory_space<hbm>>
      %dma_start3A_810 = arith.constant 1152 : i32
      %dma_start3A_811 = tpu.memref_slice %arg5[%add3A_583, %dma_start3A_810] : memref<16384x1664xf32, #tpu.memory_space<hbm>> -> memref<16x128xf32, #tpu.memory_space<hbm>>
      %dma_start3A_812 = arith.constant 0 : i32
      %dma_start3A_813 = arith.constant 768 : i32
      %dma_start3A_814 = tpu.memref_slice %arg7[%dma_start3A_812, %dma_start3A_813] : memref<16x1664xf32, #tpu.memory_space<vmem>> -> memref<16x128xf32, #tpu.memory_space<vmem>>
      tpu.enqueue_dma source(%dma_start3A_814 : memref<16x128xf32, #tpu.memory_space<vmem>>) target(%dma_start3A_811 : memref<16x128xf32, #tpu.memory_space<hbm>>) target_semaphore(%arg11 : memref<!tpu.dma_semaphore, #tpu.memory_space<semaphore_mem>>)
      %dma_start3A_815 = arith.constant 0 : i32
      %dma_start3A_816 = arith.constant 896 : i32
      %dma_start3A_817 = tpu.memref_slice %arg7[%dma_start3A_815, %dma_start3A_816] : memref<16x1664xf32, #tpu.memory_space<vmem>> -> memref<16x128xf32, #tpu.memory_space<vmem>>
      %dma_start3A_818 = arith.constant 1280 : i32
      %dma_start3A_819 = tpu.memref_slice %arg4[%add3A_583, %dma_start3A_818] : memref<16384x1664xf32, #tpu.memory_space<hbm>> -> memref<16x128xf32, #tpu.memory_space<hbm>>
      %dma_start3A_820 = arith.constant 1280 : i32
      %dma_start3A_821 = tpu.memref_slice %arg4[%add3A_583, %dma_start3A_820] : memref<16384x1664xf32, #tpu.memory_space<hbm>> -> memref<16x128xf32, #tpu.memory_space<hbm>>
      %dma_start3A_822 = arith.constant 0 : i32
      %dma_start3A_823 = arith.constant 896 : i32
      %dma_start3A_824 = tpu.memref_slice %arg7[%dma_start3A_822, %dma_start3A_823] : memref<16x1664xf32, #tpu.memory_space<vmem>> -> memref<16x128xf32, #tpu.memory_space<vmem>>
      tpu.enqueue_dma source(%dma_start3A_824 : memref<16x128xf32, #tpu.memory_space<vmem>>) target(%dma_start3A_821 : memref<16x128xf32, #tpu.memory_space<hbm>>) target_semaphore(%arg11 : memref<!tpu.dma_semaphore, #tpu.memory_space<semaphore_mem>>)
      %dma_start3A_825 = arith.constant 0 : i32
      %dma_start3A_826 = arith.constant 1024 : i32
      %dma_start3A_827 = tpu.memref_slice %arg7[%dma_start3A_825, %dma_start3A_826] : memref<16x1664xf32, #tpu.memory_space<vmem>> -> memref<16x128xf32, #tpu.memory_space<vmem>>
      %dma_start3A_828 = arith.constant 1280 : i32
      %dma_start3A_829 = tpu.memref_slice %arg5[%add3A_583, %dma_start3A_828] : memref<16384x1664xf32, #tpu.memory_space<hbm>> -> memref<16x128xf32, #tpu.memory_space<hbm>>
      %dma_start3A_830 = arith.constant 1280 : i32
      %dma_start3A_831 = tpu.memref_slice %arg5[%add3A_583, %dma_start3A_830] : memref<16384x1664xf32, #tpu.memory_space<hbm>> -> memref<16x128xf32, #tpu.memory_space<hbm>>
      %dma_start3A_832 = arith.constant 0 : i32
      %dma_start3A_833 = arith.constant 1024 : i32
      %dma_start3A_834 = tpu.memref_slice %arg7[%dma_start3A_832, %dma_start3A_833] : memref<16x1664xf32, #tpu.memory_space<vmem>> -> memref<16x128xf32, #tpu.memory_space<vmem>>
      tpu.enqueue_dma source(%dma_start3A_834 : memref<16x128xf32, #tpu.memory_space<vmem>>) target(%dma_start3A_831 : memref<16x128xf32, #tpu.memory_space<hbm>>) target_semaphore(%arg11 : memref<!tpu.dma_semaphore, #tpu.memory_space<semaphore_mem>>)
      %dma_start3A_835 = arith.constant 0 : i32
      %dma_start3A_836 = arith.constant 1152 : i32
      %dma_start3A_837 = tpu.memref_slice %arg7[%dma_start3A_835, %dma_start3A_836] : memref<16x1664xf32, #tpu.memory_space<vmem>> -> memref<16x128xf32, #tpu.memory_space<vmem>>
      %dma_start3A_838 = arith.constant 1408 : i32
      %dma_start3A_839 = tpu.memref_slice %arg4[%add3A_583, %dma_start3A_838] : memref<16384x1664xf32, #tpu.memory_space<hbm>> -> memref<16x128xf32, #tpu.memory_space<hbm>>
      %dma_start3A_840 = arith.constant 1408 : i32
      %dma_start3A_841 = tpu.memref_slice %arg4[%add3A_583, %dma_start3A_840] : memref<16384x1664xf32, #tpu.memory_space<hbm>> -> memref<16x128xf32, #tpu.memory_space<hbm>>
      %dma_start3A_842 = arith.constant 0 : i32
      %dma_start3A_843 = arith.constant 1152 : i32
      %dma_start3A_844 = tpu.memref_slice %arg7[%dma_start3A_842, %dma_start3A_843] : memref<16x1664xf32, #tpu.memory_space<vmem>> -> memref<16x128xf32, #tpu.memory_space<vmem>>
      tpu.enqueue_dma source(%dma_start3A_844 : memref<16x128xf32, #tpu.memory_space<vmem>>) target(%dma_start3A_841 : memref<16x128xf32, #tpu.memory_space<hbm>>) target_semaphore(%arg11 : memref<!tpu.dma_semaphore, #tpu.memory_space<semaphore_mem>>)
      %dma_start3A_845 = arith.constant 0 : i32
      %dma_start3A_846 = arith.constant 1280 : i32
      %dma_start3A_847 = tpu.memref_slice %arg7[%dma_start3A_845, %dma_start3A_846] : memref<16x1664xf32, #tpu.memory_space<vmem>> -> memref<16x128xf32, #tpu.memory_space<vmem>>
      %dma_start3A_848 = arith.constant 1408 : i32
      %dma_start3A_849 = tpu.memref_slice %arg5[%add3A_583, %dma_start3A_848] : memref<16384x1664xf32, #tpu.memory_space<hbm>> -> memref<16x128xf32, #tpu.memory_space<hbm>>
      %dma_start3A_850 = arith.constant 1408 : i32
      %dma_start3A_851 = tpu.memref_slice %arg5[%add3A_583, %dma_start3A_850] : memref<16384x1664xf32, #tpu.memory_space<hbm>> -> memref<16x128xf32, #tpu.memory_space<hbm>>
      %dma_start3A_852 = arith.constant 0 : i32
      %dma_start3A_853 = arith.constant 1280 : i32
      %dma_start3A_854 = tpu.memref_slice %arg7[%dma_start3A_852, %dma_start3A_853] : memref<16x1664xf32, #tpu.memory_space<vmem>> -> memref<16x128xf32, #tpu.memory_space<vmem>>
      tpu.enqueue_dma source(%dma_start3A_854 : memref<16x128xf32, #tpu.memory_space<vmem>>) target(%dma_start3A_851 : memref<16x128xf32, #tpu.memory_space<hbm>>) target_semaphore(%arg11 : memref<!tpu.dma_semaphore, #tpu.memory_space<semaphore_mem>>)
      %dma_start3A_855 = arith.constant 0 : i32
      %dma_start3A_856 = arith.constant 1408 : i32
      %dma_start3A_857 = tpu.memref_slice %arg7[%dma_start3A_855, %dma_start3A_856] : memref<16x1664xf32, #tpu.memory_space<vmem>> -> memref<16x128xf32, #tpu.memory_space<vmem>>
      %dma_start3A_858 = arith.constant 1536 : i32
      %dma_start3A_859 = tpu.memref_slice %arg4[%add3A_583, %dma_start3A_858] : memref<16384x1664xf32, #tpu.memory_space<hbm>> -> memref<16x128xf32, #tpu.memory_space<hbm>>
      %dma_start3A_860 = arith.constant 1536 : i32
      %dma_start3A_861 = tpu.memref_slice %arg4[%add3A_583, %dma_start3A_860] : memref<16384x1664xf32, #tpu.memory_space<hbm>> -> memref<16x128xf32, #tpu.memory_space<hbm>>
      %dma_start3A_862 = arith.constant 0 : i32
      %dma_start3A_863 = arith.constant 1408 : i32
      %dma_start3A_864 = tpu.memref_slice %arg7[%dma_start3A_862, %dma_start3A_863] : memref<16x1664xf32, #tpu.memory_space<vmem>> -> memref<16x128xf32, #tpu.memory_space<vmem>>
      tpu.enqueue_dma source(%dma_start3A_864 : memref<16x128xf32, #tpu.memory_space<vmem>>) target(%dma_start3A_861 : memref<16x128xf32, #tpu.memory_space<hbm>>) target_semaphore(%arg11 : memref<!tpu.dma_semaphore, #tpu.memory_space<semaphore_mem>>)
      %dma_start3A_865 = arith.constant 0 : i32
      %dma_start3A_866 = arith.constant 1536 : i32
      %dma_start3A_867 = tpu.memref_slice %arg7[%dma_start3A_865, %dma_start3A_866] : memref<16x1664xf32, #tpu.memory_space<vmem>> -> memref<16x128xf32, #tpu.memory_space<vmem>>
      %dma_start3A_868 = arith.constant 1536 : i32
      %dma_start3A_869 = tpu.memref_slice %arg5[%add3A_583, %dma_start3A_868] : memref<16384x1664xf32, #tpu.memory_space<hbm>> -> memref<16x128xf32, #tpu.memory_space<hbm>>
      %dma_start3A_870 = arith.constant 1536 : i32
      %dma_start3A_871 = tpu.memref_slice %arg5[%add3A_583, %dma_start3A_870] : memref<16384x1664xf32, #tpu.memory_space<hbm>> -> memref<16x128xf32, #tpu.memory_space<hbm>>
      %dma_start3A_872 = arith.constant 0 : i32
      %dma_start3A_873 = arith.constant 1536 : i32
      %dma_start3A_874 = tpu.memref_slice %arg7[%dma_start3A_872, %dma_start3A_873] : memref<16x1664xf32, #tpu.memory_space<vmem>> -> memref<16x128xf32, #tpu.memory_space<vmem>>
      tpu.enqueue_dma source(%dma_start3A_874 : memref<16x128xf32, #tpu.memory_space<vmem>>) target(%dma_start3A_871 : memref<16x128xf32, #tpu.memory_space<hbm>>) target_semaphore(%arg11 : memref<!tpu.dma_semaphore, #tpu.memory_space<semaphore_mem>>)
      %dma_wait3A_875 = arith.constant 0 : i32
      %dma_wait3A_876 = tpu.memref_slice %arg4[%mul3A_2, %dma_wait3A_875] : memref<16384x1664xf32, #tpu.memory_space<hbm>> -> memref<16x1664xf32, #tpu.memory_space<hbm>>
      %dma_wait3A_877 = arith.constant 0 : i32
      %dma_wait3A_878 = tpu.memref_slice %arg4[%mul3A_2, %dma_wait3A_877] : memref<16384x1664xf32, #tpu.memory_space<hbm>> -> memref<16x1664xf32, #tpu.memory_space<hbm>>
      tpu.wait_dma2 semaphore(%arg12 : memref<!tpu.dma_semaphore, #tpu.memory_space<semaphore_mem>>) src(%arg8 : memref<16x1664xf32, #tpu.memory_space<vmem>>) dst(%dma_wait3A_878 : memref<16x1664xf32, #tpu.memory_space<hbm>>)
      %dma_wait3A_879 = arith.constant 0 : i32
      %dma_wait3A_880 = tpu.memref_slice %arg5[%mul3A_2, %dma_wait3A_879] : memref<16384x1664xf32, #tpu.memory_space<hbm>> -> memref<16x1664xf32, #tpu.memory_space<hbm>>
      %dma_wait3A_881 = arith.constant 0 : i32
      %dma_wait3A_882 = tpu.memref_slice %arg5[%mul3A_2, %dma_wait3A_881] : memref<16384x1664xf32, #tpu.memory_space<hbm>> -> memref<16x1664xf32, #tpu.memory_space<hbm>>
      tpu.wait_dma2 semaphore(%arg12 : memref<!tpu.dma_semaphore, #tpu.memory_space<semaphore_mem>>) src(%arg9 : memref<16x1664xf32, #tpu.memory_space<vmem>>) dst(%dma_wait3A_882 : memref<16x1664xf32, #tpu.memory_space<hbm>>)
      %dma_start3A_883 = arith.constant 0 : i32
      %dma_start3A_884 = tpu.memref_slice %arg2[%add3A_590, %dma_start3A_883] : memref<16384x1664xf32, #tpu.memory_space<hbm>> -> memref<16x1664xf32, #tpu.memory_space<hbm>>
      %dma_start3A_885 = arith.constant 0 : i32
      %dma_start3A_886 = tpu.memref_slice %arg2[%add3A_590, %dma_start3A_885] : memref<16384x1664xf32, #tpu.memory_space<hbm>> -> memref<16x1664xf32, #tpu.memory_space<hbm>>
      tpu.enqueue_dma source(%dma_start3A_886 : memref<16x1664xf32, #tpu.memory_space<hbm>>) target(%arg8 : memref<16x1664xf32, #tpu.memory_space<vmem>>) target_semaphore(%arg10 : memref<!tpu.dma_semaphore, #tpu.memory_space<semaphore_mem>>)
      %dma_start3A_887 = arith.constant 0 : i32
      %dma_start3A_888 = tpu.memref_slice %arg3[%add3A_590, %dma_start3A_887] : memref<16384x1664xf32, #tpu.memory_space<hbm>> -> memref<16x1664xf32, #tpu.memory_space<hbm>>
      %dma_start3A_889 = arith.constant 0 : i32
      %dma_start3A_890 = tpu.memref_slice %arg3[%add3A_590, %dma_start3A_889] : memref<16384x1664xf32, #tpu.memory_space<hbm>> -> memref<16x1664xf32, #tpu.memory_space<hbm>>
      tpu.enqueue_dma source(%dma_start3A_890 : memref<16x1664xf32, #tpu.memory_space<hbm>>) target(%arg9 : memref<16x1664xf32, #tpu.memory_space<vmem>>) target_semaphore(%arg10 : memref<!tpu.dma_semaphore, #tpu.memory_space<semaphore_mem>>)
      %dma_wait3A_891 = arith.constant 0 : i32
      %dma_wait3A_892 = tpu.memref_slice %arg2[%add3A_590, %dma_wait3A_891] : memref<16384x1664xf32, #tpu.memory_space<hbm>> -> memref<16x1664xf32, #tpu.memory_space<hbm>>
      %dma_wait3A_893 = arith.constant 0 : i32
      %dma_wait3A_894 = tpu.memref_slice %arg2[%add3A_590, %dma_wait3A_893] : memref<16384x1664xf32, #tpu.memory_space<hbm>> -> memref<16x1664xf32, #tpu.memory_space<hbm>>
      tpu.wait_dma2 semaphore(%arg10 : memref<!tpu.dma_semaphore, #tpu.memory_space<semaphore_mem>>) src(%dma_wait3A_894 : memref<16x1664xf32, #tpu.memory_space<hbm>>) dst(%arg8 : memref<16x1664xf32, #tpu.memory_space<vmem>>)
      %dma_wait3A_895 = arith.constant 0 : i32
      %dma_wait3A_896 = tpu.memref_slice %arg3[%add3A_590, %dma_wait3A_895] : memref<16384x1664xf32, #tpu.memory_space<hbm>> -> memref<16x1664xf32, #tpu.memory_space<hbm>>
      %dma_wait3A_897 = arith.constant 0 : i32
      %dma_wait3A_898 = tpu.memref_slice %arg3[%add3A_590, %dma_wait3A_897] : memref<16384x1664xf32, #tpu.memory_space<hbm>> -> memref<16x1664xf32, #tpu.memory_space<hbm>>
      tpu.wait_dma2 semaphore(%arg10 : memref<!tpu.dma_semaphore, #tpu.memory_space<semaphore_mem>>) src(%dma_wait3A_898 : memref<16x1664xf32, #tpu.memory_space<hbm>>) dst(%arg9 : memref<16x1664xf32, #tpu.memory_space<vmem>>)
      %dma_start3A_899 = arith.constant 0 : i32
      %dma_start3A_900 = arith.constant 0 : i32
      %dma_start3A_901 = tpu.memref_slice %arg8[%dma_start3A_899, %dma_start3A_900] : memref<16x1664xf32, #tpu.memory_space<vmem>> -> memref<16x128xf32, #tpu.memory_space<vmem>>
      %dma_start3A_902 = arith.constant 0 : i32
      %dma_start3A_903 = tpu.memref_slice %arg4[%add3A_590, %dma_start3A_902] : memref<16384x1664xf32, #tpu.memory_space<hbm>> -> memref<16x128xf32, #tpu.memory_space<hbm>>
      %dma_start3A_904 = arith.constant 0 : i32
      %dma_start3A_905 = tpu.memref_slice %arg4[%add3A_590, %dma_start3A_904] : memref<16384x1664xf32, #tpu.memory_space<hbm>> -> memref<16x128xf32, #tpu.memory_space<hbm>>
      %dma_start3A_906 = arith.constant 0 : i32
      %dma_start3A_907 = arith.constant 0 : i32
      %dma_start3A_908 = tpu.memref_slice %arg8[%dma_start3A_906, %dma_start3A_907] : memref<16x1664xf32, #tpu.memory_space<vmem>> -> memref<16x128xf32, #tpu.memory_space<vmem>>
      tpu.enqueue_dma source(%dma_start3A_908 : memref<16x128xf32, #tpu.memory_space<vmem>>) target(%dma_start3A_905 : memref<16x128xf32, #tpu.memory_space<hbm>>) target_semaphore(%arg12 : memref<!tpu.dma_semaphore, #tpu.memory_space<semaphore_mem>>)
      %dma_start3A_909 = arith.constant 0 : i32
      %dma_start3A_910 = arith.constant 128 : i32
      %dma_start3A_911 = tpu.memref_slice %arg8[%dma_start3A_909, %dma_start3A_910] : memref<16x1664xf32, #tpu.memory_space<vmem>> -> memref<16x128xf32, #tpu.memory_space<vmem>>
      %dma_start3A_912 = arith.constant 0 : i32
      %dma_start3A_913 = tpu.memref_slice %arg5[%add3A_590, %dma_start3A_912] : memref<16384x1664xf32, #tpu.memory_space<hbm>> -> memref<16x128xf32, #tpu.memory_space<hbm>>
      %dma_start3A_914 = arith.constant 0 : i32
      %dma_start3A_915 = tpu.memref_slice %arg5[%add3A_590, %dma_start3A_914] : memref<16384x1664xf32, #tpu.memory_space<hbm>> -> memref<16x128xf32, #tpu.memory_space<hbm>>
      %dma_start3A_916 = arith.constant 0 : i32
      %dma_start3A_917 = arith.constant 128 : i32
      %dma_start3A_918 = tpu.memref_slice %arg8[%dma_start3A_916, %dma_start3A_917] : memref<16x1664xf32, #tpu.memory_space<vmem>> -> memref<16x128xf32, #tpu.memory_space<vmem>>
      tpu.enqueue_dma source(%dma_start3A_918 : memref<16x128xf32, #tpu.memory_space<vmem>>) target(%dma_start3A_915 : memref<16x128xf32, #tpu.memory_space<hbm>>) target_semaphore(%arg12 : memref<!tpu.dma_semaphore, #tpu.memory_space<semaphore_mem>>)
      %dma_start3A_919 = arith.constant 0 : i32
      %dma_start3A_920 = arith.constant 256 : i32
      %dma_start3A_921 = tpu.memref_slice %arg8[%dma_start3A_919, %dma_start3A_920] : memref<16x1664xf32, #tpu.memory_space<vmem>> -> memref<16x128xf32, #tpu.memory_space<vmem>>
      %dma_start3A_922 = arith.constant 128 : i32
      %dma_start3A_923 = tpu.memref_slice %arg4[%add3A_590, %dma_start3A_922] : memref<16384x1664xf32, #tpu.memory_space<hbm>> -> memref<16x128xf32, #tpu.memory_space<hbm>>
      %dma_start3A_924 = arith.constant 128 : i32
      %dma_start3A_925 = tpu.memref_slice %arg4[%add3A_590, %dma_start3A_924] : memref<16384x1664xf32, #tpu.memory_space<hbm>> -> memref<16x128xf32, #tpu.memory_space<hbm>>
      %dma_start3A_926 = arith.constant 0 : i32
      %dma_start3A_927 = arith.constant 256 : i32
      %dma_start3A_928 = tpu.memref_slice %arg8[%dma_start3A_926, %dma_start3A_927] : memref<16x1664xf32, #tpu.memory_space<vmem>> -> memref<16x128xf32, #tpu.memory_space<vmem>>
      tpu.enqueue_dma source(%dma_start3A_928 : memref<16x128xf32, #tpu.memory_space<vmem>>) target(%dma_start3A_925 : memref<16x128xf32, #tpu.memory_space<hbm>>) target_semaphore(%arg12 : memref<!tpu.dma_semaphore, #tpu.memory_space<semaphore_mem>>)
      %dma_start3A_929 = arith.constant 0 : i32
      %dma_start3A_930 = arith.constant 384 : i32
      %dma_start3A_931 = tpu.memref_slice %arg8[%dma_start3A_929, %dma_start3A_930] : memref<16x1664xf32, #tpu.memory_space<vmem>> -> memref<16x128xf32, #tpu.memory_space<vmem>>
      %dma_start3A_932 = arith.constant 128 : i32
      %dma_start3A_933 = tpu.memref_slice %arg5[%add3A_590, %dma_start3A_932] : memref<16384x1664xf32, #tpu.memory_space<hbm>> -> memref<16x128xf32, #tpu.memory_space<hbm>>
      %dma_start3A_934 = arith.constant 128 : i32
      %dma_start3A_935 = tpu.memref_slice %arg5[%add3A_590, %dma_start3A_934] : memref<16384x1664xf32, #tpu.memory_space<hbm>> -> memref<16x128xf32, #tpu.memory_space<hbm>>
      %dma_start3A_936 = arith.constant 0 : i32
      %dma_start3A_937 = arith.constant 384 : i32
      %dma_start3A_938 = tpu.memref_slice %arg8[%dma_start3A_936, %dma_start3A_937] : memref<16x1664xf32, #tpu.memory_space<vmem>> -> memref<16x128xf32, #tpu.memory_space<vmem>>
      tpu.enqueue_dma source(%dma_start3A_938 : memref<16x128xf32, #tpu.memory_space<vmem>>) target(%dma_start3A_935 : memref<16x128xf32, #tpu.memory_space<hbm>>) target_semaphore(%arg12 : memref<!tpu.dma_semaphore, #tpu.memory_space<semaphore_mem>>)
      %dma_start3A_939 = arith.constant 0 : i32
      %dma_start3A_940 = arith.constant 512 : i32
      %dma_start3A_941 = tpu.memref_slice %arg8[%dma_start3A_939, %dma_start3A_940] : memref<16x1664xf32, #tpu.memory_space<vmem>> -> memref<16x128xf32, #tpu.memory_space<vmem>>
      %dma_start3A_942 = arith.constant 256 : i32
      %dma_start3A_943 = tpu.memref_slice %arg4[%add3A_590, %dma_start3A_942] : memref<16384x1664xf32, #tpu.memory_space<hbm>> -> memref<16x128xf32, #tpu.memory_space<hbm>>
      %dma_start3A_944 = arith.constant 256 : i32
      %dma_start3A_945 = tpu.memref_slice %arg4[%add3A_590, %dma_start3A_944] : memref<16384x1664xf32, #tpu.memory_space<hbm>> -> memref<16x128xf32, #tpu.memory_space<hbm>>
      %dma_start3A_946 = arith.constant 0 : i32
      %dma_start3A_947 = arith.constant 512 : i32
      %dma_start3A_948 = tpu.memref_slice %arg8[%dma_start3A_946, %dma_start3A_947] : memref<16x1664xf32, #tpu.memory_space<vmem>> -> memref<16x128xf32, #tpu.memory_space<vmem>>
      tpu.enqueue_dma source(%dma_start3A_948 : memref<16x128xf32, #tpu.memory_space<vmem>>) target(%dma_start3A_945 : memref<16x128xf32, #tpu.memory_space<hbm>>) target_semaphore(%arg12 : memref<!tpu.dma_semaphore, #tpu.memory_space<semaphore_mem>>)
      %dma_start3A_949 = arith.constant 0 : i32
      %dma_start3A_950 = arith.constant 640 : i32
      %dma_start3A_951 = tpu.memref_slice %arg8[%dma_start3A_949, %dma_start3A_950] : memref<16x1664xf32, #tpu.memory_space<vmem>> -> memref<16x128xf32, #tpu.memory_space<vmem>>
      %dma_start3A_952 = arith.constant 256 : i32
      %dma_start3A_953 = tpu.memref_slice %arg5[%add3A_590, %dma_start3A_952] : memref<16384x1664xf32, #tpu.memory_space<hbm>> -> memref<16x128xf32, #tpu.memory_space<hbm>>
      %dma_start3A_954 = arith.constant 256 : i32
      %dma_start3A_955 = tpu.memref_slice %arg5[%add3A_590, %dma_start3A_954] : memref<16384x1664xf32, #tpu.memory_space<hbm>> -> memref<16x128xf32, #tpu.memory_space<hbm>>
      %dma_start3A_956 = arith.constant 0 : i32
      %dma_start3A_957 = arith.constant 640 : i32
      %dma_start3A_958 = tpu.memref_slice %arg8[%dma_start3A_956, %dma_start3A_957] : memref<16x1664xf32, #tpu.memory_space<vmem>> -> memref<16x128xf32, #tpu.memory_space<vmem>>
      tpu.enqueue_dma source(%dma_start3A_958 : memref<16x128xf32, #tpu.memory_space<vmem>>) target(%dma_start3A_955 : memref<16x128xf32, #tpu.memory_space<hbm>>) target_semaphore(%arg12 : memref<!tpu.dma_semaphore, #tpu.memory_space<semaphore_mem>>)
      %dma_start3A_959 = arith.constant 0 : i32
      %dma_start3A_960 = arith.constant 768 : i32
      %dma_start3A_961 = tpu.memref_slice %arg8[%dma_start3A_959, %dma_start3A_960] : memref<16x1664xf32, #tpu.memory_space<vmem>> -> memref<16x128xf32, #tpu.memory_space<vmem>>
      %dma_start3A_962 = arith.constant 384 : i32
      %dma_start3A_963 = tpu.memref_slice %arg4[%add3A_590, %dma_start3A_962] : memref<16384x1664xf32, #tpu.memory_space<hbm>> -> memref<16x128xf32, #tpu.memory_space<hbm>>
      %dma_start3A_964 = arith.constant 384 : i32
      %dma_start3A_965 = tpu.memref_slice %arg4[%add3A_590, %dma_start3A_964] : memref<16384x1664xf32, #tpu.memory_space<hbm>> -> memref<16x128xf32, #tpu.memory_space<hbm>>
      %dma_start3A_966 = arith.constant 0 : i32
      %dma_start3A_967 = arith.constant 768 : i32
      %dma_start3A_968 = tpu.memref_slice %arg8[%dma_start3A_966, %dma_start3A_967] : memref<16x1664xf32, #tpu.memory_space<vmem>> -> memref<16x128xf32, #tpu.memory_space<vmem>>
      tpu.enqueue_dma source(%dma_start3A_968 : memref<16x128xf32, #tpu.memory_space<vmem>>) target(%dma_start3A_965 : memref<16x128xf32, #tpu.memory_space<hbm>>) target_semaphore(%arg12 : memref<!tpu.dma_semaphore, #tpu.memory_space<semaphore_mem>>)
      %dma_start3A_969 = arith.constant 0 : i32
      %dma_start3A_970 = arith.constant 896 : i32
      %dma_start3A_971 = tpu.memref_slice %arg8[%dma_start3A_969, %dma_start3A_970] : memref<16x1664xf32, #tpu.memory_space<vmem>> -> memref<16x128xf32, #tpu.memory_space<vmem>>
      %dma_start3A_972 = arith.constant 384 : i32
      %dma_start3A_973 = tpu.memref_slice %arg5[%add3A_590, %dma_start3A_972] : memref<16384x1664xf32, #tpu.memory_space<hbm>> -> memref<16x128xf32, #tpu.memory_space<hbm>>
      %dma_start3A_974 = arith.constant 384 : i32
      %dma_start3A_975 = tpu.memref_slice %arg5[%add3A_590, %dma_start3A_974] : memref<16384x1664xf32, #tpu.memory_space<hbm>> -> memref<16x128xf32, #tpu.memory_space<hbm>>
      %dma_start3A_976 = arith.constant 0 : i32
      %dma_start3A_977 = arith.constant 896 : i32
      %dma_start3A_978 = tpu.memref_slice %arg8[%dma_start3A_976, %dma_start3A_977] : memref<16x1664xf32, #tpu.memory_space<vmem>> -> memref<16x128xf32, #tpu.memory_space<vmem>>
      tpu.enqueue_dma source(%dma_start3A_978 : memref<16x128xf32, #tpu.memory_space<vmem>>) target(%dma_start3A_975 : memref<16x128xf32, #tpu.memory_space<hbm>>) target_semaphore(%arg12 : memref<!tpu.dma_semaphore, #tpu.memory_space<semaphore_mem>>)
      %dma_start3A_979 = arith.constant 0 : i32
      %dma_start3A_980 = arith.constant 1024 : i32
      %dma_start3A_981 = tpu.memref_slice %arg8[%dma_start3A_979, %dma_start3A_980] : memref<16x1664xf32, #tpu.memory_space<vmem>> -> memref<16x128xf32, #tpu.memory_space<vmem>>
      %dma_start3A_982 = arith.constant 512 : i32
      %dma_start3A_983 = tpu.memref_slice %arg4[%add3A_590, %dma_start3A_982] : memref<16384x1664xf32, #tpu.memory_space<hbm>> -> memref<16x128xf32, #tpu.memory_space<hbm>>
      %dma_start3A_984 = arith.constant 512 : i32
      %dma_start3A_985 = tpu.memref_slice %arg4[%add3A_590, %dma_start3A_984] : memref<16384x1664xf32, #tpu.memory_space<hbm>> -> memref<16x128xf32, #tpu.memory_space<hbm>>
      %dma_start3A_986 = arith.constant 0 : i32
      %dma_start3A_987 = arith.constant 1024 : i32
      %dma_start3A_988 = tpu.memref_slice %arg8[%dma_start3A_986, %dma_start3A_987] : memref<16x1664xf32, #tpu.memory_space<vmem>> -> memref<16x128xf32, #tpu.memory_space<vmem>>
      tpu.enqueue_dma source(%dma_start3A_988 : memref<16x128xf32, #tpu.memory_space<vmem>>) target(%dma_start3A_985 : memref<16x128xf32, #tpu.memory_space<hbm>>) target_semaphore(%arg12 : memref<!tpu.dma_semaphore, #tpu.memory_space<semaphore_mem>>)
      %dma_start3A_989 = arith.constant 0 : i32
      %dma_start3A_990 = arith.constant 1152 : i32
      %dma_start3A_991 = tpu.memref_slice %arg8[%dma_start3A_989, %dma_start3A_990] : memref<16x1664xf32, #tpu.memory_space<vmem>> -> memref<16x128xf32, #tpu.memory_space<vmem>>
      %dma_start3A_992 = arith.constant 512 : i32
      %dma_start3A_993 = tpu.memref_slice %arg5[%add3A_590, %dma_start3A_992] : memref<16384x1664xf32, #tpu.memory_space<hbm>> -> memref<16x128xf32, #tpu.memory_space<hbm>>
      %dma_start3A_994 = arith.constant 512 : i32
      %dma_start3A_995 = tpu.memref_slice %arg5[%add3A_590, %dma_start3A_994] : memref<16384x1664xf32, #tpu.memory_space<hbm>> -> memref<16x128xf32, #tpu.memory_space<hbm>>
      %dma_start3A_996 = arith.constant 0 : i32
      %dma_start3A_997 = arith.constant 1152 : i32
      %dma_start3A_998 = tpu.memref_slice %arg8[%dma_start3A_996, %dma_start3A_997] : memref<16x1664xf32, #tpu.memory_space<vmem>> -> memref<16x128xf32, #tpu.memory_space<vmem>>
      tpu.enqueue_dma source(%dma_start3A_998 : memref<16x128xf32, #tpu.memory_space<vmem>>) target(%dma_start3A_995 : memref<16x128xf32, #tpu.memory_space<hbm>>) target_semaphore(%arg12 : memref<!tpu.dma_semaphore, #tpu.memory_space<semaphore_mem>>)
      %dma_start3A_999 = arith.constant 0 : i32
      %dma_start3A_1000 = arith.constant 1280 : i32
      %dma_start3A_1001 = tpu.memref_slice %arg8[%dma_start3A_999, %dma_start3A_1000] : memref<16x1664xf32, #tpu.memory_space<vmem>> -> memref<16x128xf32, #tpu.memory_space<vmem>>
      %dma_start3A_1002 = arith.constant 640 : i32
      %dma_start3A_1003 = tpu.memref_slice %arg4[%add3A_590, %dma_start3A_1002] : memref<16384x1664xf32, #tpu.memory_space<hbm>> -> memref<16x128xf32, #tpu.memory_space<hbm>>
      %dma_start3A_1004 = arith.constant 640 : i32
      %dma_start3A_1005 = tpu.memref_slice %arg4[%add3A_590, %dma_start3A_1004] : memref<16384x1664xf32, #tpu.memory_space<hbm>> -> memref<16x128xf32, #tpu.memory_space<hbm>>
      %dma_start3A_1006 = arith.constant 0 : i32
      %dma_start3A_1007 = arith.constant 1280 : i32
      %dma_start3A_1008 = tpu.memref_slice %arg8[%dma_start3A_1006, %dma_start3A_1007] : memref<16x1664xf32, #tpu.memory_space<vmem>> -> memref<16x128xf32, #tpu.memory_space<vmem>>
      tpu.enqueue_dma source(%dma_start3A_1008 : memref<16x128xf32, #tpu.memory_space<vmem>>) target(%dma_start3A_1005 : memref<16x128xf32, #tpu.memory_space<hbm>>) target_semaphore(%arg12 : memref<!tpu.dma_semaphore, #tpu.memory_space<semaphore_mem>>)
      %dma_start3A_1009 = arith.constant 0 : i32
      %dma_start3A_1010 = arith.constant 1408 : i32
      %dma_start3A_1011 = tpu.memref_slice %arg8[%dma_start3A_1009, %dma_start3A_1010] : memref<16x1664xf32, #tpu.memory_space<vmem>> -> memref<16x128xf32, #tpu.memory_space<vmem>>
      %dma_start3A_1012 = arith.constant 640 : i32
      %dma_start3A_1013 = tpu.memref_slice %arg5[%add3A_590, %dma_start3A_1012] : memref<16384x1664xf32, #tpu.memory_space<hbm>> -> memref<16x128xf32, #tpu.memory_space<hbm>>
      %dma_start3A_1014 = arith.constant 640 : i32
      %dma_start3A_1015 = tpu.memref_slice %arg5[%add3A_590, %dma_start3A_1014] : memref<16384x1664xf32, #tpu.memory_space<hbm>> -> memref<16x128xf32, #tpu.memory_space<hbm>>
      %dma_start3A_1016 = arith.constant 0 : i32
      %dma_start3A_1017 = arith.constant 1408 : i32
      %dma_start3A_1018 = tpu.memref_slice %arg8[%dma_start3A_1016, %dma_start3A_1017] : memref<16x1664xf32, #tpu.memory_space<vmem>> -> memref<16x128xf32, #tpu.memory_space<vmem>>
      tpu.enqueue_dma source(%dma_start3A_1018 : memref<16x128xf32, #tpu.memory_space<vmem>>) target(%dma_start3A_1015 : memref<16x128xf32, #tpu.memory_space<hbm>>) target_semaphore(%arg12 : memref<!tpu.dma_semaphore, #tpu.memory_space<semaphore_mem>>)
      %dma_start3A_1019 = arith.constant 0 : i32
      %dma_start3A_1020 = arith.constant 1536 : i32
      %dma_start3A_1021 = tpu.memref_slice %arg8[%dma_start3A_1019, %dma_start3A_1020] : memref<16x1664xf32, #tpu.memory_space<vmem>> -> memref<16x128xf32, #tpu.memory_space<vmem>>
      %dma_start3A_1022 = arith.constant 768 : i32
      %dma_start3A_1023 = tpu.memref_slice %arg4[%add3A_590, %dma_start3A_1022] : memref<16384x1664xf32, #tpu.memory_space<hbm>> -> memref<16x128xf32, #tpu.memory_space<hbm>>
      %dma_start3A_1024 = arith.constant 768 : i32
      %dma_start3A_1025 = tpu.memref_slice %arg4[%add3A_590, %dma_start3A_1024] : memref<16384x1664xf32, #tpu.memory_space<hbm>> -> memref<16x128xf32, #tpu.memory_space<hbm>>
      %dma_start3A_1026 = arith.constant 0 : i32
      %dma_start3A_1027 = arith.constant 1536 : i32
      %dma_start3A_1028 = tpu.memref_slice %arg8[%dma_start3A_1026, %dma_start3A_1027] : memref<16x1664xf32, #tpu.memory_space<vmem>> -> memref<16x128xf32, #tpu.memory_space<vmem>>
      tpu.enqueue_dma source(%dma_start3A_1028 : memref<16x128xf32, #tpu.memory_space<vmem>>) target(%dma_start3A_1025 : memref<16x128xf32, #tpu.memory_space<hbm>>) target_semaphore(%arg12 : memref<!tpu.dma_semaphore, #tpu.memory_space<semaphore_mem>>)
      %dma_start3A_1029 = arith.constant 0 : i32
      %dma_start3A_1030 = arith.constant 0 : i32
      %dma_start3A_1031 = tpu.memref_slice %arg9[%dma_start3A_1029, %dma_start3A_1030] : memref<16x1664xf32, #tpu.memory_space<vmem>> -> memref<16x128xf32, #tpu.memory_space<vmem>>
      %dma_start3A_1032 = arith.constant 768 : i32
      %dma_start3A_1033 = tpu.memref_slice %arg5[%add3A_590, %dma_start3A_1032] : memref<16384x1664xf32, #tpu.memory_space<hbm>> -> memref<16x128xf32, #tpu.memory_space<hbm>>
      %dma_start3A_1034 = arith.constant 768 : i32
      %dma_start3A_1035 = tpu.memref_slice %arg5[%add3A_590, %dma_start3A_1034] : memref<16384x1664xf32, #tpu.memory_space<hbm>> -> memref<16x128xf32, #tpu.memory_space<hbm>>
      %dma_start3A_1036 = arith.constant 0 : i32
      %dma_start3A_1037 = arith.constant 0 : i32
      %dma_start3A_1038 = tpu.memref_slice %arg9[%dma_start3A_1036, %dma_start3A_1037] : memref<16x1664xf32, #tpu.memory_space<vmem>> -> memref<16x128xf32, #tpu.memory_space<vmem>>
      tpu.enqueue_dma source(%dma_start3A_1038 : memref<16x128xf32, #tpu.memory_space<vmem>>) target(%dma_start3A_1035 : memref<16x128xf32, #tpu.memory_space<hbm>>) target_semaphore(%arg12 : memref<!tpu.dma_semaphore, #tpu.memory_space<semaphore_mem>>)
      %dma_start3A_1039 = arith.constant 0 : i32
      %dma_start3A_1040 = arith.constant 128 : i32
      %dma_start3A_1041 = tpu.memref_slice %arg9[%dma_start3A_1039, %dma_start3A_1040] : memref<16x1664xf32, #tpu.memory_space<vmem>> -> memref<16x128xf32, #tpu.memory_space<vmem>>
      %dma_start3A_1042 = arith.constant 896 : i32
      %dma_start3A_1043 = tpu.memref_slice %arg4[%add3A_590, %dma_start3A_1042] : memref<16384x1664xf32, #tpu.memory_space<hbm>> -> memref<16x128xf32, #tpu.memory_space<hbm>>
      %dma_start3A_1044 = arith.constant 896 : i32
      %dma_start3A_1045 = tpu.memref_slice %arg4[%add3A_590, %dma_start3A_1044] : memref<16384x1664xf32, #tpu.memory_space<hbm>> -> memref<16x128xf32, #tpu.memory_space<hbm>>
      %dma_start3A_1046 = arith.constant 0 : i32
      %dma_start3A_1047 = arith.constant 128 : i32
      %dma_start3A_1048 = tpu.memref_slice %arg9[%dma_start3A_1046, %dma_start3A_1047] : memref<16x1664xf32, #tpu.memory_space<vmem>> -> memref<16x128xf32, #tpu.memory_space<vmem>>
      tpu.enqueue_dma source(%dma_start3A_1048 : memref<16x128xf32, #tpu.memory_space<vmem>>) target(%dma_start3A_1045 : memref<16x128xf32, #tpu.memory_space<hbm>>) target_semaphore(%arg12 : memref<!tpu.dma_semaphore, #tpu.memory_space<semaphore_mem>>)
      %dma_start3A_1049 = arith.constant 0 : i32
      %dma_start3A_1050 = arith.constant 256 : i32
      %dma_start3A_1051 = tpu.memref_slice %arg9[%dma_start3A_1049, %dma_start3A_1050] : memref<16x1664xf32, #tpu.memory_space<vmem>> -> memref<16x128xf32, #tpu.memory_space<vmem>>
      %dma_start3A_1052 = arith.constant 896 : i32
      %dma_start3A_1053 = tpu.memref_slice %arg5[%add3A_590, %dma_start3A_1052] : memref<16384x1664xf32, #tpu.memory_space<hbm>> -> memref<16x128xf32, #tpu.memory_space<hbm>>
      %dma_start3A_1054 = arith.constant 896 : i32
      %dma_start3A_1055 = tpu.memref_slice %arg5[%add3A_590, %dma_start3A_1054] : memref<16384x1664xf32, #tpu.memory_space<hbm>> -> memref<16x128xf32, #tpu.memory_space<hbm>>
      %dma_start3A_1056 = arith.constant 0 : i32
      %dma_start3A_1057 = arith.constant 256 : i32
      %dma_start3A_1058 = tpu.memref_slice %arg9[%dma_start3A_1056, %dma_start3A_1057] : memref<16x1664xf32, #tpu.memory_space<vmem>> -> memref<16x128xf32, #tpu.memory_space<vmem>>
      tpu.enqueue_dma source(%dma_start3A_1058 : memref<16x128xf32, #tpu.memory_space<vmem>>) target(%dma_start3A_1055 : memref<16x128xf32, #tpu.memory_space<hbm>>) target_semaphore(%arg12 : memref<!tpu.dma_semaphore, #tpu.memory_space<semaphore_mem>>)
      %dma_start3A_1059 = arith.constant 0 : i32
      %dma_start3A_1060 = arith.constant 384 : i32
      %dma_start3A_1061 = tpu.memref_slice %arg9[%dma_start3A_1059, %dma_start3A_1060] : memref<16x1664xf32, #tpu.memory_space<vmem>> -> memref<16x128xf32, #tpu.memory_space<vmem>>
      %dma_start3A_1062 = arith.constant 1024 : i32
      %dma_start3A_1063 = tpu.memref_slice %arg4[%add3A_590, %dma_start3A_1062] : memref<16384x1664xf32, #tpu.memory_space<hbm>> -> memref<16x128xf32, #tpu.memory_space<hbm>>
      %dma_start3A_1064 = arith.constant 1024 : i32
      %dma_start3A_1065 = tpu.memref_slice %arg4[%add3A_590, %dma_start3A_1064] : memref<16384x1664xf32, #tpu.memory_space<hbm>> -> memref<16x128xf32, #tpu.memory_space<hbm>>
      %dma_start3A_1066 = arith.constant 0 : i32
      %dma_start3A_1067 = arith.constant 384 : i32
      %dma_start3A_1068 = tpu.memref_slice %arg9[%dma_start3A_1066, %dma_start3A_1067] : memref<16x1664xf32, #tpu.memory_space<vmem>> -> memref<16x128xf32, #tpu.memory_space<vmem>>
      tpu.enqueue_dma source(%dma_start3A_1068 : memref<16x128xf32, #tpu.memory_space<vmem>>) target(%dma_start3A_1065 : memref<16x128xf32, #tpu.memory_space<hbm>>) target_semaphore(%arg12 : memref<!tpu.dma_semaphore, #tpu.memory_space<semaphore_mem>>)
      %dma_start3A_1069 = arith.constant 0 : i32
      %dma_start3A_1070 = arith.constant 512 : i32
      %dma_start3A_1071 = tpu.memref_slice %arg9[%dma_start3A_1069, %dma_start3A_1070] : memref<16x1664xf32, #tpu.memory_space<vmem>> -> memref<16x128xf32, #tpu.memory_space<vmem>>
      %dma_start3A_1072 = arith.constant 1024 : i32
      %dma_start3A_1073 = tpu.memref_slice %arg5[%add3A_590, %dma_start3A_1072] : memref<16384x1664xf32, #tpu.memory_space<hbm>> -> memref<16x128xf32, #tpu.memory_space<hbm>>
      %dma_start3A_1074 = arith.constant 1024 : i32
      %dma_start3A_1075 = tpu.memref_slice %arg5[%add3A_590, %dma_start3A_1074] : memref<16384x1664xf32, #tpu.memory_space<hbm>> -> memref<16x128xf32, #tpu.memory_space<hbm>>
      %dma_start3A_1076 = arith.constant 0 : i32
      %dma_start3A_1077 = arith.constant 512 : i32
      %dma_start3A_1078 = tpu.memref_slice %arg9[%dma_start3A_1076, %dma_start3A_1077] : memref<16x1664xf32, #tpu.memory_space<vmem>> -> memref<16x128xf32, #tpu.memory_space<vmem>>
      tpu.enqueue_dma source(%dma_start3A_1078 : memref<16x128xf32, #tpu.memory_space<vmem>>) target(%dma_start3A_1075 : memref<16x128xf32, #tpu.memory_space<hbm>>) target_semaphore(%arg12 : memref<!tpu.dma_semaphore, #tpu.memory_space<semaphore_mem>>)
      %dma_start3A_1079 = arith.constant 0 : i32
      %dma_start3A_1080 = arith.constant 640 : i32
      %dma_start3A_1081 = tpu.memref_slice %arg9[%dma_start3A_1079, %dma_start3A_1080] : memref<16x1664xf32, #tpu.memory_space<vmem>> -> memref<16x128xf32, #tpu.memory_space<vmem>>
      %dma_start3A_1082 = arith.constant 1152 : i32
      %dma_start3A_1083 = tpu.memref_slice %arg4[%add3A_590, %dma_start3A_1082] : memref<16384x1664xf32, #tpu.memory_space<hbm>> -> memref<16x128xf32, #tpu.memory_space<hbm>>
      %dma_start3A_1084 = arith.constant 1152 : i32
      %dma_start3A_1085 = tpu.memref_slice %arg4[%add3A_590, %dma_start3A_1084] : memref<16384x1664xf32, #tpu.memory_space<hbm>> -> memref<16x128xf32, #tpu.memory_space<hbm>>
      %dma_start3A_1086 = arith.constant 0 : i32
      %dma_start3A_1087 = arith.constant 640 : i32
      %dma_start3A_1088 = tpu.memref_slice %arg9[%dma_start3A_1086, %dma_start3A_1087] : memref<16x1664xf32, #tpu.memory_space<vmem>> -> memref<16x128xf32, #tpu.memory_space<vmem>>
      tpu.enqueue_dma source(%dma_start3A_1088 : memref<16x128xf32, #tpu.memory_space<vmem>>) target(%dma_start3A_1085 : memref<16x128xf32, #tpu.memory_space<hbm>>) target_semaphore(%arg12 : memref<!tpu.dma_semaphore, #tpu.memory_space<semaphore_mem>>)
      %dma_start3A_1089 = arith.constant 0 : i32
      %dma_start3A_1090 = arith.constant 768 : i32
      %dma_start3A_1091 = tpu.memref_slice %arg9[%dma_start3A_1089, %dma_start3A_1090] : memref<16x1664xf32, #tpu.memory_space<vmem>> -> memref<16x128xf32, #tpu.memory_space<vmem>>
      %dma_start3A_1092 = arith.constant 1152 : i32
      %dma_start3A_1093 = tpu.memref_slice %arg5[%add3A_590, %dma_start3A_1092] : memref<16384x1664xf32, #tpu.memory_space<hbm>> -> memref<16x128xf32, #tpu.memory_space<hbm>>
      %dma_start3A_1094 = arith.constant 1152 : i32
      %dma_start3A_1095 = tpu.memref_slice %arg5[%add3A_590, %dma_start3A_1094] : memref<16384x1664xf32, #tpu.memory_space<hbm>> -> memref<16x128xf32, #tpu.memory_space<hbm>>
      %dma_start3A_1096 = arith.constant 0 : i32
      %dma_start3A_1097 = arith.constant 768 : i32
      %dma_start3A_1098 = tpu.memref_slice %arg9[%dma_start3A_1096, %dma_start3A_1097] : memref<16x1664xf32, #tpu.memory_space<vmem>> -> memref<16x128xf32, #tpu.memory_space<vmem>>
      tpu.enqueue_dma source(%dma_start3A_1098 : memref<16x128xf32, #tpu.memory_space<vmem>>) target(%dma_start3A_1095 : memref<16x128xf32, #tpu.memory_space<hbm>>) target_semaphore(%arg12 : memref<!tpu.dma_semaphore, #tpu.memory_space<semaphore_mem>>)
      %dma_start3A_1099 = arith.constant 0 : i32
      %dma_start3A_1100 = arith.constant 896 : i32
      %dma_start3A_1101 = tpu.memref_slice %arg9[%dma_start3A_1099, %dma_start3A_1100] : memref<16x1664xf32, #tpu.memory_space<vmem>> -> memref<16x128xf32, #tpu.memory_space<vmem>>
      %dma_start3A_1102 = arith.constant 1280 : i32
      %dma_start3A_1103 = tpu.memref_slice %arg4[%add3A_590, %dma_start3A_1102] : memref<16384x1664xf32, #tpu.memory_space<hbm>> -> memref<16x128xf32, #tpu.memory_space<hbm>>
      %dma_start3A_1104 = arith.constant 1280 : i32
      %dma_start3A_1105 = tpu.memref_slice %arg4[%add3A_590, %dma_start3A_1104] : memref<16384x1664xf32, #tpu.memory_space<hbm>> -> memref<16x128xf32, #tpu.memory_space<hbm>>
      %dma_start3A_1106 = arith.constant 0 : i32
      %dma_start3A_1107 = arith.constant 896 : i32
      %dma_start3A_1108 = tpu.memref_slice %arg9[%dma_start3A_1106, %dma_start3A_1107] : memref<16x1664xf32, #tpu.memory_space<vmem>> -> memref<16x128xf32, #tpu.memory_space<vmem>>
      tpu.enqueue_dma source(%dma_start3A_1108 : memref<16x128xf32, #tpu.memory_space<vmem>>) target(%dma_start3A_1105 : memref<16x128xf32, #tpu.memory_space<hbm>>) target_semaphore(%arg12 : memref<!tpu.dma_semaphore, #tpu.memory_space<semaphore_mem>>)
      %dma_start3A_1109 = arith.constant 0 : i32
      %dma_start3A_1110 = arith.constant 1024 : i32
      %dma_start3A_1111 = tpu.memref_slice %arg9[%dma_start3A_1109, %dma_start3A_1110] : memref<16x1664xf32, #tpu.memory_space<vmem>> -> memref<16x128xf32, #tpu.memory_space<vmem>>
      %dma_start3A_1112 = arith.constant 1280 : i32
      %dma_start3A_1113 = tpu.memref_slice %arg5[%add3A_590, %dma_start3A_1112] : memref<16384x1664xf32, #tpu.memory_space<hbm>> -> memref<16x128xf32, #tpu.memory_space<hbm>>
      %dma_start3A_1114 = arith.constant 1280 : i32
      %dma_start3A_1115 = tpu.memref_slice %arg5[%add3A_590, %dma_start3A_1114] : memref<16384x1664xf32, #tpu.memory_space<hbm>> -> memref<16x128xf32, #tpu.memory_space<hbm>>
      %dma_start3A_1116 = arith.constant 0 : i32
      %dma_start3A_1117 = arith.constant 1024 : i32
      %dma_start3A_1118 = tpu.memref_slice %arg9[%dma_start3A_1116, %dma_start3A_1117] : memref<16x1664xf32, #tpu.memory_space<vmem>> -> memref<16x128xf32, #tpu.memory_space<vmem>>
      tpu.enqueue_dma source(%dma_start3A_1118 : memref<16x128xf32, #tpu.memory_space<vmem>>) target(%dma_start3A_1115 : memref<16x128xf32, #tpu.memory_space<hbm>>) target_semaphore(%arg12 : memref<!tpu.dma_semaphore, #tpu.memory_space<semaphore_mem>>)
      %dma_start3A_1119 = arith.constant 0 : i32
      %dma_start3A_1120 = arith.constant 1152 : i32
      %dma_start3A_1121 = tpu.memref_slice %arg9[%dma_start3A_1119, %dma_start3A_1120] : memref<16x1664xf32, #tpu.memory_space<vmem>> -> memref<16x128xf32, #tpu.memory_space<vmem>>
      %dma_start3A_1122 = arith.constant 1408 : i32
      %dma_start3A_1123 = tpu.memref_slice %arg4[%add3A_590, %dma_start3A_1122] : memref<16384x1664xf32, #tpu.memory_space<hbm>> -> memref<16x128xf32, #tpu.memory_space<hbm>>
      %dma_start3A_1124 = arith.constant 1408 : i32
      %dma_start3A_1125 = tpu.memref_slice %arg4[%add3A_590, %dma_start3A_1124] : memref<16384x1664xf32, #tpu.memory_space<hbm>> -> memref<16x128xf32, #tpu.memory_space<hbm>>
      %dma_start3A_1126 = arith.constant 0 : i32
      %dma_start3A_1127 = arith.constant 1152 : i32
      %dma_start3A_1128 = tpu.memref_slice %arg9[%dma_start3A_1126, %dma_start3A_1127] : memref<16x1664xf32, #tpu.memory_space<vmem>> -> memref<16x128xf32, #tpu.memory_space<vmem>>
      tpu.enqueue_dma source(%dma_start3A_1128 : memref<16x128xf32, #tpu.memory_space<vmem>>) target(%dma_start3A_1125 : memref<16x128xf32, #tpu.memory_space<hbm>>) target_semaphore(%arg12 : memref<!tpu.dma_semaphore, #tpu.memory_space<semaphore_mem>>)
      %dma_start3A_1129 = arith.constant 0 : i32
      %dma_start3A_1130 = arith.constant 1280 : i32
      %dma_start3A_1131 = tpu.memref_slice %arg9[%dma_start3A_1129, %dma_start3A_1130] : memref<16x1664xf32, #tpu.memory_space<vmem>> -> memref<16x128xf32, #tpu.memory_space<vmem>>
      %dma_start3A_1132 = arith.constant 1408 : i32
      %dma_start3A_1133 = tpu.memref_slice %arg5[%add3A_590, %dma_start3A_1132] : memref<16384x1664xf32, #tpu.memory_space<hbm>> -> memref<16x128xf32, #tpu.memory_space<hbm>>
      %dma_start3A_1134 = arith.constant 1408 : i32
      %dma_start3A_1135 = tpu.memref_slice %arg5[%add3A_590, %dma_start3A_1134] : memref<16384x1664xf32, #tpu.memory_space<hbm>> -> memref<16x128xf32, #tpu.memory_space<hbm>>
      %dma_start3A_1136 = arith.constant 0 : i32
      %dma_start3A_1137 = arith.constant 1280 : i32
      %dma_start3A_1138 = tpu.memref_slice %arg9[%dma_start3A_1136, %dma_start3A_1137] : memref<16x1664xf32, #tpu.memory_space<vmem>> -> memref<16x128xf32, #tpu.memory_space<vmem>>
      tpu.enqueue_dma source(%dma_start3A_1138 : memref<16x128xf32, #tpu.memory_space<vmem>>) target(%dma_start3A_1135 : memref<16x128xf32, #tpu.memory_space<hbm>>) target_semaphore(%arg12 : memref<!tpu.dma_semaphore, #tpu.memory_space<semaphore_mem>>)
      %dma_start3A_1139 = arith.constant 0 : i32
      %dma_start3A_1140 = arith.constant 1408 : i32
      %dma_start3A_1141 = tpu.memref_slice %arg9[%dma_start3A_1139, %dma_start3A_1140] : memref<16x1664xf32, #tpu.memory_space<vmem>> -> memref<16x128xf32, #tpu.memory_space<vmem>>
      %dma_start3A_1142 = arith.constant 1536 : i32
      %dma_start3A_1143 = tpu.memref_slice %arg4[%add3A_590, %dma_start3A_1142] : memref<16384x1664xf32, #tpu.memory_space<hbm>> -> memref<16x128xf32, #tpu.memory_space<hbm>>
      %dma_start3A_1144 = arith.constant 1536 : i32
      %dma_start3A_1145 = tpu.memref_slice %arg4[%add3A_590, %dma_start3A_1144] : memref<16384x1664xf32, #tpu.memory_space<hbm>> -> memref<16x128xf32, #tpu.memory_space<hbm>>
      %dma_start3A_1146 = arith.constant 0 : i32
      %dma_start3A_1147 = arith.constant 1408 : i32
      %dma_start3A_1148 = tpu.memref_slice %arg9[%dma_start3A_1146, %dma_start3A_1147] : memref<16x1664xf32, #tpu.memory_space<vmem>> -> memref<16x128xf32, #tpu.memory_space<vmem>>
      tpu.enqueue_dma source(%dma_start3A_1148 : memref<16x128xf32, #tpu.memory_space<vmem>>) target(%dma_start3A_1145 : memref<16x128xf32, #tpu.memory_space<hbm>>) target_semaphore(%arg12 : memref<!tpu.dma_semaphore, #tpu.memory_space<semaphore_mem>>)
      %dma_start3A_1149 = arith.constant 0 : i32
      %dma_start3A_1150 = arith.constant 1536 : i32
      %dma_start3A_1151 = tpu.memref_slice %arg9[%dma_start3A_1149, %dma_start3A_1150] : memref<16x1664xf32, #tpu.memory_space<vmem>> -> memref<16x128xf32, #tpu.memory_space<vmem>>
      %dma_start3A_1152 = arith.constant 1536 : i32
      %dma_start3A_1153 = tpu.memref_slice %arg5[%add3A_590, %dma_start3A_1152] : memref<16384x1664xf32, #tpu.memory_space<hbm>> -> memref<16x128xf32, #tpu.memory_space<hbm>>
      %dma_start3A_1154 = arith.constant 1536 : i32
      %dma_start3A_1155 = tpu.memref_slice %arg5[%add3A_590, %dma_start3A_1154] : memref<16384x1664xf32, #tpu.memory_space<hbm>> -> memref<16x128xf32, #tpu.memory_space<hbm>>
      %dma_start3A_1156 = arith.constant 0 : i32
      %dma_start3A_1157 = arith.constant 1536 : i32
      %dma_start3A_1158 = tpu.memref_slice %arg9[%dma_start3A_1156, %dma_start3A_1157] : memref<16x1664xf32, #tpu.memory_space<vmem>> -> memref<16x128xf32, #tpu.memory_space<vmem>>
      tpu.enqueue_dma source(%dma_start3A_1158 : memref<16x128xf32, #tpu.memory_space<vmem>>) target(%dma_start3A_1155 : memref<16x128xf32, #tpu.memory_space<hbm>>) target_semaphore(%arg12 : memref<!tpu.dma_semaphore, #tpu.memory_space<semaphore_mem>>)
    }
    %scan3A_561 = arith.constant 15 : i32
    %dma_wait3A_562 = arith.constant 0 : i32
    %dma_wait3A_563 = tpu.memref_slice %arg4[%mul3A_2, %dma_wait3A_562] : memref<16384x1664xf32, #tpu.memory_space<hbm>> -> memref<16x1664xf32, #tpu.memory_space<hbm>>
    %dma_wait3A_564 = arith.constant 0 : i32
    %dma_wait3A_565 = tpu.memref_slice %arg4[%mul3A_2, %dma_wait3A_564] : memref<16384x1664xf32, #tpu.memory_space<hbm>> -> memref<16x1664xf32, #tpu.memory_space<hbm>>
    tpu.wait_dma2 semaphore(%arg11 : memref<!tpu.dma_semaphore, #tpu.memory_space<semaphore_mem>>) src(%arg6 : memref<16x1664xf32, #tpu.memory_space<vmem>>) dst(%dma_wait3A_565 : memref<16x1664xf32, #tpu.memory_space<hbm>>)
    %dma_wait3A_566 = arith.constant 0 : i32
    %dma_wait3A_567 = tpu.memref_slice %arg5[%mul3A_2, %dma_wait3A_566] : memref<16384x1664xf32, #tpu.memory_space<hbm>> -> memref<16x1664xf32, #tpu.memory_space<hbm>>
    %dma_wait3A_568 = arith.constant 0 : i32
    %dma_wait3A_569 = tpu.memref_slice %arg5[%mul3A_2, %dma_wait3A_568] : memref<16384x1664xf32, #tpu.memory_space<hbm>> -> memref<16x1664xf32, #tpu.memory_space<hbm>>
    tpu.wait_dma2 semaphore(%arg11 : memref<!tpu.dma_semaphore, #tpu.memory_space<semaphore_mem>>) src(%arg7 : memref<16x1664xf32, #tpu.memory_space<vmem>>) dst(%dma_wait3A_569 : memref<16x1664xf32, #tpu.memory_space<hbm>>)
    %dma_wait3A_570 = arith.constant 0 : i32
    %dma_wait3A_571 = tpu.memref_slice %arg4[%mul3A_2, %dma_wait3A_570] : memref<16384x1664xf32, #tpu.memory_space<hbm>> -> memref<16x1664xf32, #tpu.memory_space<hbm>>
    %dma_wait3A_572 = arith.constant 0 : i32
    %dma_wait3A_573 = tpu.memref_slice %arg4[%mul3A_2, %dma_wait3A_572] : memref<16384x1664xf32, #tpu.memory_space<hbm>> -> memref<16x1664xf32, #tpu.memory_space<hbm>>
    tpu.wait_dma2 semaphore(%arg12 : memref<!tpu.dma_semaphore, #tpu.memory_space<semaphore_mem>>) src(%arg8 : memref<16x1664xf32, #tpu.memory_space<vmem>>) dst(%dma_wait3A_573 : memref<16x1664xf32, #tpu.memory_space<hbm>>)
    %dma_wait3A_574 = arith.constant 0 : i32
    %dma_wait3A_575 = tpu.memref_slice %arg5[%mul3A_2, %dma_wait3A_574] : memref<16384x1664xf32, #tpu.memory_space<hbm>> -> memref<16x1664xf32, #tpu.memory_space<hbm>>
    %dma_wait3A_576 = arith.constant 0 : i32
    %dma_wait3A_577 = tpu.memref_slice %arg5[%mul3A_2, %dma_wait3A_576] : memref<16384x1664xf32, #tpu.memory_space<hbm>> -> memref<16x1664xf32, #tpu.memory_space<hbm>>
    tpu.wait_dma2 semaphore(%arg12 : memref<!tpu.dma_semaphore, #tpu.memory_space<semaphore_mem>>) src(%arg9 : memref<16x1664xf32, #tpu.memory_space<vmem>>) dst(%dma_wait3A_577 : memref<16x1664xf32, #tpu.memory_space<hbm>>)
    return
  }
}

</mosaic_0001>

<sc_bundles>
// kernel: kernel.3.cloned.1.call-start
scs
__scs_entry_jumppad:
0x0: {  	(pc) =	sbr.rel $0x88, $3  }
0x1: {  	(tag) =	ssettag $0x0;
	lr =	simm.s32 $0x1  }
0x2: {  	[smem:$0x3F9F] =	sst lr;
	_ =	strace $0xD0000000  }
0x3: {  	_ = 	snop  }
0x4: {  	_ = 	snop  }
0x5: {  	_ = 	snop  }
0x6: {  	_ = 	snop  }
0x7: {  	_ = 	snop  }
__scs_overlays_trampoline_lowered:
0x8: {  	[smem:$0x3FAE] =	sst s0  }
0x9: {  	[smem:$0x3FAF] =	sst s1  }
0xa: {  	[smem:$0x3FB0] =	sst s2  }
0xb: {  	[smem:$0x3FB1] =	sst s3  }
0xc: {  	[smem:$0x3FB2] =	sst s4  }
0xd: {  	[smem:$0x3FB3] =	sst s5  }
0xe: {  	[smem:$0x3FB4] =	sst s6  }
0xf: {  	[smem:$0x3FB5] =	sst s7  }
0x10: {  	[smem:$0x3FB6] =	sst s8  }
0x11: {  	[smem:$0x3FB7] =	sst s9;
	s0 =	simm.s32 @!p0 $0x0  }
0x12: {  	s1 =	sld [smem:$0x3F9D];
	s0 =	simm.s32 @p0 $0x1  }
0x13: {  	[smem:$0x3FB8] =	sst s0;
	s0 =	simm.s32 @!p1 $0x0  }
0x14: {  	s2 =	sld [smem:$0x3F9C];
	s0 =	simm.s32 @p1 $0x1  }
0x15: {  	[smem:$0x3FB9] =	sst s0;
	s0 =	simm.s32 @!p2 $0x0  }
0x16: {  	s3 =	sld [smem:$0x3FDB];
	s0 =	simm.s32 @p2 $0x1  }
0x17: {  	s4 =	simm.s32 $0x1BF5;
	[smem:$0x3FBB] =	sst s0  }
0x18: {  	s0 =	sld [smem:$0x3F9E];
	_ =	swait.ge [sflag:s4], $0x0  }
0x19: {  	s7 =	sld [smem:$0x3F9F]  }
0x1a: {  	s8 =	sadd.s32 $0xFFFFE003, lr  }
0x1b: {  	s9 =	sadd.s32 $0xFFFFFEF7, lr;
	s5 =	simm.s32 $0xFFFFFFFF;
	p2 =	slt.u32 s8, $0xFFFFF086  }
0x1c: {  	p1 =	slt.u32 s9, $0xF7A;
	s5 =	simm.s32 @!p2 $0x0  }
0x1d: {  	s5 =	simm.s32 @p1 $0x1;
	p0 =	seq.s32 s7, s2  }
0x1e: {  	s7 =	smul.u32 @!p0 $0xF7A, s2;
	p2 =	seq.s32 @!p0 s5, $0x0  }
0x1f: {  	s9 =	smul.u32 $0xF7A, s1;
	s8 =	simm.s32 @!p0 $0x1BF5;
	p2 =	por !p2, p0  }
0x20: {  	[sflag:s8] =	ssyncset.s32 @!p0 $0xFFFFF086;
	s6 =	sadd.s32 @!p0 s3, s7;
	s7 =	simm.s32 @!p0 $0x108  }
0x21: {  	s3 =	sadd.s32 s3, s9;
	s6 =	sadd.s32 @!p0 $0x88, s6;
	s7 =	simm.s32 @p2 $0x1082  }
0x22: {  	[simem:s7], [sflag:s8] =	dma.local @!p0 [hbm:s6], $0xF7A  }
0x23: {  	s9 =	sor.u32 $0xD0000000, s2;
	s6 =	simm.s32 $0x108;
	_ =	swait.ge @!p0 [sflag:s8], $0x0  }
0x24: {  	s3 =	sadd.s32 $0x88, s3;
	s6 =	simm.s32 @!p1 $0x1082;
	[sflag:s4] =	ssyncset.s32 $0xFFFFF086  }
0x25: {  	[simem:s6], [sflag:s4] =	dma.local [hbm:s3], $0xF7A  }
0x26: {  	[smem:$0x3F9F] =	sst s1;
	(tag) =	ssettag s2;
	_ =	strace s9  }
0x27: {  	s1 =	sld [smem:$0x3FAF]  }
0x28: {  	s2 =	sld [smem:$0x3FB0]  }
0x29: {  	s4 =	sld [smem:$0x3FB2]  }
0x2a: {  	p0 =	seq.s32 s5, $0x0;
	s5 =	sld [smem:$0x3FB3]  }
0x2b: {  	s6 =	sld [smem:$0x3FB4]  }
0x2c: {  	s7 =	sld [smem:$0x3FB5]  }
0x2d: {  	s3 =	simm.s32 $0x108;
	s8 =	sld [smem:$0x3FB6]  }
0x2e: {  	s3 =	simm.s32 @!p0 $0x1082;
	s9 =	sld [smem:$0x3FB7]  }
0x2f: {  	lr =	sadd.s32 s0, s3;
	s0 =	sld [smem:$0x3FAE]  }
0x30: {  	s3 =	sld [smem:$0x3FB1]  }
0x31: {  	[smem:$0x3FBA] =	sst s10  }
0x32: {  	s10 =	sld [smem:$0x3FB8];
	_ =	sdelay $0x3  }
0x33: {  	p0 =	seq.s32 s10, $0x1;
	s10 =	sld [smem:$0x3FBA];
	_ =	sdelay $0x3  }
0x34: {  	[smem:$0x3FBA] =	sst s10  }
0x35: {  	s10 =	sld [smem:$0x3FB9];
	_ =	sdelay $0x3  }
0x36: {  	p1 =	seq.s32 s10, $0x1;
	s10 =	sld [smem:$0x3FBA];
	_ =	sdelay $0x3  }
0x37: {  	[smem:$0x3FBA] =	sst s10  }
0x38: {  	s10 =	sld [smem:$0x3FBB]  }
0x39: {  	_ = 	snop;
	(pc) =	sbr.ind lr, $3  }
0x3a: {  	_ = 	snop  }
0x3b: {  	_ = 	snop  }
0x3c: {  	p2 =	seq.s32 s10, $0x1;
	s10 =	sld [smem:$0x3FBA]  }
0x3d: {  	_ =	shalt  }
0x3e: {  	_ =	shalt  }
0x3f: {  	_ =	shalt  }
0x40: {  	_ =	shalt  }
0x41: {  	_ =	shalt  }
0x42: {  	_ =	shalt  }
0x43: {  	_ =	shalt  }
0x44: {  	_ =	shalt  }
0x45: {  	_ =	shalt  }
0x46: {  	_ =	shalt  }
0x47: {  	_ =	shalt  }
0x48: {  	_ =	shalt  }
0x49: {  	_ =	shalt  }
0x4a: {  	_ =	shalt  }
0x4b: {  	_ =	shalt  }
0x4c: {  	_ =	shalt  }
0x4d: {  	_ =	shalt  }
0x4e: {  	_ =	shalt  }
0x4f: {  	_ =	shalt  }
0x50: {  	_ =	shalt  }
0x51: {  	_ =	shalt  }
0x52: {  	_ =	shalt  }
0x53: {  	_ =	shalt  }
0x54: {  	_ =	shalt  }
0x55: {  	_ =	shalt  }
0x56: {  	_ =	shalt  }
0x57: {  	_ =	shalt  }
0x58: {  	_ =	shalt  }
0x59: {  	_ =	shalt  }
0x5a: {  	_ =	shalt  }
0x5b: {  	_ =	shalt  }
0x5c: {  	_ =	shalt  }
0x5d: {  	_ =	shalt  }
0x5e: {  	_ =	shalt  }
0x5f: {  	_ =	shalt  }
0x60: {  	_ =	shalt  }
0x61: {  	_ =	shalt  }
0x62: {  	_ =	shalt  }
0x63: {  	_ =	shalt  }
0x64: {  	_ =	shalt  }
0x65: {  	_ =	shalt  }
0x66: {  	_ =	shalt  }
0x67: {  	_ =	shalt  }
0x68: {  	_ =	shalt  }
0x69: {  	_ =	shalt  }
0x6a: {  	_ =	shalt  }
0x6b: {  	_ =	shalt  }
0x6c: {  	_ =	shalt  }
0x6d: {  	_ =	shalt  }
0x6e: {  	_ =	shalt  }
0x6f: {  	_ =	shalt  }
0x70: {  	_ =	shalt  }
0x71: {  	_ =	shalt  }
0x72: {  	_ =	shalt  }
0x73: {  	_ =	shalt  }
0x74: {  	_ =	shalt  }
0x75: {  	_ =	shalt  }
0x76: {  	_ =	shalt  }
0x77: {  	_ =	shalt  }
0x78: {  	_ =	shalt  }
0x79: {  	_ =	shalt  }
0x7a: {  	_ =	shalt  }
0x7b: {  	_ =	shalt  }
0x7c: {  	_ =	shalt  }
0x7d: {  	_ =	shalt  }
0x7e: {  	_ =	shalt  }
0x7f: {  	_ =	shalt  }
0x80: {  	_ =	shalt  }
0x81: {  	_ =	shalt  }
0x82: {  	_ =	shalt  }
0x83: {  	_ =	shalt  }
0x84: {  	_ =	shalt  }
0x85: {  	_ =	shalt  }
0x86: {  	_ =	shalt  }
0x87: {  	_ =	shalt  }
.Lfunc_end0:
.L_simem_size_0:
called_computation_lowered:
.L_overlay_start_0:
0x88: {  	s2 =	sld [smem:$0x3FD9]  }
0x89: {  	s3 =	sld [smem:$0x3FFE];
	_ =	sdelay $0x1  }
0x8a: {  	s1 =	srdreg.scid  }
0x8b: {  	s0 =	sand.u32 $0x1, s1  }
0x8c: {  	s15 =	sshll.u32 s0, $0xA;
	s2 =	sadd.s32 s3, s2  }
0x8d: {  	s2 =	sadd.s32 s2, s15  }
0x8e: {  	[smem:$0x3FC6] =	sst s2  }
0x8f: {  	_ = 	snop  }
0x90: {  	s2 =	sld [smem:$0x3FD0];
	_ =	sdelay $0x1  }
0x91: {  	s16 =	sld [smem:$0x3FC9]  }
0x92: {  	s5 =	simm.s32 $0xA;
	s6 =	simm.s32 $0x10;
	s4 =	sld [smem:$0x3FC8]  }
0x93: {  	[smem:s6], [sflag:s5] =	dma.local [hbm:s2], $0x1  }
0x94: {  	_ =	swait.eq [sflag:s5], $0x1  }
0x95: {  	[sflag:s5] =	ssyncset.done $0x0  }
0x96: {  	s17 =	sld [smem:$0x10];
	[sflag:s5] =	ssyncadd.s32 $0xFFFFFFFF  }
0x97: {  	s18 =	sld [smem:$0x11];
	(tm) =	ssettm $0x1  }
0x98: {  	s19 =	sld [smem:$0x3FFB];
	_ =	sdelay $0x3  }
0x99: {  	_ =	strace s19  }
0x9a: {  	s6 =	sld [smem:$0x3FFC];
	_ =	sdelay $0x3  }
0x9b: {  	_ =	strace s6  }
0x9c: {  	s6 =	sld [smem:$0x3FFD];
	_ =	sdelay $0x3  }
0x9d: {  	_ =	strace s6  }
0x9e: {  	_ =	strace $0x8FFFFFFF  }
0x9f: {  	s20 =	sld [smem:$0x3FDB];
	_ =	sdelay $0x1  }
0xa0: {  	s7 =	simm.s32 $_scs_section_size  }
0xa1: {  	s8 =	simm.s32 $_size__tile_overlayer_lowered;
	s9 =	simm.s32 $_tile_overlayer_lowered  }
0xa2: {  	s23 =	simm.s32 $0x1BFF;
	s22 =	sshll.u32 s9, $0x1;
	s6 =	sadd.s32 s7, s20  }
0xa3: {  	s10 =	simm.s32 $0x0;
	s21 =	sshll.u32 s8, $0x1;
	s8 =	sadd.s32 s22, s6  }
0xa4: {  	[timem:s10], [sflag:s23] =	dma.local [hbm:s8], s21  }
0xa5: {  	_ =	swait.ge [sflag:s23], s21  }
0xa6: {  	s7 =	ssub.s32 $0x0, s21;
	[sflag:s23] =	ssyncset.done $0x0  }
0xa7: {  	[sflag:s23] =	ssyncadd.s32 s7;
	_ =	sdelay $0x1  }
0xa8: {  	s24 =	simm.s32 $0x1B8B  }
0xa9: {  	_ =	swait.ge [sflag:s24], $0x1  }
0xaa: {  	[sflag:s24] =	ssyncset.done $0x0  }
0xab: {  	s25 =	simm.s32 $0x1B8E;
	[sflag:s24] =	ssyncadd.s32 $0xFFFFFFFF  }
0xac: {  	s26 =	simm.s32 $execute0_lowered;
	[smem:$0x3FD2] =	sst s25  }
0xad: {  	s7 =	sshll.u32 s26, $0x1;
	_ =	strace $0x80000046;
	[dreg:$0x1] =	wrdreg $0xFFFFFFFF  }
0xae: {  	s28 =	simm.s32 $_size_execute0_lowered;
	s6 =	sadd.s32 s6, s7;
	[dreg:$0x0] =	wrdreg $0x0  }
0xaf: {  	s7 =	sshll.u32 s28, $0x1;
	[dreg:$0x2] =	wrdreg s6  }
0xb0: {  	[dreg:$0x3] =	wrdreg s7  }
0xb1: {  	[dreg:$0x4] =	wrdreg $0xC0  }
0xb2: {  	_ =	task [dreg:s10], $0x5FFFF  }
0xb3: {  	[dreg:$0x1] =	wrdreg $0xFFFFFFFF  }
0xb4: {  	[dreg:$0x0] =	wrdreg $0x60  }
0xb5: {  	[dreg:$0x2] =	wrdreg s16  }
0xb6: {  	[dreg:$0x3] =	wrdreg s4  }
0xb7: {  	[dreg:$0x4] =	wrdreg s17  }
0xb8: {  	[dreg:$0x5] =	wrdreg s18  }
0xb9: {  	[dreg:$0x6] =	wrdreg $0x9  }
0xba: {  	_ =	task.clear_ibuf [dreg:s10], $0x7FFFF;
	_ =	strace $0x90000046  }
0xbb: {  	s29 =	simm.s32 $0x9;
	_ =	strace $0x80000048  }
0xbc: {  	_ =	swait.ge [sflag:s29], $0x1  }
0xbd: {  	[sflag:s29] =	ssyncadd.s32 $0xFFFFFFFF  }
0xbe: {  	_ =	strace $0x90000048  }
0xbf: {  	_ =	sfence  }
0xc0: {  	s30 =	sld [smem:$0x0];
	_ =	sdelay $0x2  }
0xc1: {  	s31 =	sshll.u32 s1, $0xD;
	s1 =	sshrl.u32 s1, $0x2  }
0xc2: {  	s3 =	sand.u32 $0x4000, s31;
	s1 =	sadd.s32 s1, s30  }
0xc3: {  	s0 =	sor.u32 s3, s0;
	s1 =	sshll.u32 s1, $0x11  }
0xc4: {  	s0 =	sor.u32 s1, s0  }
0xc5: {  	s0 =	sadd.s32 $0x8F2B, s0  }
0xc6: {  	[sflag:s0] =	ssyncadd.remote.s32 $0x1  }
0xc7: {  	_ =	sfence.sel $0xFFFF  }
0xc8: {  	[dreg:$0x0] =	wrdreg $0xFFFFFFFF;
	(pc) =	sbr.abs _section_cstart, $3  }
0xc9: {  	[dreg:$0x1] =	wrdreg $0xFFFFFFFF  }
0xca: {  	_ =	task.clear_ibuf [dreg:s10], $0x2FFFF;
	_ =	strace $0x9FFFFFFF  }
0xcb: {  	(tm) =	ssettm $0x7FFFFFFF  }
tec
execute0_lowered:
.L_overlay_start_1:
0x0: {  	(tag) =	ssettag $0x1  }
0x1: {  	s0 =	srdreg.scid  }
0x2: {  	s2 =	stileid.u32;
	s1 =	sand.u32 $0x1, s0  }
0x3: {  	s9 =	sshll.u32 s2, $0xA;
	s10 =	sshll.u32 s1, $0x9  }
0x4: {  	s5 =	rddreg [dreg:$0x0];
	s7 =	sor.u32 s10, s9  }
0x5: {  	s6 =	rddreg [dreg:$0x1];
	s0 =	sshrl.u32 s7, $0x3  }
0x6: {  	s3 =	rddreg [dreg:$0x3];
	s0 =	smul.u32 $0x680, s0  }
0x7: {  	s4 =	simm.s32 $0x0;
	s2 =	rddreg [dreg:$0x2]  }
0x8: {  	[smem:$0x7FF] =	sst s4;
	s1 =	ssub.s32 $0x2, s1;
	s9 =	sor.u32 $0x80, s0  }
0x9: {  	_ =	strace $0x80000047;
	s8 =	sshrl.u32 s1, $0x1;
	s11 =	sadd.s32 s2, s9  }
0xa: {  	s13 =	sor.u32 $0x100, s0;
	s12 =	sadd.s32 s3, s9;
	[dreg:$0x9] =	wrdreg s11  }
0xb: {  	s1 =	ssub.s32 s1, s8;
	s10 =	sadd.s32 s2, s13;
	[dreg:$0xa] =	wrdreg s12  }
0xc: {  	s14 =	sor.u32 $0x180, s0;
	s8 =	sadd.s32 s3, s13;
	[dreg:$0xb] =	wrdreg s10  }
0xd: {  	s15 =	sadd.s32 s2, s14;
	[dreg:$0xc] =	wrdreg s8  }
0xe: {  	s17 =	sor.u32 $0x200, s0;
	s16 =	sadd.s32 s3, s14;
	[dreg:$0xd] =	wrdreg s15  }
0xf: {  	s19 =	sor.u32 $0x280, s0;
	s18 =	sadd.s32 s2, s17;
	[dreg:$0xe] =	wrdreg s16  }
0x10: {  	s21 =	sadd.s32 s2, s19;
	[dreg:$0xf] =	wrdreg s18  }
0x11: {  	s20 =	sor.u32 $0x300, s0;
	s22 =	sadd.s32 s3, s19;
	[dreg:$0x11] =	wrdreg s21  }
0x12: {  	s23 =	sadd.s32 s2, s20;
	[dreg:$0x12] =	wrdreg s22  }
0x13: {  	s7 =	sor.u32 $0x20, s7;
	s24 =	sadd.s32 s3, s20;
	[dreg:$0x13] =	wrdreg s23  }
0x14: {  	s7 =	sshrl.u32 s7, $0x3;
	s9 =	sadd.s32 s6, s0;
	[dreg:$0x14] =	wrdreg s24  }
0x15: {  	s25 =	sor.u32 $0x380, s0;
	s8 =	sadd.s32 s3, s17;
	[smem:$0x7DE] =	sst s9  }
0x16: {  	s13 =	sor.u32 $0x400, s0;
	s10 =	sadd.s32 s2, s25;
	[dreg:$0x10] =	wrdreg s8  }
0x17: {  	s16 =	smul.u32 $0x680, s7;
	s7 =	sadd.s32 s3, s25;
	[dreg:$0x15] =	wrdreg s10  }
0x18: {  	s19 =	sor.u32 $0x500, s0;
	s15 =	sadd.s32 s2, s13;
	[dreg:$0x16] =	wrdreg s7  }
0x19: {  	s20 =	sadd.s32 s2, s19;
	[dreg:$0x17] =	wrdreg s15  }
0x1a: {  	s17 =	sor.u32 $0x480, s0;
	s8 =	sadd.s32 s3, s13;
	[dreg:$0x1b] =	wrdreg s20  }
0x1b: {  	s18 =	sadd.s32 s2, s17;
	[dreg:$0x18] =	wrdreg s8  }
0x1c: {  	s21 =	sor.u32 $0x580, s0;
	s7 =	sadd.s32 s3, s17;
	[dreg:$0x19] =	wrdreg s18  }
0x1d: {  	s23 =	sor.u32 $0x600, s0;
	s22 =	sadd.s32 s2, s21;
	[dreg:$0x1a] =	wrdreg s7  }
0x1e: {  	s25 =	sor.u32 $0xD00, s0;
	s24 =	sadd.s32 s2, s23;
	[dreg:$0x1d] =	wrdreg s22  }
0x1f: {  	s10 =	sadd.s32 s6, s25;
	[dreg:$0x1f] =	wrdreg s24  }
0x20: {  	s26 =	sadd.s32 s16, s3;
	[smem:$0x7DF] =	sst s10  }
0x21: {  	s11 =	sadd.s32 s16, s2;
	[dreg:$0x5] =	wrdreg s26  }
0x22: {  	s12 =	sadd.s32 s16, s6;
	[dreg:$0x6] =	wrdreg s11  }
0x23: {  	s14 =	sadd.s32 s16, s5;
	[dreg:$0x7] =	wrdreg s12  }
0x24: {  	s8 =	sadd.s32 s3, s19;
	[dreg:$0x8] =	wrdreg s14  }
0x25: {  	s13 =	sor.u32 $0xD80, s0;
	s7 =	sadd.s32 s3, s21;
	[dreg:$0x1c] =	wrdreg s8  }
0x26: {  	s20 =	sor.u32 $0xF00, s0;
	s15 =	sadd.s32 s2, s13;
	[dreg:$0x1e] =	wrdreg s7  }
0x27: {  	s22 =	sadd.s32 s2, s20;
	[smem:$0x7E2] =	sst s15  }
0x28: {  	s28 =	simm.s32 $0x6800;
	s8 =	sadd.s32 s3, s23;
	[smem:$0x7E8] =	sst s22  }
0x29: {  	s31 =	simm.s32 $0x1;
	s26 =	sadd.s32 s5, s0;
	[smem:$0x7DB] =	sst s8  }
0x2a: {  	s29 =	simm.s32 $0x3C00;
	s5 =	sadd.s32 s5, s25;
	[smem:$0x7DC] =	sst s26  }
0x2b: {  	s30 =	simm.s32 $0xC00;
	s11 =	sadd.s32 s2, s25;
	[smem:$0x7DD] =	sst s5  }
0x2c: {  	s19 =	sor.u32 $0xE80, s0;
	s12 =	sadd.s32 s3, s25;
	[smem:$0x7E0] =	sst s11  }
0x2d: {  	s24 =	sor.u32 $0xF80, s0;
	s21 =	sadd.s32 s2, s19;
	[smem:$0x7E1] =	sst s12  }
0x2e: {  	s10 =	sor.u32 $0x1080, s0;
	s23 =	sadd.s32 s3, s20;
	[smem:$0x7E6] =	sst s21  }
0x2f: {  	s14 =	sor.u32 $0xE00, s0;
	s5 =	sadd.s32 s3, s13;
	[smem:$0x7E9] =	sst s23  }
0x30: {  	s6 =	simm.s32 $0x13800;
	s17 =	sadd.s32 s2, s14;
	[smem:$0x7E3] =	sst s5  }
0x31: {  	s25 =	sor.u32 $0x1000, s0;
	s18 =	sadd.s32 s3, s14;
	[smem:$0x7E4] =	sst s17  }
0x32: {  	s15 =	sor.u32 $0x1180, s0;
	s26 =	sadd.s32 s2, s24;
	[smem:$0x7E5] =	sst s18  }
0x33: {  	s22 =	sor.u32 $0x1280, s0;
	s8 =	sadd.s32 s2, s25;
	[smem:$0x7EA] =	sst s26  }
0x34: {  	s7 =	simm.s32 $0x4C00;
	s9 =	sadd.s32 s3, s25;
	[smem:$0x7EC] =	sst s8  }
0x35: {  	s11 =	sor.u32 $0x1100, s0;
	s12 =	sadd.s32 s2, s10;
	[smem:$0x7ED] =	sst s9  }
0x36: {  	s21 =	sadd.s32 s2, s0;
	s23 =	sadd.s32 s3, s0;
	[smem:$0x7EE] =	sst s12  }
0x37: {  	s5 =	sadd.s32 s3, s19;
	s13 =	sadd.s32 s2, s11;
	[smem:$0x7F6] =	sst s21  }
0x38: {  	s14 =	sadd.s32 s3, s11;
	s17 =	sor.u32 $0x1200, s0;
	[smem:$0x7F7] =	sst s23  }
0x39: {  	s18 =	sadd.s32 s2, s15;
	s0 =	sor.u32 $0x1300, s0;
	[smem:$0x7E7] =	sst s5  }
0x3a: {  	s26 =	smax.u32 s1, $0x1;
	s21 =	simm.s32 $0x3400;
	[smem:$0x7F0] =	sst s13  }
0x3b: {  	s23 =	simm.s32 $0x3800;
	s1 =	simm.s32 $0x1800;
	[smem:$0x7F1] =	sst s14  }
0x3c: {  	s8 =	simm.s32 $0x1C00;
	s9 =	simm.s32 $0x5000;
	[smem:$0x7F2] =	sst s18  }
0x3d: {  	s11 =	simm.s32 $0x2;
	s5 =	sadd.s32 s3, s24;
	[smem:$0x7FC] =	sst s26  }
0x3e: {  	s12 =	simm.s32 $0x3;
	s19 =	sadd.s32 s2, s17;
	[smem:$0x7EB] =	sst s5  }
0x3f: {  	s20 =	sadd.s32 s3, s17;
	s24 =	sadd.s32 s2, s22;
	[smem:$0x7F4] =	sst s19  }
0x40: {  	s25 =	sadd.s32 s2, s0;
	s0 =	sadd.s32 s3, s0;
	[smem:$0x7F5] =	sst s20  }
0x41: {  	s26 =	simm.s32 $0x4400;
	s13 =	simm.s32 $0x1400;
	[smem:$0x7F8] =	sst s24  }
0x42: {  	s17 =	simm.s32 $0x2400;
	s18 =	simm.s32 $0x5800;
	[smem:$0x7FA] =	sst s25  }
0x43: {  	s14 =	simm.s32 $0x0;
	s5 =	sadd.s32 s3, s10;
	[smem:$0x7FB] =	sst s0  }
0x44: {  	s20 =	simm.s32 $0x800;
	s24 =	simm.s32 $0x4000;
	s25 =	simm.s32 $0x1000  }
0x45: {  	s10 =	simm.s32 $0x4800;
	s0 =	simm.s32 $0x2000;
	[smem:$0x7FD] =	sst s14  }
0x46: {  	s19 =	simm.s32 $0x2800;
	[smem:$0x7EF] =	sst s5;
	s5 =	sadd.s32 s3, s15  }
0x47: {  	s15 =	simm.s32 $0x5400;
	[smem:$0x7F3] =	sst s5;
	s5 =	sadd.s32 s3, s22  }
0x48: {  	s22 =	simm.s32 $0x400;
	[smem:$0x7F9] =	sst s5;
	s5 =	simm.s32 $0xD000  }
.LBB2_1:
0x49: {  	s14 =	sld [smem:$0x7DC];
	_ =	sdelay $0x2  }
0x4a: {  	[tilespmem:s4], [sflag:$0x1] =	stream.linear.gather [hbm4b:s14+s4], $0x6800, $0x38;
	[tilespmem:$0x1A000] =	vst v63  }
0x4b: {  	s14 =	sld [smem:$0x7DE];
	_ =	sdelay $0x2  }
0x4c: {  	[tilespmem:s28], [sflag:$0x1] =	stream.linear.gather [hbm4b:s14+s4], $0x6800, $0x38;
	[tilespmem:$0x1A000] =	vst v63  }
0x4d: {  	_ =	swait.ge [sflag:s31], $0x6800  }
0x4e: {  	[sflag:s31] =	ssyncset.done $0x0  }
0x4f: {  	[sflag:s31] =	ssyncadd.s32 $0xFFFF9800  }
0x50: {  	_ =	swait.ge [sflag:s31], $0x6800  }
0x51: {  	s14 =	sld [smem:$0x7F6]  }
0x52: {  	[sflag:s31] =	ssyncset.done $0x0  }
0x53: {  	[sflag:s31] =	ssyncadd.s32 $0xFFFF9800  }
0x54: {  	[hbm4b:s14+s4] =	stream.linear.scatter [tilespmem:s4], [sflag:$0x2], $0x400, $0x38;
	[tilespmem:$0x1A000] =	vst v63  }
0x55: {  	s14 =	sadd.s32 $0x680, s14  }
0x56: {  	[hbm4b:s14+s4] =	stream.linear.scatter [tilespmem:s21], [sflag:$0x2], $0x400, $0x38;
	[tilespmem:$0x1A000] =	vst v63  }
0x57: {  	s14 =	sld [smem:$0x7F7];
	_ =	sdelay $0x2  }
0x58: {  	[hbm4b:s14+s4] =	stream.linear.scatter [tilespmem:s22], [sflag:$0x2], $0x400, $0x38;
	[tilespmem:$0x1A000] =	vst v63  }
0x59: {  	s14 =	sadd.s32 $0x680, s14  }
0x5a: {  	[hbm4b:s14+s4] =	stream.linear.scatter [tilespmem:s23], [sflag:$0x2], $0x400, $0x38;
	[tilespmem:$0x1A000] =	vst v63  }
0x5b: {  	s14 =	rddreg [dreg:$0x9]  }
0x5c: {  	[hbm4b:s14+s4] =	stream.linear.scatter [tilespmem:s20], [sflag:$0x2], $0x400, $0x38;
	[tilespmem:$0x1A000] =	vst v63  }
0x5d: {  	s14 =	sadd.s32 $0x680, s14  }
0x5e: {  	[hbm4b:s14+s4] =	stream.linear.scatter [tilespmem:s29], [sflag:$0x2], $0x400, $0x38;
	[tilespmem:$0x1A000] =	vst v63  }
0x5f: {  	s20 =	rddreg [dreg:$0xa]  }
0x60: {  	[hbm4b:s20+s4] =	stream.linear.scatter [tilespmem:s30], [sflag:$0x2], $0x400, $0x38;
	[tilespmem:$0x1A000] =	vst v63  }
0x61: {  	s14 =	sadd.s32 $0x680, s20  }
0x62: {  	[hbm4b:s14+s4] =	stream.linear.scatter [tilespmem:s24], [sflag:$0x2], $0x400, $0x38;
	[tilespmem:$0x1A000] =	vst v63  }
0x63: {  	s24 =	rddreg [dreg:$0xb]  }
0x64: {  	[hbm4b:s24+s4] =	stream.linear.scatter [tilespmem:s25], [sflag:$0x2], $0x400, $0x38;
	[tilespmem:$0x1A000] =	vst v63  }
0x65: {  	s14 =	sadd.s32 $0x680, s24  }
0x66: {  	[hbm4b:s14+s4] =	stream.linear.scatter [tilespmem:s26], [sflag:$0x2], $0x400, $0x38;
	[tilespmem:$0x1A000] =	vst v63  }
0x67: {  	s25 =	rddreg [dreg:$0xc]  }
0x68: {  	[hbm4b:s25+s4] =	stream.linear.scatter [tilespmem:s13], [sflag:$0x2], $0x400, $0x38;
	[tilespmem:$0x1A000] =	vst v63  }
0x69: {  	s14 =	sadd.s32 $0x680, s25  }
0x6a: {  	[hbm4b:s14+s4] =	stream.linear.scatter [tilespmem:s10], [sflag:$0x2], $0x400, $0x38;
	[tilespmem:$0x1A000] =	vst v63  }
0x6b: {  	s26 =	rddreg [dreg:$0xd]  }
0x6c: {  	[hbm4b:s26+s4] =	stream.linear.scatter [tilespmem:s1], [sflag:$0x2], $0x400, $0x38;
	[tilespmem:$0x1A000] =	vst v63  }
0x6d: {  	s14 =	sadd.s32 $0x680, s26  }
0x6e: {  	[hbm4b:s14+s4] =	stream.linear.scatter [tilespmem:s7], [sflag:$0x2], $0x400, $0x38;
	[tilespmem:$0x1A000] =	vst v63  }
0x6f: {  	s7 =	rddreg [dreg:$0xe]  }
0x70: {  	[hbm4b:s7+s4] =	stream.linear.scatter [tilespmem:s8], [sflag:$0x2], $0x400, $0x38;
	[tilespmem:$0x1A000] =	vst v63  }
0x71: {  	s14 =	sadd.s32 $0x680, s7  }
0x72: {  	[hbm4b:s14+s4] =	stream.linear.scatter [tilespmem:s9], [sflag:$0x2], $0x400, $0x38;
	[tilespmem:$0x1A000] =	vst v63  }
0x73: {  	s10 =	rddreg [dreg:$0xf]  }
0x74: {  	[hbm4b:s10+s4] =	stream.linear.scatter [tilespmem:s0], [sflag:$0x2], $0x400, $0x38;
	[tilespmem:$0x1A000] =	vst v63  }
0x75: {  	s14 =	sadd.s32 $0x680, s10  }
0x76: {  	[hbm4b:s14+s4] =	stream.linear.scatter [tilespmem:s15], [sflag:$0x2], $0x400, $0x38;
	[tilespmem:$0x1A000] =	vst v63  }
0x77: {  	s13 =	rddreg [dreg:$0x10]  }
0x78: {  	[hbm4b:s13+s4] =	stream.linear.scatter [tilespmem:s17], [sflag:$0x2], $0x400, $0x38;
	[tilespmem:$0x1A000] =	vst v63  }
0x79: {  	s14 =	sadd.s32 $0x680, s13  }
0x7a: {  	[hbm4b:s14+s4] =	stream.linear.scatter [tilespmem:s18], [sflag:$0x2], $0x400, $0x38;
	[tilespmem:$0x1A000] =	vst v63  }
0x7b: {  	s15 =	rddreg [dreg:$0x11]  }
0x7c: {  	[hbm4b:s15+s4] =	stream.linear.scatter [tilespmem:s19], [sflag:$0x2], $0x400, $0x38;
	[tilespmem:$0x1A000] =	vst v63  }
0x7d: {  	s17 =	simm.s32 $0x5C00;
	s14 =	sadd.s32 $0x680, s15  }
0x7e: {  	[hbm4b:s14+s4] =	stream.linear.scatter [tilespmem:s17], [sflag:$0x2], $0x400, $0x38;
	[tilespmem:$0x1A000] =	vst v63  }
0x7f: {  	s18 =	rddreg [dreg:$0x12];
	s19 =	simm.s32 $0x2C00  }
0x80: {  	[hbm4b:s18+s4] =	stream.linear.scatter [tilespmem:s19], [sflag:$0x2], $0x400, $0x38;
	[tilespmem:$0x1A000] =	vst v63  }
0x81: {  	s20 =	simm.s32 $0x6000;
	s14 =	sadd.s32 $0x680, s18  }
0x82: {  	[hbm4b:s14+s4] =	stream.linear.scatter [tilespmem:s20], [sflag:$0x2], $0x400, $0x38;
	[tilespmem:$0x1A000] =	vst v63  }
0x83: {  	s24 =	rddreg [dreg:$0x13];
	s25 =	simm.s32 $0x3000  }
0x84: {  	[hbm4b:s24+s4] =	stream.linear.scatter [tilespmem:s25], [sflag:$0x2], $0x400, $0x38;
	[tilespmem:$0x1A000] =	vst v63  }
0x85: {  	s26 =	simm.s32 $0x6400;
	s14 =	sadd.s32 $0x680, s24  }
0x86: {  	[hbm4b:s14+s4] =	stream.linear.scatter [tilespmem:s26], [sflag:$0x2], $0x400, $0x38;
	[tilespmem:$0x1A000] =	vst v63  }
0x87: {  	s1 =	rddreg [dreg:$0x14]  }
0x88: {  	[hbm4b:s1+s4] =	stream.linear.scatter [tilespmem:s28], [sflag:$0x2], $0x400, $0x38;
	[tilespmem:$0x1A000] =	vst v63  }
0x89: {  	s7 =	simm.s32 $0x9C00;
	s14 =	sadd.s32 $0x680, s1  }
0x8a: {  	[hbm4b:s14+s4] =	stream.linear.scatter [tilespmem:s7], [sflag:$0x2], $0x400, $0x38;
	[tilespmem:$0x1A000] =	vst v63  }
0x8b: {  	s8 =	rddreg [dreg:$0x15];
	s9 =	simm.s32 $0x6C00  }
0x8c: {  	[hbm4b:s8+s4] =	stream.linear.scatter [tilespmem:s9], [sflag:$0x2], $0x400, $0x38;
	[tilespmem:$0x1A000] =	vst v63  }
0x8d: {  	s10 =	simm.s32 $0xA000;
	s14 =	sadd.s32 $0x680, s8  }
0x8e: {  	[hbm4b:s14+s4] =	stream.linear.scatter [tilespmem:s10], [sflag:$0x2], $0x400, $0x38;
	[tilespmem:$0x1A000] =	vst v63  }
0x8f: {  	s13 =	rddreg [dreg:$0x16];
	s15 =	simm.s32 $0x7000  }
0x90: {  	[hbm4b:s13+s4] =	stream.linear.scatter [tilespmem:s15], [sflag:$0x2], $0x400, $0x38;
	[tilespmem:$0x1A000] =	vst v63  }
0x91: {  	s17 =	simm.s32 $0xA400;
	s14 =	sadd.s32 $0x680, s13  }
0x92: {  	[hbm4b:s14+s4] =	stream.linear.scatter [tilespmem:s17], [sflag:$0x2], $0x400, $0x38;
	[tilespmem:$0x1A000] =	vst v63  }
0x93: {  	s18 =	rddreg [dreg:$0x17];
	s19 =	simm.s32 $0x7400  }
0x94: {  	[hbm4b:s18+s4] =	stream.linear.scatter [tilespmem:s19], [sflag:$0x2], $0x400, $0x38;
	[tilespmem:$0x1A000] =	vst v63  }
0x95: {  	s20 =	simm.s32 $0xA800;
	s14 =	sadd.s32 $0x680, s18  }
0x96: {  	[hbm4b:s14+s4] =	stream.linear.scatter [tilespmem:s20], [sflag:$0x2], $0x400, $0x38;
	[tilespmem:$0x1A000] =	vst v63  }
0x97: {  	s24 =	rddreg [dreg:$0x18];
	s25 =	simm.s32 $0x7800  }
0x98: {  	[hbm4b:s24+s4] =	stream.linear.scatter [tilespmem:s25], [sflag:$0x2], $0x400, $0x38;
	[tilespmem:$0x1A000] =	vst v63  }
0x99: {  	s26 =	simm.s32 $0xAC00;
	s14 =	sadd.s32 $0x680, s24  }
0x9a: {  	[hbm4b:s14+s4] =	stream.linear.scatter [tilespmem:s26], [sflag:$0x2], $0x400, $0x38;
	[tilespmem:$0x1A000] =	vst v63  }
0x9b: {  	s1 =	rddreg [dreg:$0x19];
	s7 =	simm.s32 $0x7C00  }
0x9c: {  	[hbm4b:s1+s4] =	stream.linear.scatter [tilespmem:s7], [sflag:$0x2], $0x400, $0x38;
	[tilespmem:$0x1A000] =	vst v63  }
0x9d: {  	s8 =	simm.s32 $0xB000;
	s14 =	sadd.s32 $0x680, s1  }
0x9e: {  	[hbm4b:s14+s4] =	stream.linear.scatter [tilespmem:s8], [sflag:$0x2], $0x400, $0x38;
	[tilespmem:$0x1A000] =	vst v63  }
0x9f: {  	s9 =	rddreg [dreg:$0x1a];
	s10 =	simm.s32 $0x8000  }
0xa0: {  	[hbm4b:s9+s4] =	stream.linear.scatter [tilespmem:s10], [sflag:$0x2], $0x400, $0x38;
	[tilespmem:$0x1A000] =	vst v63  }
0xa1: {  	s13 =	simm.s32 $0xB400;
	s14 =	sadd.s32 $0x680, s9  }
0xa2: {  	[hbm4b:s14+s4] =	stream.linear.scatter [tilespmem:s13], [sflag:$0x2], $0x400, $0x38;
	[tilespmem:$0x1A000] =	vst v63  }
0xa3: {  	s15 =	rddreg [dreg:$0x1b];
	s17 =	simm.s32 $0x8400  }
0xa4: {  	[hbm4b:s15+s4] =	stream.linear.scatter [tilespmem:s17], [sflag:$0x2], $0x400, $0x38;
	[tilespmem:$0x1A000] =	vst v63  }
0xa5: {  	s18 =	simm.s32 $0xB800;
	s14 =	sadd.s32 $0x680, s15  }
0xa6: {  	[hbm4b:s14+s4] =	stream.linear.scatter [tilespmem:s18], [sflag:$0x2], $0x400, $0x38;
	[tilespmem:$0x1A000] =	vst v63  }
0xa7: {  	s19 =	rddreg [dreg:$0x1c];
	s20 =	simm.s32 $0x8800  }
0xa8: {  	[hbm4b:s19+s4] =	stream.linear.scatter [tilespmem:s20], [sflag:$0x2], $0x400, $0x38;
	[tilespmem:$0x1A000] =	vst v63  }
0xa9: {  	s24 =	simm.s32 $0xBC00;
	s14 =	sadd.s32 $0x680, s19  }
0xaa: {  	[hbm4b:s14+s4] =	stream.linear.scatter [tilespmem:s24], [sflag:$0x2], $0x400, $0x38;
	[tilespmem:$0x1A000] =	vst v63  }
0xab: {  	s25 =	rddreg [dreg:$0x1d];
	s26 =	simm.s32 $0x8C00  }
0xac: {  	[hbm4b:s25+s4] =	stream.linear.scatter [tilespmem:s26], [sflag:$0x2], $0x400, $0x38;
	[tilespmem:$0x1A000] =	vst v63  }
0xad: {  	s1 =	simm.s32 $0xC000;
	s14 =	sadd.s32 $0x680, s25  }
0xae: {  	[hbm4b:s14+s4] =	stream.linear.scatter [tilespmem:s1], [sflag:$0x2], $0x400, $0x38;
	[tilespmem:$0x1A000] =	vst v63  }
0xaf: {  	s7 =	rddreg [dreg:$0x1e];
	s8 =	simm.s32 $0x9000  }
0xb0: {  	[hbm4b:s7+s4] =	stream.linear.scatter [tilespmem:s8], [sflag:$0x2], $0x400, $0x38;
	[tilespmem:$0x1A000] =	vst v63  }
0xb1: {  	s9 =	simm.s32 $0xC400;
	s14 =	sadd.s32 $0x680, s7  }
0xb2: {  	[hbm4b:s14+s4] =	stream.linear.scatter [tilespmem:s9], [sflag:$0x2], $0x400, $0x38;
	[tilespmem:$0x1A000] =	vst v63  }
0xb3: {  	s10 =	rddreg [dreg:$0x1f];
	s13 =	simm.s32 $0x9400  }
0xb4: {  	[hbm4b:s10+s4] =	stream.linear.scatter [tilespmem:s13], [sflag:$0x2], $0x400, $0x38;
	[tilespmem:$0x1A000] =	vst v63  }
0xb5: {  	s15 =	simm.s32 $0xC800;
	s17 =	sld [smem:$0x7DB];
	s14 =	sadd.s32 $0x680, s10  }
0xb6: {  	[hbm4b:s14+s4] =	stream.linear.scatter [tilespmem:s15], [sflag:$0x2], $0x400, $0x38;
	[tilespmem:$0x1A000] =	vst v63  }
0xb7: {  	s18 =	simm.s32 $0x9800  }
0xb8: {  	[hbm4b:s17+s4] =	stream.linear.scatter [tilespmem:s18], [sflag:$0x2], $0x400, $0x38;
	[tilespmem:$0x1A000] =	vst v63  }
0xb9: {  	s19 =	simm.s32 $0xCC00;
	s20 =	sld [smem:$0x7DD];
	s14 =	sadd.s32 $0x680, s17  }
0xba: {  	[hbm4b:s14+s4] =	stream.linear.scatter [tilespmem:s19], [sflag:$0x2], $0x400, $0x38;
	[tilespmem:$0x1A000] =	vst v63  }
0xbb: {  	s24 =	sld [smem:$0x7DF]  }
0xbc: {  	[tilespmem:s5], [sflag:$0x1] =	stream.linear.gather [hbm4b:s20+s4], $0x6800, $0x38;
	[tilespmem:$0x1A000] =	vst v63  }
0xbd: {  	_ = 	snop  }
0xbe: {  	[tilespmem:s6], [sflag:$0x1] =	stream.linear.gather [hbm4b:s24+s4], $0x6800, $0x38;
	[tilespmem:$0x1A000] =	vst v63  }
0xbf: {  	_ =	swait.ge [sflag:s31], $0x6800  }
0xc0: {  	[sflag:s31] =	ssyncset.done $0x0  }
0xc1: {  	[sflag:s31] =	ssyncadd.s32 $0xFFFF9800  }
0xc2: {  	_ =	swait.ge [sflag:s31], $0x6800  }
0xc3: {  	s25 =	sld [smem:$0x7E0]  }
0xc4: {  	[sflag:s31] =	ssyncset.done $0x0  }
0xc5: {  	[sflag:s31] =	ssyncadd.s32 $0xFFFF9800  }
0xc6: {  	[hbm4b:s25+s4] =	stream.linear.scatter [tilespmem:s5], [sflag:$0x3], $0x400, $0x38;
	[tilespmem:$0x1A000] =	vst v63  }
0xc7: {  	s26 =	simm.s32 $0x10400;
	s1 =	sld [smem:$0x7E1];
	s14 =	sadd.s32 $0x680, s25  }
0xc8: {  	[hbm4b:s14+s4] =	stream.linear.scatter [tilespmem:s26], [sflag:$0x3], $0x400, $0x38;
	[tilespmem:$0x1A000] =	vst v63  }
0xc9: {  	s7 =	simm.s32 $0xD400  }
0xca: {  	[hbm4b:s1+s4] =	stream.linear.scatter [tilespmem:s7], [sflag:$0x3], $0x400, $0x38;
	[tilespmem:$0x1A000] =	vst v63  }
0xcb: {  	s8 =	simm.s32 $0x10800;
	s9 =	sld [smem:$0x7E2];
	s14 =	sadd.s32 $0x680, s1  }
0xcc: {  	[hbm4b:s14+s4] =	stream.linear.scatter [tilespmem:s8], [sflag:$0x3], $0x400, $0x38;
	[tilespmem:$0x1A000] =	vst v63  }
0xcd: {  	s10 =	simm.s32 $0xD800  }
0xce: {  	[hbm4b:s9+s4] =	stream.linear.scatter [tilespmem:s10], [sflag:$0x3], $0x400, $0x38;
	[tilespmem:$0x1A000] =	vst v63  }
0xcf: {  	s13 =	simm.s32 $0x10C00;
	s15 =	sld [smem:$0x7E3];
	s14 =	sadd.s32 $0x680, s9  }
0xd0: {  	[hbm4b:s14+s4] =	stream.linear.scatter [tilespmem:s13], [sflag:$0x3], $0x400, $0x38;
	[tilespmem:$0x1A000] =	vst v63  }
0xd1: {  	s17 =	simm.s32 $0xDC00  }
0xd2: {  	[hbm4b:s15+s4] =	stream.linear.scatter [tilespmem:s17], [sflag:$0x3], $0x400, $0x38;
	[tilespmem:$0x1A000] =	vst v63  }
0xd3: {  	s18 =	simm.s32 $0x11000;
	s19 =	sld [smem:$0x7E4];
	s14 =	sadd.s32 $0x680, s15  }
0xd4: {  	[hbm4b:s14+s4] =	stream.linear.scatter [tilespmem:s18], [sflag:$0x3], $0x400, $0x38;
	[tilespmem:$0x1A000] =	vst v63  }
0xd5: {  	s20 =	simm.s32 $0xE000  }
0xd6: {  	[hbm4b:s19+s4] =	stream.linear.scatter [tilespmem:s20], [sflag:$0x3], $0x400, $0x38;
	[tilespmem:$0x1A000] =	vst v63  }
0xd7: {  	s24 =	simm.s32 $0x11400;
	s25 =	sld [smem:$0x7E5];
	s14 =	sadd.s32 $0x680, s19  }
0xd8: {  	[hbm4b:s14+s4] =	stream.linear.scatter [tilespmem:s24], [sflag:$0x3], $0x400, $0x38;
	[tilespmem:$0x1A000] =	vst v63  }
0xd9: {  	s26 =	simm.s32 $0xE400  }
0xda: {  	[hbm4b:s25+s4] =	stream.linear.scatter [tilespmem:s26], [sflag:$0x3], $0x400, $0x38;
	[tilespmem:$0x1A000] =	vst v63  }
0xdb: {  	s1 =	simm.s32 $0x11800;
	s7 =	sld [smem:$0x7E6];
	s14 =	sadd.s32 $0x680, s25  }
0xdc: {  	[hbm4b:s14+s4] =	stream.linear.scatter [tilespmem:s1], [sflag:$0x3], $0x400, $0x38;
	[tilespmem:$0x1A000] =	vst v63  }
0xdd: {  	s8 =	simm.s32 $0xE800  }
0xde: {  	[hbm4b:s7+s4] =	stream.linear.scatter [tilespmem:s8], [sflag:$0x3], $0x400, $0x38;
	[tilespmem:$0x1A000] =	vst v63  }
0xdf: {  	s9 =	simm.s32 $0x11C00;
	s10 =	sld [smem:$0x7E7];
	s14 =	sadd.s32 $0x680, s7  }
0xe0: {  	[hbm4b:s14+s4] =	stream.linear.scatter [tilespmem:s9], [sflag:$0x3], $0x400, $0x38;
	[tilespmem:$0x1A000] =	vst v63  }
0xe1: {  	s13 =	simm.s32 $0xEC00  }
0xe2: {  	[hbm4b:s10+s4] =	stream.linear.scatter [tilespmem:s13], [sflag:$0x3], $0x400, $0x38;
	[tilespmem:$0x1A000] =	vst v63  }
0xe3: {  	s15 =	simm.s32 $0x12000;
	s17 =	sld [smem:$0x7E8];
	s14 =	sadd.s32 $0x680, s10  }
0xe4: {  	[hbm4b:s14+s4] =	stream.linear.scatter [tilespmem:s15], [sflag:$0x3], $0x400, $0x38;
	[tilespmem:$0x1A000] =	vst v63  }
0xe5: {  	s18 =	simm.s32 $0xF000  }
0xe6: {  	[hbm4b:s17+s4] =	stream.linear.scatter [tilespmem:s18], [sflag:$0x3], $0x400, $0x38;
	[tilespmem:$0x1A000] =	vst v63  }
0xe7: {  	s19 =	simm.s32 $0x12400;
	s20 =	sld [smem:$0x7E9];
	s14 =	sadd.s32 $0x680, s17  }
0xe8: {  	[hbm4b:s14+s4] =	stream.linear.scatter [tilespmem:s19], [sflag:$0x3], $0x400, $0x38;
	[tilespmem:$0x1A000] =	vst v63  }
0xe9: {  	s24 =	simm.s32 $0xF400  }
0xea: {  	[hbm4b:s20+s4] =	stream.linear.scatter [tilespmem:s24], [sflag:$0x3], $0x400, $0x38;
	[tilespmem:$0x1A000] =	vst v63  }
0xeb: {  	s25 =	simm.s32 $0x12800;
	s26 =	sld [smem:$0x7EA];
	s14 =	sadd.s32 $0x680, s20  }
0xec: {  	[hbm4b:s14+s4] =	stream.linear.scatter [tilespmem:s25], [sflag:$0x3], $0x400, $0x38;
	[tilespmem:$0x1A000] =	vst v63  }
0xed: {  	s1 =	simm.s32 $0xF800  }
0xee: {  	[hbm4b:s26+s4] =	stream.linear.scatter [tilespmem:s1], [sflag:$0x3], $0x400, $0x38;
	[tilespmem:$0x1A000] =	vst v63  }
0xef: {  	s7 =	simm.s32 $0x12C00;
	s8 =	sld [smem:$0x7EB];
	s14 =	sadd.s32 $0x680, s26  }
0xf0: {  	[hbm4b:s14+s4] =	stream.linear.scatter [tilespmem:s7], [sflag:$0x3], $0x400, $0x38;
	[tilespmem:$0x1A000] =	vst v63  }
0xf1: {  	s9 =	simm.s32 $0xFC00  }
0xf2: {  	[hbm4b:s8+s4] =	stream.linear.scatter [tilespmem:s9], [sflag:$0x3], $0x400, $0x38;
	[tilespmem:$0x1A000] =	vst v63  }
0xf3: {  	s10 =	simm.s32 $0x13000;
	s13 =	sld [smem:$0x7EC];
	s14 =	sadd.s32 $0x680, s8  }
0xf4: {  	[hbm4b:s14+s4] =	stream.linear.scatter [tilespmem:s10], [sflag:$0x3], $0x400, $0x38;
	[tilespmem:$0x1A000] =	vst v63  }
0xf5: {  	s15 =	simm.s32 $0x10000  }
0xf6: {  	[hbm4b:s13+s4] =	stream.linear.scatter [tilespmem:s15], [sflag:$0x3], $0x400, $0x38;
	[tilespmem:$0x1A000] =	vst v63  }
0xf7: {  	s17 =	simm.s32 $0x13400;
	s18 =	sld [smem:$0x7ED];
	s14 =	sadd.s32 $0x680, s13  }
0xf8: {  	[hbm4b:s14+s4] =	stream.linear.scatter [tilespmem:s17], [sflag:$0x3], $0x400, $0x38;
	[tilespmem:$0x1A000] =	vst v63  }
0xf9: {  	_ = 	snop  }
0xfa: {  	[hbm4b:s18+s4] =	stream.linear.scatter [tilespmem:s6], [sflag:$0x3], $0x400, $0x38;
	[tilespmem:$0x1A000] =	vst v63  }
0xfb: {  	s19 =	simm.s32 $0x16C00;
	s20 =	sld [smem:$0x7EE];
	s14 =	sadd.s32 $0x680, s18  }
0xfc: {  	[hbm4b:s14+s4] =	stream.linear.scatter [tilespmem:s19], [sflag:$0x3], $0x400, $0x38;
	[tilespmem:$0x1A000] =	vst v63  }
0xfd: {  	s24 =	simm.s32 $0x13C00  }
0xfe: {  	[hbm4b:s20+s4] =	stream.linear.scatter [tilespmem:s24], [sflag:$0x3], $0x400, $0x38;
	[tilespmem:$0x1A000] =	vst v63  }
0xff: {  	s25 =	simm.s32 $0x17000;
	s26 =	sld [smem:$0x7EF];
	s14 =	sadd.s32 $0x680, s20  }
0x100: {  	[hbm4b:s14+s4] =	stream.linear.scatter [tilespmem:s25], [sflag:$0x3], $0x400, $0x38;
	[tilespmem:$0x1A000] =	vst v63  }
0x101: {  	s1 =	simm.s32 $0x14000  }
0x102: {  	[hbm4b:s26+s4] =	stream.linear.scatter [tilespmem:s1], [sflag:$0x3], $0x400, $0x38;
	[tilespmem:$0x1A000] =	vst v63  }
0x103: {  	s7 =	simm.s32 $0x17400;
	s8 =	sld [smem:$0x7F0];
	s14 =	sadd.s32 $0x680, s26  }
0x104: {  	[hbm4b:s14+s4] =	stream.linear.scatter [tilespmem:s7], [sflag:$0x3], $0x400, $0x38;
	[tilespmem:$0x1A000] =	vst v63  }
0x105: {  	s9 =	simm.s32 $0x14400  }
0x106: {  	[hbm4b:s8+s4] =	stream.linear.scatter [tilespmem:s9], [sflag:$0x3], $0x400, $0x38;
	[tilespmem:$0x1A000] =	vst v63  }
0x107: {  	s10 =	simm.s32 $0x17800;
	s13 =	sld [smem:$0x7F1];
	s14 =	sadd.s32 $0x680, s8  }
0x108: {  	[hbm4b:s14+s4] =	stream.linear.scatter [tilespmem:s10], [sflag:$0x3], $0x400, $0x38;
	[tilespmem:$0x1A000] =	vst v63  }
0x109: {  	s15 =	simm.s32 $0x14800  }
0x10a: {  	[hbm4b:s13+s4] =	stream.linear.scatter [tilespmem:s15], [sflag:$0x3], $0x400, $0x38;
	[tilespmem:$0x1A000] =	vst v63  }
0x10b: {  	s17 =	simm.s32 $0x17C00;
	s18 =	sld [smem:$0x7F2];
	s14 =	sadd.s32 $0x680, s13  }
0x10c: {  	[hbm4b:s14+s4] =	stream.linear.scatter [tilespmem:s17], [sflag:$0x3], $0x400, $0x38;
	[tilespmem:$0x1A000] =	vst v63  }
0x10d: {  	s19 =	simm.s32 $0x14C00  }
0x10e: {  	[hbm4b:s18+s4] =	stream.linear.scatter [tilespmem:s19], [sflag:$0x3], $0x400, $0x38;
	[tilespmem:$0x1A000] =	vst v63  }
0x10f: {  	s20 =	simm.s32 $0x18000;
	s24 =	sld [smem:$0x7F3];
	s14 =	sadd.s32 $0x680, s18  }
0x110: {  	[hbm4b:s14+s4] =	stream.linear.scatter [tilespmem:s20], [sflag:$0x3], $0x400, $0x38;
	[tilespmem:$0x1A000] =	vst v63  }
0x111: {  	s25 =	simm.s32 $0x15000  }
0x112: {  	[hbm4b:s24+s4] =	stream.linear.scatter [tilespmem:s25], [sflag:$0x3], $0x400, $0x38;
	[tilespmem:$0x1A000] =	vst v63  }
0x113: {  	s26 =	simm.s32 $0x18400;
	s1 =	sld [smem:$0x7F4];
	s14 =	sadd.s32 $0x680, s24  }
0x114: {  	[hbm4b:s14+s4] =	stream.linear.scatter [tilespmem:s26], [sflag:$0x3], $0x400, $0x38;
	[tilespmem:$0x1A000] =	vst v63  }
0x115: {  	s7 =	simm.s32 $0x15400  }
0x116: {  	[hbm4b:s1+s4] =	stream.linear.scatter [tilespmem:s7], [sflag:$0x3], $0x400, $0x38;
	[tilespmem:$0x1A000] =	vst v63  }
0x117: {  	s8 =	simm.s32 $0x18800;
	s9 =	sld [smem:$0x7F5];
	s14 =	sadd.s32 $0x680, s1  }
0x118: {  	[hbm4b:s14+s4] =	stream.linear.scatter [tilespmem:s8], [sflag:$0x3], $0x400, $0x38;
	[tilespmem:$0x1A000] =	vst v63  }
0x119: {  	s10 =	simm.s32 $0x15800  }
0x11a: {  	[hbm4b:s9+s4] =	stream.linear.scatter [tilespmem:s10], [sflag:$0x3], $0x400, $0x38;
	[tilespmem:$0x1A000] =	vst v63  }
0x11b: {  	s13 =	simm.s32 $0x18C00;
	s15 =	sld [smem:$0x7F8];
	s14 =	sadd.s32 $0x680, s9  }
0x11c: {  	[hbm4b:s14+s4] =	stream.linear.scatter [tilespmem:s13], [sflag:$0x3], $0x400, $0x38;
	[tilespmem:$0x1A000] =	vst v63  }
0x11d: {  	s17 =	simm.s32 $0x15C00  }
0x11e: {  	[hbm4b:s15+s4] =	stream.linear.scatter [tilespmem:s17], [sflag:$0x3], $0x400, $0x38;
	[tilespmem:$0x1A000] =	vst v63  }
0x11f: {  	s18 =	simm.s32 $0x19000;
	s19 =	sld [smem:$0x7F9];
	s14 =	sadd.s32 $0x680, s15  }
0x120: {  	[hbm4b:s14+s4] =	stream.linear.scatter [tilespmem:s18], [sflag:$0x3], $0x400, $0x38;
	[tilespmem:$0x1A000] =	vst v63  }
0x121: {  	s20 =	simm.s32 $0x16000  }
0x122: {  	[hbm4b:s19+s4] =	stream.linear.scatter [tilespmem:s20], [sflag:$0x3], $0x400, $0x38;
	[tilespmem:$0x1A000] =	vst v63  }
0x123: {  	s24 =	simm.s32 $0x19400;
	s25 =	sld [smem:$0x7FA];
	s14 =	sadd.s32 $0x680, s19  }
0x124: {  	[hbm4b:s14+s4] =	stream.linear.scatter [tilespmem:s24], [sflag:$0x3], $0x400, $0x38;
	[tilespmem:$0x1A000] =	vst v63  }
0x125: {  	s26 =	simm.s32 $0x16400  }
0x126: {  	[hbm4b:s25+s4] =	stream.linear.scatter [tilespmem:s26], [sflag:$0x3], $0x400, $0x38;
	[tilespmem:$0x1A000] =	vst v63  }
0x127: {  	s1 =	simm.s32 $0x19800;
	s7 =	sld [smem:$0x7FB];
	s14 =	sadd.s32 $0x680, s25  }
0x128: {  	[hbm4b:s14+s4] =	stream.linear.scatter [tilespmem:s1], [sflag:$0x3], $0x400, $0x38;
	[tilespmem:$0x1A000] =	vst v63  }
0x129: {  	s8 =	simm.s32 $0x16800  }
0x12a: {  	[hbm4b:s7+s4] =	stream.linear.scatter [tilespmem:s8], [sflag:$0x3], $0x400, $0x38;
	[tilespmem:$0x1A000] =	vst v63  }
0x12b: {  	s9 =	simm.s32 $0x19C00;
	s14 =	sadd.s32 $0x680, s7  }
0x12c: {  	[hbm4b:s14+s4] =	stream.linear.scatter [tilespmem:s9], [sflag:$0x3], $0x400, $0x38;
	[tilespmem:$0x1A000] =	vst v63  }
0x12d: {  	_ =	swait.ge [sflag:s11], $0x6800  }
0x12e: {  	[sflag:s11] =	ssyncset.done $0x0  }
0x12f: {  	[sflag:s11] =	ssyncadd.s32 $0xFFFF9800  }
0x130: {  	_ =	swait.ge [sflag:s11], $0x6800  }
0x131: {  	s10 =	rddreg [dreg:$0x8]  }
0x132: {  	[sflag:s11] =	ssyncset.done $0x0;
	s13 =	rddreg [dreg:$0x7]  }
0x133: {  	[sflag:s11] =	ssyncadd.s32 $0xFFFF9800;
	s17 =	sadd.s32 $0x0, s10;
	s15 =	sadd.s32 $0x0, s13  }
0x134: {  	[tilespmem:s4], [sflag:$0x1] =	stream.linear.gather [hbm4b:s17+s4], $0x6800, $0x38;
	[tilespmem:$0x1A000] =	vst v63  }
0x135: {  	[smem:$0x7DA] =	sst s15  }
0x136: {  	[tilespmem:s28], [sflag:$0x1] =	stream.linear.gather [hbm4b:s15+s4], $0x6800, $0x38;
	[tilespmem:$0x1A000] =	vst v63  }
0x137: {  	_ =	swait.ge [sflag:s31], $0x6800  }
0x138: {  	[sflag:s31] =	ssyncset.done $0x0  }
0x139: {  	[sflag:s31] =	ssyncadd.s32 $0xFFFF9800  }
0x13a: {  	_ =	swait.ge [sflag:s31], $0x6800  }
0x13b: {  	s18 =	rddreg [dreg:$0x6];
	[sflag:s31] =	ssyncset.done $0x0  }
0x13c: {  	[sflag:s31] =	ssyncadd.s32 $0xFFFF9800;
	s14 =	sadd.s32 $0x0, s18  }
0x13d: {  	[hbm4b:s14+s4] =	stream.linear.scatter [tilespmem:s4], [sflag:$0x2], $0x400, $0x38;
	[tilespmem:$0x1A000] =	vst v63  }
0x13e: {  	s19 =	rddreg [dreg:$0x5];
	s28 =	sadd.s32 $0x680, s14  }
0x13f: {  	[hbm4b:s28+s4] =	stream.linear.scatter [tilespmem:s21], [sflag:$0x2], $0x400, $0x38;
	[tilespmem:$0x1A000] =	vst v63  }
0x140: {  	s15 =	sadd.s32 $0x0, s19;
	s18 =	sadd.s32 $0x0, s16  }
0x141: {  	[hbm4b:s15+s4] =	stream.linear.scatter [tilespmem:s22], [sflag:$0x2], $0x400, $0x38;
	[tilespmem:$0x1A000] =	vst v63  }
0x142: {  	s0 =	sadd.s32 $0x680, s15;
	s19 =	sor.u32 $0x80, s18  }
0x143: {  	[hbm4b:s0+s4] =	stream.linear.scatter [tilespmem:s23], [sflag:$0x2], $0x400, $0x38;
	[tilespmem:$0x1A000] =	vst v63  }
0x144: {  	s30 =	simm.s32 $0x800;
	s0 =	smov.u32 s16;
	s16 =	sadd.s32 s2, s19  }
0x145: {  	[hbm4b:s16+s4] =	stream.linear.scatter [tilespmem:s30], [sflag:$0x2], $0x400, $0x38;
	[tilespmem:$0x1A000] =	vst v63  }
0x146: {  	s1 =	simm.s32 $0x3C00;
	s16 =	sadd.s32 $0x680, s16  }
0x147: {  	[hbm4b:s16+s4] =	stream.linear.scatter [tilespmem:s1], [sflag:$0x2], $0x400, $0x38;
	[tilespmem:$0x1A000] =	vst v63  }
0x148: {  	s7 =	simm.s32 $0xC00;
	s1 =	sadd.s32 s3, s19  }
0x149: {  	[hbm4b:s1+s4] =	stream.linear.scatter [tilespmem:s7], [sflag:$0x2], $0x400, $0x38;
	[tilespmem:$0x1A000] =	vst v63  }
0x14a: {  	s20 =	simm.s32 $0x4000;
	s16 =	sadd.s32 $0x680, s1;
	s7 =	sor.u32 $0x100, s18  }
0x14b: {  	[hbm4b:s16+s4] =	stream.linear.scatter [tilespmem:s20], [sflag:$0x2], $0x400, $0x38;
	[tilespmem:$0x1A000] =	vst v63  }
0x14c: {  	s24 =	simm.s32 $0x1000;
	s20 =	sadd.s32 s2, s7  }
0x14d: {  	[hbm4b:s20+s4] =	stream.linear.scatter [tilespmem:s24], [sflag:$0x2], $0x400, $0x38;
	[tilespmem:$0x1A000] =	vst v63  }
0x14e: {  	s25 =	simm.s32 $0x4400;
	s16 =	sadd.s32 $0x680, s20  }
0x14f: {  	[hbm4b:s16+s4] =	stream.linear.scatter [tilespmem:s25], [sflag:$0x2], $0x400, $0x38;
	[tilespmem:$0x1A000] =	vst v63  }
0x150: {  	s26 =	simm.s32 $0x1400;
	s25 =	sadd.s32 s3, s7  }
0x151: {  	[hbm4b:s25+s4] =	stream.linear.scatter [tilespmem:s26], [sflag:$0x2], $0x400, $0x38;
	[tilespmem:$0x1A000] =	vst v63  }
0x152: {  	s28 =	simm.s32 $0x4800;
	s1 =	sor.u32 $0x180, s18;
	s16 =	sadd.s32 $0x680, s25  }
0x153: {  	[hbm4b:s16+s4] =	stream.linear.scatter [tilespmem:s28], [sflag:$0x2], $0x400, $0x38;
	[tilespmem:$0x1A000] =	vst v63  }
0x154: {  	s29 =	simm.s32 $0x1800;
	s7 =	sadd.s32 s2, s1  }
0x155: {  	[hbm4b:s7+s4] =	stream.linear.scatter [tilespmem:s29], [sflag:$0x2], $0x400, $0x38;
	[tilespmem:$0x1A000] =	vst v63  }
0x156: {  	s8 =	simm.s32 $0x4C00;
	s16 =	sadd.s32 $0x680, s7  }
0x157: {  	[hbm4b:s16+s4] =	stream.linear.scatter [tilespmem:s8], [sflag:$0x2], $0x400, $0x38;
	[tilespmem:$0x1A000] =	vst v63  }
0x158: {  	s9 =	simm.s32 $0x1C00;
	s19 =	sadd.s32 s3, s1  }
0x159: {  	[hbm4b:s19+s4] =	stream.linear.scatter [tilespmem:s9], [sflag:$0x2], $0x400, $0x38;
	[tilespmem:$0x1A000] =	vst v63  }
0x15a: {  	s10 =	simm.s32 $0x5000;
	s16 =	sadd.s32 $0x680, s19  }
0x15b: {  	[hbm4b:s16+s4] =	stream.linear.scatter [tilespmem:s10], [sflag:$0x2], $0x400, $0x38;
	[tilespmem:$0x1A000] =	vst v63  }
0x15c: {  	s13 =	simm.s32 $0x2000;
	s20 =	sadd.s32 $0x200, s14  }
0x15d: {  	[hbm4b:s20+s4] =	stream.linear.scatter [tilespmem:s13], [sflag:$0x2], $0x400, $0x38;
	[tilespmem:$0x1A000] =	vst v63  }
0x15e: {  	s24 =	sadd.s32 $0x880, s14;
	s25 =	simm.s32 $0x5400  }
0x15f: {  	[hbm4b:s24+s4] =	stream.linear.scatter [tilespmem:s25], [sflag:$0x2], $0x400, $0x38;
	[tilespmem:$0x1A000] =	vst v63  }
0x160: {  	s26 =	sadd.s32 $0x200, s15;
	s28 =	simm.s32 $0x2400  }
0x161: {  	[hbm4b:s26+s4] =	stream.linear.scatter [tilespmem:s28], [sflag:$0x2], $0x400, $0x38;
	[tilespmem:$0x1A000] =	vst v63  }
0x162: {  	s1 =	sadd.s32 $0x880, s15;
	s7 =	simm.s32 $0x5800  }
0x163: {  	[hbm4b:s1+s4] =	stream.linear.scatter [tilespmem:s7], [sflag:$0x2], $0x400, $0x38;
	[tilespmem:$0x1A000] =	vst v63  }
0x164: {  	s8 =	sadd.s32 $0x280, s14;
	s9 =	simm.s32 $0x2800  }
0x165: {  	[hbm4b:s8+s4] =	stream.linear.scatter [tilespmem:s9], [sflag:$0x2], $0x400, $0x38;
	[tilespmem:$0x1A000] =	vst v63  }
0x166: {  	s10 =	sadd.s32 $0x900, s14;
	s13 =	simm.s32 $0x5C00  }
0x167: {  	[hbm4b:s10+s4] =	stream.linear.scatter [tilespmem:s13], [sflag:$0x2], $0x400, $0x38;
	[tilespmem:$0x1A000] =	vst v63  }
0x168: {  	s19 =	sadd.s32 $0x280, s15;
	s20 =	simm.s32 $0x2C00  }
0x169: {  	[hbm4b:s19+s4] =	stream.linear.scatter [tilespmem:s20], [sflag:$0x2], $0x400, $0x38;
	[tilespmem:$0x1A000] =	vst v63  }
0x16a: {  	s24 =	sadd.s32 $0x900, s15;
	s25 =	simm.s32 $0x6000  }
0x16b: {  	[hbm4b:s24+s4] =	stream.linear.scatter [tilespmem:s25], [sflag:$0x2], $0x400, $0x38;
	[tilespmem:$0x1A000] =	vst v63  }
0x16c: {  	s26 =	sadd.s32 $0x300, s14;
	s28 =	simm.s32 $0x3000  }
0x16d: {  	[hbm4b:s26+s4] =	stream.linear.scatter [tilespmem:s28], [sflag:$0x2], $0x400, $0x38;
	[tilespmem:$0x1A000] =	vst v63  }
0x16e: {  	s1 =	sadd.s32 $0x980, s14;
	s7 =	simm.s32 $0x6400  }
0x16f: {  	[hbm4b:s1+s4] =	stream.linear.scatter [tilespmem:s7], [sflag:$0x2], $0x400, $0x38;
	[tilespmem:$0x1A000] =	vst v63  }
0x170: {  	s8 =	sadd.s32 $0x300, s15;
	s9 =	simm.s32 $0x6800  }
0x171: {  	[hbm4b:s8+s4] =	stream.linear.scatter [tilespmem:s9], [sflag:$0x2], $0x400, $0x38;
	[tilespmem:$0x1A000] =	vst v63  }
0x172: {  	s10 =	sadd.s32 $0x980, s15;
	s13 =	simm.s32 $0x9C00  }
0x173: {  	[hbm4b:s10+s4] =	stream.linear.scatter [tilespmem:s13], [sflag:$0x2], $0x400, $0x38;
	[tilespmem:$0x1A000] =	vst v63  }
0x174: {  	s19 =	sadd.s32 $0x380, s14;
	s20 =	simm.s32 $0x6C00  }
0x175: {  	[hbm4b:s19+s4] =	stream.linear.scatter [tilespmem:s20], [sflag:$0x2], $0x400, $0x38;
	[tilespmem:$0x1A000] =	vst v63  }
0x176: {  	s24 =	sadd.s32 $0xA00, s14;
	s25 =	simm.s32 $0xA000  }
0x177: {  	[hbm4b:s24+s4] =	stream.linear.scatter [tilespmem:s25], [sflag:$0x2], $0x400, $0x38;
	[tilespmem:$0x1A000] =	vst v63  }
0x178: {  	s26 =	sadd.s32 $0x380, s15;
	s28 =	simm.s32 $0x7000  }
0x179: {  	[hbm4b:s26+s4] =	stream.linear.scatter [tilespmem:s28], [sflag:$0x2], $0x400, $0x38;
	[tilespmem:$0x1A000] =	vst v63  }
0x17a: {  	s1 =	sadd.s32 $0xA00, s15;
	s7 =	simm.s32 $0xA400  }
0x17b: {  	[hbm4b:s1+s4] =	stream.linear.scatter [tilespmem:s7], [sflag:$0x2], $0x400, $0x38;
	[tilespmem:$0x1A000] =	vst v63  }
0x17c: {  	s8 =	sadd.s32 $0x400, s14;
	s9 =	simm.s32 $0x7400  }
0x17d: {  	[hbm4b:s8+s4] =	stream.linear.scatter [tilespmem:s9], [sflag:$0x2], $0x400, $0x38;
	[tilespmem:$0x1A000] =	vst v63  }
0x17e: {  	s10 =	sadd.s32 $0xA80, s14;
	s13 =	simm.s32 $0xA800  }
0x17f: {  	[hbm4b:s10+s4] =	stream.linear.scatter [tilespmem:s13], [sflag:$0x2], $0x400, $0x38;
	[tilespmem:$0x1A000] =	vst v63  }
0x180: {  	s19 =	sadd.s32 $0x400, s15;
	s20 =	simm.s32 $0x7800  }
0x181: {  	[hbm4b:s19+s4] =	stream.linear.scatter [tilespmem:s20], [sflag:$0x2], $0x400, $0x38;
	[tilespmem:$0x1A000] =	vst v63  }
0x182: {  	s24 =	sadd.s32 $0xA80, s15;
	s25 =	simm.s32 $0xAC00  }
0x183: {  	[hbm4b:s24+s4] =	stream.linear.scatter [tilespmem:s25], [sflag:$0x2], $0x400, $0x38;
	[tilespmem:$0x1A000] =	vst v63  }
0x184: {  	s26 =	sadd.s32 $0x480, s14;
	s28 =	simm.s32 $0x7C00  }
0x185: {  	[hbm4b:s26+s4] =	stream.linear.scatter [tilespmem:s28], [sflag:$0x2], $0x400, $0x38;
	[tilespmem:$0x1A000] =	vst v63  }
0x186: {  	s1 =	sadd.s32 $0xB00, s14;
	s7 =	simm.s32 $0xB000  }
0x187: {  	[hbm4b:s1+s4] =	stream.linear.scatter [tilespmem:s7], [sflag:$0x2], $0x400, $0x38;
	[tilespmem:$0x1A000] =	vst v63  }
0x188: {  	s8 =	sadd.s32 $0x480, s15;
	s9 =	simm.s32 $0x8000  }
0x189: {  	[hbm4b:s8+s4] =	stream.linear.scatter [tilespmem:s9], [sflag:$0x2], $0x400, $0x38;
	[tilespmem:$0x1A000] =	vst v63  }
0x18a: {  	s10 =	sadd.s32 $0xB00, s15;
	s13 =	simm.s32 $0xB400  }
0x18b: {  	[hbm4b:s10+s4] =	stream.linear.scatter [tilespmem:s13], [sflag:$0x2], $0x400, $0x38;
	[tilespmem:$0x1A000] =	vst v63  }
0x18c: {  	s19 =	sadd.s32 $0x500, s14;
	s20 =	simm.s32 $0x8400  }
0x18d: {  	[hbm4b:s19+s4] =	stream.linear.scatter [tilespmem:s20], [sflag:$0x2], $0x400, $0x38;
	[tilespmem:$0x1A000] =	vst v63  }
0x18e: {  	s24 =	sadd.s32 $0xB80, s14;
	s25 =	simm.s32 $0xB800  }
0x18f: {  	[hbm4b:s24+s4] =	stream.linear.scatter [tilespmem:s25], [sflag:$0x2], $0x400, $0x38;
	[tilespmem:$0x1A000] =	vst v63  }
0x190: {  	s26 =	sadd.s32 $0x500, s15;
	s28 =	simm.s32 $0x8800  }
0x191: {  	[hbm4b:s26+s4] =	stream.linear.scatter [tilespmem:s28], [sflag:$0x2], $0x400, $0x38;
	[tilespmem:$0x1A000] =	vst v63  }
0x192: {  	s1 =	sadd.s32 $0xB80, s15;
	s7 =	simm.s32 $0xBC00  }
0x193: {  	[hbm4b:s1+s4] =	stream.linear.scatter [tilespmem:s7], [sflag:$0x2], $0x400, $0x38;
	[tilespmem:$0x1A000] =	vst v63  }
0x194: {  	s8 =	sadd.s32 $0x580, s14;
	s9 =	simm.s32 $0x8C00  }
0x195: {  	[hbm4b:s8+s4] =	stream.linear.scatter [tilespmem:s9], [sflag:$0x2], $0x400, $0x38;
	[tilespmem:$0x1A000] =	vst v63  }
0x196: {  	s10 =	sadd.s32 $0xC00, s14;
	s13 =	simm.s32 $0xC000  }
0x197: {  	[hbm4b:s10+s4] =	stream.linear.scatter [tilespmem:s13], [sflag:$0x2], $0x400, $0x38;
	[tilespmem:$0x1A000] =	vst v63  }
0x198: {  	s19 =	sadd.s32 $0x580, s15;
	s20 =	simm.s32 $0x9000  }
0x199: {  	[hbm4b:s19+s4] =	stream.linear.scatter [tilespmem:s20], [sflag:$0x2], $0x400, $0x38;
	[tilespmem:$0x1A000] =	vst v63  }
0x19a: {  	s24 =	sadd.s32 $0xC00, s15;
	s25 =	simm.s32 $0xC400  }
0x19b: {  	[hbm4b:s24+s4] =	stream.linear.scatter [tilespmem:s25], [sflag:$0x2], $0x400, $0x38;
	[tilespmem:$0x1A000] =	vst v63  }
0x19c: {  	s26 =	sadd.s32 $0x600, s14;
	s28 =	simm.s32 $0x9400  }
0x19d: {  	[hbm4b:s26+s4] =	stream.linear.scatter [tilespmem:s28], [sflag:$0x2], $0x400, $0x38;
	[tilespmem:$0x1A000] =	vst v63  }
0x19e: {  	s1 =	sadd.s32 $0xC80, s14;
	s7 =	simm.s32 $0xC800  }
0x19f: {  	[hbm4b:s1+s4] =	stream.linear.scatter [tilespmem:s7], [sflag:$0x2], $0x400, $0x38;
	[tilespmem:$0x1A000] =	vst v63  }
0x1a0: {  	s8 =	sadd.s32 $0x600, s15;
	s9 =	simm.s32 $0x9800  }
0x1a1: {  	[hbm4b:s8+s4] =	stream.linear.scatter [tilespmem:s9], [sflag:$0x2], $0x400, $0x38;
	[tilespmem:$0x1A000] =	vst v63  }
0x1a2: {  	s10 =	sadd.s32 $0xC80, s15;
	s13 =	simm.s32 $0xCC00  }
0x1a3: {  	[hbm4b:s10+s4] =	stream.linear.scatter [tilespmem:s13], [sflag:$0x2], $0x400, $0x38;
	[tilespmem:$0x1A000] =	vst v63  }
0x1a4: {  	_ =	swait.ge [sflag:s12], $0x6800  }
0x1a5: {  	[sflag:s12] =	ssyncset.done $0x0  }
0x1a6: {  	[sflag:s12] =	ssyncadd.s32 $0xFFFF9800  }
0x1a7: {  	_ =	swait.ge [sflag:s12], $0x6800  }
0x1a8: {  	[sflag:s12] =	ssyncset.done $0x0;
	s20 =	sld [smem:$0x7DA]  }
0x1a9: {  	s19 =	sadd.s32 $0xD00, s17;
	[sflag:s12] =	ssyncadd.s32 $0xFFFF9800  }
0x1aa: {  	[tilespmem:s5], [sflag:$0x1] =	stream.linear.gather [hbm4b:s19+s4], $0x6800, $0x38;
	[tilespmem:$0x1A000] =	vst v63  }
0x1ab: {  	s24 =	sadd.s32 $0xD00, s20  }
0x1ac: {  	[tilespmem:s6], [sflag:$0x1] =	stream.linear.gather [hbm4b:s24+s4], $0x6800, $0x38;
	[tilespmem:$0x1A000] =	vst v63  }
0x1ad: {  	_ =	swait.ge [sflag:s31], $0x6800  }
0x1ae: {  	[sflag:s31] =	ssyncset.done $0x0  }
0x1af: {  	[sflag:s31] =	ssyncadd.s32 $0xFFFF9800  }
0x1b0: {  	_ =	swait.ge [sflag:s31], $0x6800  }
0x1b1: {  	[sflag:s31] =	ssyncset.done $0x0  }
0x1b2: {  	s25 =	sadd.s32 $0xD00, s14;
	[sflag:s31] =	ssyncadd.s32 $0xFFFF9800  }
0x1b3: {  	[hbm4b:s25+s4] =	stream.linear.scatter [tilespmem:s5], [sflag:$0x3], $0x400, $0x38;
	[tilespmem:$0x1A000] =	vst v63  }
0x1b4: {  	s26 =	sadd.s32 $0x1380, s14;
	s28 =	simm.s32 $0x10400  }
0x1b5: {  	[hbm4b:s26+s4] =	stream.linear.scatter [tilespmem:s28], [sflag:$0x3], $0x400, $0x38;
	[tilespmem:$0x1A000] =	vst v63  }
0x1b6: {  	s7 =	sadd.s32 $0xD00, s18;
	s8 =	sadd.s32 $0xD00, s15;
	s9 =	simm.s32 $0xD400  }
0x1b7: {  	[hbm4b:s8+s4] =	stream.linear.scatter [tilespmem:s9], [sflag:$0x3], $0x400, $0x38;
	[tilespmem:$0x1A000] =	vst v63  }
0x1b8: {  	s16 =	sor.u32 $0x80, s7;
	s10 =	sadd.s32 $0x1380, s15;
	s13 =	simm.s32 $0x10800  }
0x1b9: {  	[hbm4b:s10+s4] =	stream.linear.scatter [tilespmem:s13], [sflag:$0x3], $0x400, $0x38;
	[tilespmem:$0x1A000] =	vst v63  }
0x1ba: {  	s18 =	sadd.s32 s2, s16;
	s19 =	simm.s32 $0xD800  }
0x1bb: {  	[hbm4b:s18+s4] =	stream.linear.scatter [tilespmem:s19], [sflag:$0x3], $0x400, $0x38;
	[tilespmem:$0x1A000] =	vst v63  }
0x1bc: {  	s17 =	sadd.s32 $0x680, s18;
	s20 =	simm.s32 $0x10C00  }
0x1bd: {  	[hbm4b:s17+s4] =	stream.linear.scatter [tilespmem:s20], [sflag:$0x3], $0x400, $0x38;
	[tilespmem:$0x1A000] =	vst v63  }
0x1be: {  	s16 =	sadd.s32 s3, s16;
	s24 =	simm.s32 $0xDC00  }
0x1bf: {  	[hbm4b:s16+s4] =	stream.linear.scatter [tilespmem:s24], [sflag:$0x3], $0x400, $0x38;
	[tilespmem:$0x1A000] =	vst v63  }
0x1c0: {  	s25 =	simm.s32 $0x11000;
	s16 =	sadd.s32 $0x680, s16  }
0x1c1: {  	[hbm4b:s16+s4] =	stream.linear.scatter [tilespmem:s25], [sflag:$0x3], $0x400, $0x38;
	[tilespmem:$0x1A000] =	vst v63  }
0x1c2: {  	s26 =	sadd.s32 $0xE00, s14;
	s28 =	simm.s32 $0xE000  }
0x1c3: {  	[hbm4b:s26+s4] =	stream.linear.scatter [tilespmem:s28], [sflag:$0x3], $0x400, $0x38;
	[tilespmem:$0x1A000] =	vst v63  }
0x1c4: {  	s1 =	sadd.s32 $0x1480, s14;
	s7 =	simm.s32 $0x11400  }
0x1c5: {  	[hbm4b:s1+s4] =	stream.linear.scatter [tilespmem:s7], [sflag:$0x3], $0x400, $0x38;
	[tilespmem:$0x1A000] =	vst v63  }
0x1c6: {  	s8 =	sadd.s32 $0xE00, s15;
	s9 =	simm.s32 $0xE400  }
0x1c7: {  	[hbm4b:s8+s4] =	stream.linear.scatter [tilespmem:s9], [sflag:$0x3], $0x400, $0x38;
	[tilespmem:$0x1A000] =	vst v63  }
0x1c8: {  	s10 =	sadd.s32 $0x1480, s15;
	s13 =	simm.s32 $0x11800  }
0x1c9: {  	[hbm4b:s10+s4] =	stream.linear.scatter [tilespmem:s13], [sflag:$0x3], $0x400, $0x38;
	[tilespmem:$0x1A000] =	vst v63  }
0x1ca: {  	s18 =	simm.s32 $0xE800;
	s17 =	sadd.s32 $0xE80, s14  }
0x1cb: {  	[hbm4b:s17+s4] =	stream.linear.scatter [tilespmem:s18], [sflag:$0x3], $0x400, $0x38;
	[tilespmem:$0x1A000] =	vst v63  }
0x1cc: {  	s19 =	sadd.s32 $0x1500, s14;
	s20 =	simm.s32 $0x11C00  }
0x1cd: {  	[hbm4b:s19+s4] =	stream.linear.scatter [tilespmem:s20], [sflag:$0x3], $0x400, $0x38;
	[tilespmem:$0x1A000] =	vst v63  }
0x1ce: {  	s24 =	sadd.s32 $0xE80, s15;
	s25 =	simm.s32 $0xEC00  }
0x1cf: {  	[hbm4b:s24+s4] =	stream.linear.scatter [tilespmem:s25], [sflag:$0x3], $0x400, $0x38;
	[tilespmem:$0x1A000] =	vst v63  }
0x1d0: {  	s26 =	sadd.s32 $0x1500, s15;
	s28 =	simm.s32 $0x12000  }
0x1d1: {  	[hbm4b:s26+s4] =	stream.linear.scatter [tilespmem:s28], [sflag:$0x3], $0x400, $0x38;
	[tilespmem:$0x1A000] =	vst v63  }
0x1d2: {  	s1 =	sadd.s32 $0xF00, s14;
	s7 =	simm.s32 $0xF000  }
0x1d3: {  	[hbm4b:s1+s4] =	stream.linear.scatter [tilespmem:s7], [sflag:$0x3], $0x400, $0x38;
	[tilespmem:$0x1A000] =	vst v63  }
0x1d4: {  	s8 =	sadd.s32 $0x1580, s14;
	s9 =	simm.s32 $0x12400  }
0x1d5: {  	[hbm4b:s8+s4] =	stream.linear.scatter [tilespmem:s9], [sflag:$0x3], $0x400, $0x38;
	[tilespmem:$0x1A000] =	vst v63  }
0x1d6: {  	s10 =	sadd.s32 $0xF00, s15;
	s13 =	simm.s32 $0xF400  }
0x1d7: {  	[hbm4b:s10+s4] =	stream.linear.scatter [tilespmem:s13], [sflag:$0x3], $0x400, $0x38;
	[tilespmem:$0x1A000] =	vst v63  }
0x1d8: {  	s17 =	sadd.s32 $0x1580, s15;
	s18 =	simm.s32 $0x12800  }
0x1d9: {  	[hbm4b:s17+s4] =	stream.linear.scatter [tilespmem:s18], [sflag:$0x3], $0x400, $0x38;
	[tilespmem:$0x1A000] =	vst v63  }
0x1da: {  	s19 =	sadd.s32 $0xF80, s14;
	s20 =	simm.s32 $0xF800  }
0x1db: {  	[hbm4b:s19+s4] =	stream.linear.scatter [tilespmem:s20], [sflag:$0x3], $0x400, $0x38;
	[tilespmem:$0x1A000] =	vst v63  }
0x1dc: {  	s24 =	sadd.s32 $0x1600, s14;
	s25 =	simm.s32 $0x12C00  }
0x1dd: {  	[hbm4b:s24+s4] =	stream.linear.scatter [tilespmem:s25], [sflag:$0x3], $0x400, $0x38;
	[tilespmem:$0x1A000] =	vst v63  }
0x1de: {  	s26 =	sadd.s32 $0xF80, s15;
	s28 =	simm.s32 $0xFC00  }
0x1df: {  	[hbm4b:s26+s4] =	stream.linear.scatter [tilespmem:s28], [sflag:$0x3], $0x400, $0x38;
	[tilespmem:$0x1A000] =	vst v63  }
0x1e0: {  	s7 =	sadd.s32 $0x1600, s15;
	s8 =	simm.s32 $0x13000  }
0x1e1: {  	[hbm4b:s7+s4] =	stream.linear.scatter [tilespmem:s8], [sflag:$0x3], $0x400, $0x38;
	[tilespmem:$0x1A000] =	vst v63  }
0x1e2: {  	s9 =	sadd.s32 $0x1000, s14;
	s10 =	simm.s32 $0x10000  }
0x1e3: {  	[hbm4b:s9+s4] =	stream.linear.scatter [tilespmem:s10], [sflag:$0x3], $0x400, $0x38;
	[tilespmem:$0x1A000] =	vst v63  }
0x1e4: {  	s13 =	sadd.s32 $0x1680, s14;
	s17 =	simm.s32 $0x13400  }
0x1e5: {  	[hbm4b:s13+s4] =	stream.linear.scatter [tilespmem:s17], [sflag:$0x3], $0x400, $0x38;
	[tilespmem:$0x1A000] =	vst v63  }
0x1e6: {  	s18 =	sadd.s32 $0x1000, s15  }
0x1e7: {  	[hbm4b:s18+s4] =	stream.linear.scatter [tilespmem:s6], [sflag:$0x3], $0x400, $0x38;
	[tilespmem:$0x1A000] =	vst v63  }
0x1e8: {  	s19 =	sadd.s32 $0x1680, s15;
	s20 =	simm.s32 $0x16C00  }
0x1e9: {  	[hbm4b:s19+s4] =	stream.linear.scatter [tilespmem:s20], [sflag:$0x3], $0x400, $0x38;
	[tilespmem:$0x1A000] =	vst v63  }
0x1ea: {  	s24 =	sadd.s32 $0x1080, s14;
	s25 =	simm.s32 $0x13C00  }
0x1eb: {  	[hbm4b:s24+s4] =	stream.linear.scatter [tilespmem:s25], [sflag:$0x3], $0x400, $0x38;
	[tilespmem:$0x1A000] =	vst v63  }
0x1ec: {  	s26 =	sadd.s32 $0x1700, s14;
	s28 =	simm.s32 $0x17000  }
0x1ed: {  	[hbm4b:s26+s4] =	stream.linear.scatter [tilespmem:s28], [sflag:$0x3], $0x400, $0x38;
	[tilespmem:$0x1A000] =	vst v63  }
0x1ee: {  	s1 =	sadd.s32 $0x1080, s15;
	s7 =	simm.s32 $0x14000  }
0x1ef: {  	[hbm4b:s1+s4] =	stream.linear.scatter [tilespmem:s7], [sflag:$0x3], $0x400, $0x38;
	[tilespmem:$0x1A000] =	vst v63  }
0x1f0: {  	s8 =	sadd.s32 $0x1700, s15;
	s9 =	simm.s32 $0x17400  }
0x1f1: {  	[hbm4b:s8+s4] =	stream.linear.scatter [tilespmem:s9], [sflag:$0x3], $0x400, $0x38;
	[tilespmem:$0x1A000] =	vst v63  }
0x1f2: {  	s10 =	sadd.s32 $0x1100, s14;
	s13 =	simm.s32 $0x14400  }
0x1f3: {  	[hbm4b:s10+s4] =	stream.linear.scatter [tilespmem:s13], [sflag:$0x3], $0x400, $0x38;
	[tilespmem:$0x1A000] =	vst v63  }
0x1f4: {  	s17 =	sadd.s32 $0x1780, s14;
	s18 =	simm.s32 $0x17800  }
0x1f5: {  	[hbm4b:s17+s4] =	stream.linear.scatter [tilespmem:s18], [sflag:$0x3], $0x400, $0x38;
	[tilespmem:$0x1A000] =	vst v63  }
0x1f6: {  	s19 =	sadd.s32 $0x1100, s15;
	s20 =	simm.s32 $0x14800  }
0x1f7: {  	[hbm4b:s19+s4] =	stream.linear.scatter [tilespmem:s20], [sflag:$0x3], $0x400, $0x38;
	[tilespmem:$0x1A000] =	vst v63  }
0x1f8: {  	s24 =	sadd.s32 $0x1780, s15;
	s25 =	simm.s32 $0x17C00  }
0x1f9: {  	[hbm4b:s24+s4] =	stream.linear.scatter [tilespmem:s25], [sflag:$0x3], $0x400, $0x38;
	[tilespmem:$0x1A000] =	vst v63  }
0x1fa: {  	s26 =	sadd.s32 $0x1180, s14;
	s28 =	simm.s32 $0x14C00  }
0x1fb: {  	[hbm4b:s26+s4] =	stream.linear.scatter [tilespmem:s28], [sflag:$0x3], $0x400, $0x38;
	[tilespmem:$0x1A000] =	vst v63  }
0x1fc: {  	s1 =	sadd.s32 $0x1800, s14;
	s7 =	simm.s32 $0x18000  }
0x1fd: {  	[hbm4b:s1+s4] =	stream.linear.scatter [tilespmem:s7], [sflag:$0x3], $0x400, $0x38;
	[tilespmem:$0x1A000] =	vst v63  }
0x1fe: {  	s8 =	sadd.s32 $0x1180, s15;
	s9 =	simm.s32 $0x15000  }
0x1ff: {  	[hbm4b:s8+s4] =	stream.linear.scatter [tilespmem:s9], [sflag:$0x3], $0x400, $0x38;
	[tilespmem:$0x1A000] =	vst v63  }
0x200: {  	s10 =	sadd.s32 $0x1800, s15;
	s13 =	simm.s32 $0x18400  }
0x201: {  	[hbm4b:s10+s4] =	stream.linear.scatter [tilespmem:s13], [sflag:$0x3], $0x400, $0x38;
	[tilespmem:$0x1A000] =	vst v63  }
0x202: {  	s17 =	sadd.s32 $0x1200, s14;
	s18 =	simm.s32 $0x15400  }
0x203: {  	[hbm4b:s17+s4] =	stream.linear.scatter [tilespmem:s18], [sflag:$0x3], $0x400, $0x38;
	[tilespmem:$0x1A000] =	vst v63  }
0x204: {  	s30 =	simm.s32 $0x4400;
	s19 =	sadd.s32 $0x1880, s14;
	s20 =	simm.s32 $0x18800  }
0x205: {  	[hbm4b:s19+s4] =	stream.linear.scatter [tilespmem:s20], [sflag:$0x3], $0x400, $0x38;
	[tilespmem:$0x1A000] =	vst v63  }
0x206: {  	s29 =	simm.s32 $0x1000;
	s24 =	sadd.s32 $0x1200, s15;
	s25 =	simm.s32 $0x15800  }
0x207: {  	[hbm4b:s24+s4] =	stream.linear.scatter [tilespmem:s25], [sflag:$0x3], $0x400, $0x38;
	[tilespmem:$0x1A000] =	vst v63  }
0x208: {  	s26 =	sadd.s32 $0x1880, s15;
	s28 =	simm.s32 $0x18C00;
	s7 =	sadd.s32 $0x1280, s14  }
0x209: {  	[hbm4b:s26+s4] =	stream.linear.scatter [tilespmem:s28], [sflag:$0x3], $0x400, $0x38;
	[tilespmem:$0x1A000] =	vst v63  }
0x20a: {  	s1 =	simm.s32 $0x1400;
	s8 =	simm.s32 $0x15C00;
	s9 =	sadd.s32 $0x1900, s14  }
0x20b: {  	[hbm4b:s7+s4] =	stream.linear.scatter [tilespmem:s8], [sflag:$0x3], $0x400, $0x38;
	[tilespmem:$0x1A000] =	vst v63  }
0x20c: {  	s10 =	simm.s32 $0x19000;
	s13 =	sadd.s32 $0x1280, s15;
	s17 =	simm.s32 $0x16000  }
0x20d: {  	[hbm4b:s9+s4] =	stream.linear.scatter [tilespmem:s10], [sflag:$0x3], $0x400, $0x38;
	[tilespmem:$0x1A000] =	vst v63  }
0x20e: {  	s18 =	sadd.s32 $0x1900, s15;
	s19 =	simm.s32 $0x19400;
	s20 =	sadd.s32 $0x1300, s14  }
0x20f: {  	[hbm4b:s13+s4] =	stream.linear.scatter [tilespmem:s17], [sflag:$0x3], $0x400, $0x38;
	[tilespmem:$0x1A000] =	vst v63  }
0x210: {  	s14 =	sadd.s32 $0x1980, s14;
	s24 =	simm.s32 $0x16400;
	s25 =	simm.s32 $0x19800  }
0x211: {  	[hbm4b:s18+s4] =	stream.linear.scatter [tilespmem:s19], [sflag:$0x3], $0x400, $0x38;
	[tilespmem:$0x1A000] =	vst v63  }
0x212: {  	s26 =	sadd.s32 $0x1300, s15;
	s28 =	simm.s32 $0x16800;
	s15 =	sadd.s32 $0x1980, s15  }
0x213: {  	[hbm4b:s20+s4] =	stream.linear.scatter [tilespmem:s24], [sflag:$0x3], $0x400, $0x38;
	[tilespmem:$0x1A000] =	vst v63  }
0x214: {  	s7 =	simm.s32 $0x4800;
	s8 =	simm.s32 $0x1800;
	s9 =	simm.s32 $0x4C00  }
0x215: {  	[hbm4b:s14+s4] =	stream.linear.scatter [tilespmem:s25], [sflag:$0x3], $0x400, $0x38;
	[tilespmem:$0x1A000] =	vst v63  }
0x216: {  	s10 =	simm.s32 $0x1C00;
	s13 =	simm.s32 $0x5000;
	s24 =	simm.s32 $0x800  }
0x217: {  	[hbm4b:s26+s4] =	stream.linear.scatter [tilespmem:s28], [sflag:$0x3], $0x400, $0x38;
	[tilespmem:$0x1A000] =	vst v63  }
0x218: {  	s14 =	simm.s32 $0x1A00;
	s25 =	simm.s32 $0x6800;
	s26 =	simm.s32 $0xC00  }
.LBB2_2:
0x219: {  	s16 =	simm.s32 $0x19C00  }
0x21a: {  	[hbm4b:s15+s4] =	stream.linear.scatter [tilespmem:s16], [sflag:$0x3], $0x400, $0x38;
	[tilespmem:$0x1A000] =	vst v63  }
0x21b: {  	_ =	swait.ge [sflag:s11], $0x6800  }
0x21c: {  	[sflag:s11] =	ssyncset.done $0x0  }
0x21d: {  	[sflag:s11] =	ssyncadd.s32 $0xFFFF9800  }
0x21e: {  	_ =	swait.ge [sflag:s11], $0x6800  }
0x21f: {  	s19 =	smov.u32 s14;
	s17 =	rddreg [dreg:$0x8];
	[sflag:s11] =	ssyncset.done $0x0  }
0x220: {  	s18 =	rddreg [dreg:$0x7];
	[sflag:s11] =	ssyncadd.s32 $0xFFFF9800;
	s17 =	sadd.s32 s19, s17  }
0x221: {  	[tilespmem:s4], [sflag:$0x1] =	stream.linear.gather [hbm4b:s17+s4], $0x6800, $0x38;
	[tilespmem:$0x1A000] =	vst v63  }
0x222: {  	s18 =	sadd.s32 s19, s18  }
0x223: {  	[tilespmem:s25], [sflag:$0x1] =	stream.linear.gather [hbm4b:s18+s4], $0x6800, $0x38;
	[tilespmem:$0x1A000] =	vst v63  }
0x224: {  	_ =	swait.ge [sflag:s31], $0x6800  }
0x225: {  	[sflag:s31] =	ssyncset.done $0x0  }
0x226: {  	[sflag:s31] =	ssyncadd.s32 $0xFFFF9800  }
0x227: {  	_ =	swait.ge [sflag:s31], $0x6800  }
0x228: {  	s20 =	rddreg [dreg:$0x6];
	[sflag:s31] =	ssyncset.done $0x0  }
0x229: {  	[sflag:s31] =	ssyncadd.s32 $0xFFFF9800;
	s15 =	sadd.s32 s19, s20  }
0x22a: {  	[hbm4b:s15+s4] =	stream.linear.scatter [tilespmem:s4], [sflag:$0x2], $0x400, $0x38;
	[tilespmem:$0x1A000] =	vst v63  }
0x22b: {  	s28 =	rddreg [dreg:$0x5];
	s20 =	sadd.s32 $0x680, s15  }
0x22c: {  	[hbm4b:s20+s4] =	stream.linear.scatter [tilespmem:s21], [sflag:$0x2], $0x400, $0x38;
	[tilespmem:$0x1A000] =	vst v63  }
0x22d: {  	s16 =	sadd.s32 s19, s28;
	s19 =	sadd.s32 s19, s0  }
0x22e: {  	[hbm4b:s16+s4] =	stream.linear.scatter [tilespmem:s22], [sflag:$0x2], $0x400, $0x38;
	[tilespmem:$0x1A000] =	vst v63  }
0x22f: {  	s20 =	sor.u32 $0x80, s19;
	s22 =	sadd.s32 $0x680, s16  }
0x230: {  	[hbm4b:s22+s4] =	stream.linear.scatter [tilespmem:s23], [sflag:$0x2], $0x400, $0x38;
	[tilespmem:$0x1A000] =	vst v63  }
0x231: {  	s28 =	sadd.s32 s2, s20  }
0x232: {  	[hbm4b:s28+s4] =	stream.linear.scatter [tilespmem:s24], [sflag:$0x2], $0x400, $0x38;
	[tilespmem:$0x1A000] =	vst v63  }
0x233: {  	s23 =	sadd.s32 $0x680, s28;
	s28 =	simm.s32 $0x3C00  }
0x234: {  	[hbm4b:s23+s4] =	stream.linear.scatter [tilespmem:s28], [sflag:$0x2], $0x400, $0x38;
	[tilespmem:$0x1A000] =	vst v63  }
0x235: {  	s20 =	sadd.s32 s3, s20  }
0x236: {  	[hbm4b:s20+s4] =	stream.linear.scatter [tilespmem:s26], [sflag:$0x2], $0x400, $0x38;
	[tilespmem:$0x1A000] =	vst v63  }
0x237: {  	s21 =	sor.u32 $0x100, s19;
	s23 =	sadd.s32 $0x680, s20;
	s28 =	simm.s32 $0x4000  }
0x238: {  	[hbm4b:s23+s4] =	stream.linear.scatter [tilespmem:s28], [sflag:$0x2], $0x400, $0x38;
	[tilespmem:$0x1A000] =	vst v63  }
0x239: {  	s20 =	sadd.s32 s2, s21  }
0x23a: {  	[hbm4b:s20+s4] =	stream.linear.scatter [tilespmem:s29], [sflag:$0x2], $0x400, $0x38;
	[tilespmem:$0x1A000] =	vst v63  }
0x23b: {  	s23 =	sadd.s32 $0x680, s20  }
0x23c: {  	[hbm4b:s23+s4] =	stream.linear.scatter [tilespmem:s30], [sflag:$0x2], $0x400, $0x38;
	[tilespmem:$0x1A000] =	vst v63  }
0x23d: {  	s28 =	sadd.s32 s3, s21  }
0x23e: {  	[hbm4b:s28+s4] =	stream.linear.scatter [tilespmem:s1], [sflag:$0x2], $0x400, $0x38;
	[tilespmem:$0x1A000] =	vst v63  }
0x23f: {  	s22 =	sor.u32 $0x180, s19;
	s21 =	sadd.s32 $0x680, s28  }
0x240: {  	[hbm4b:s21+s4] =	stream.linear.scatter [tilespmem:s7], [sflag:$0x2], $0x400, $0x38;
	[tilespmem:$0x1A000] =	vst v63  }
0x241: {  	s20 =	sadd.s32 s2, s22  }
0x242: {  	[hbm4b:s20+s4] =	stream.linear.scatter [tilespmem:s8], [sflag:$0x2], $0x400, $0x38;
	[tilespmem:$0x1A000] =	vst v63  }
0x243: {  	s28 =	sadd.s32 $0x680, s20  }
0x244: {  	[hbm4b:s28+s4] =	stream.linear.scatter [tilespmem:s9], [sflag:$0x2], $0x400, $0x38;
	[tilespmem:$0x1A000] =	vst v63  }
0x245: {  	s20 =	sadd.s32 s3, s22  }
0x246: {  	[hbm4b:s20+s4] =	stream.linear.scatter [tilespmem:s10], [sflag:$0x2], $0x400, $0x38;
	[tilespmem:$0x1A000] =	vst v63  }
0x247: {  	s28 =	sadd.s32 $0x680, s20  }
0x248: {  	[hbm4b:s28+s4] =	stream.linear.scatter [tilespmem:s13], [sflag:$0x2], $0x400, $0x38;
	[tilespmem:$0x1A000] =	vst v63  }
0x249: {  	s20 =	sadd.s32 $0x200, s15;
	s28 =	simm.s32 $0x2000  }
0x24a: {  	[hbm4b:s20+s4] =	stream.linear.scatter [tilespmem:s28], [sflag:$0x2], $0x400, $0x38;
	[tilespmem:$0x1A000] =	vst v63  }
0x24b: {  	s21 =	sadd.s32 $0x880, s15;
	s28 =	simm.s32 $0x5400  }
0x24c: {  	[hbm4b:s21+s4] =	stream.linear.scatter [tilespmem:s28], [sflag:$0x2], $0x400, $0x38;
	[tilespmem:$0x1A000] =	vst v63  }
0x24d: {  	s20 =	sadd.s32 $0x200, s16;
	s28 =	simm.s32 $0x2400  }
0x24e: {  	[hbm4b:s20+s4] =	stream.linear.scatter [tilespmem:s28], [sflag:$0x2], $0x400, $0x38;
	[tilespmem:$0x1A000] =	vst v63  }
0x24f: {  	s21 =	sadd.s32 $0x880, s16;
	s28 =	simm.s32 $0x5800  }
0x250: {  	[hbm4b:s21+s4] =	stream.linear.scatter [tilespmem:s28], [sflag:$0x2], $0x400, $0x38;
	[tilespmem:$0x1A000] =	vst v63  }
0x251: {  	s20 =	sadd.s32 $0x280, s15;
	s28 =	simm.s32 $0x2800  }
0x252: {  	[hbm4b:s20+s4] =	stream.linear.scatter [tilespmem:s28], [sflag:$0x2], $0x400, $0x38;
	[tilespmem:$0x1A000] =	vst v63  }
0x253: {  	s21 =	sadd.s32 $0x900, s15;
	s28 =	simm.s32 $0x5C00  }
0x254: {  	[hbm4b:s21+s4] =	stream.linear.scatter [tilespmem:s28], [sflag:$0x2], $0x400, $0x38;
	[tilespmem:$0x1A000] =	vst v63  }
0x255: {  	s20 =	sadd.s32 $0x280, s16;
	s28 =	simm.s32 $0x2C00  }
0x256: {  	[hbm4b:s20+s4] =	stream.linear.scatter [tilespmem:s28], [sflag:$0x2], $0x400, $0x38;
	[tilespmem:$0x1A000] =	vst v63  }
0x257: {  	s21 =	sadd.s32 $0x900, s16;
	s28 =	simm.s32 $0x6000  }
0x258: {  	[hbm4b:s21+s4] =	stream.linear.scatter [tilespmem:s28], [sflag:$0x2], $0x400, $0x38;
	[tilespmem:$0x1A000] =	vst v63  }
0x259: {  	s20 =	sadd.s32 $0x300, s15;
	s28 =	simm.s32 $0x3000  }
0x25a: {  	[hbm4b:s20+s4] =	stream.linear.scatter [tilespmem:s28], [sflag:$0x2], $0x400, $0x38;
	[tilespmem:$0x1A000] =	vst v63  }
0x25b: {  	s21 =	sadd.s32 $0x980, s15;
	s28 =	simm.s32 $0x6400  }
0x25c: {  	[hbm4b:s21+s4] =	stream.linear.scatter [tilespmem:s28], [sflag:$0x2], $0x400, $0x38;
	[tilespmem:$0x1A000] =	vst v63  }
0x25d: {  	s20 =	sadd.s32 $0x300, s16  }
0x25e: {  	[hbm4b:s20+s4] =	stream.linear.scatter [tilespmem:s25], [sflag:$0x2], $0x400, $0x38;
	[tilespmem:$0x1A000] =	vst v63  }
0x25f: {  	s21 =	sadd.s32 $0x980, s16;
	s28 =	simm.s32 $0x9C00  }
0x260: {  	[hbm4b:s21+s4] =	stream.linear.scatter [tilespmem:s28], [sflag:$0x2], $0x400, $0x38;
	[tilespmem:$0x1A000] =	vst v63  }
0x261: {  	s20 =	sadd.s32 $0x380, s15;
	s28 =	simm.s32 $0x6C00  }
0x262: {  	[hbm4b:s20+s4] =	stream.linear.scatter [tilespmem:s28], [sflag:$0x2], $0x400, $0x38;
	[tilespmem:$0x1A000] =	vst v63  }
0x263: {  	s21 =	sadd.s32 $0xA00, s15;
	s28 =	simm.s32 $0xA000  }
0x264: {  	[hbm4b:s21+s4] =	stream.linear.scatter [tilespmem:s28], [sflag:$0x2], $0x400, $0x38;
	[tilespmem:$0x1A000] =	vst v63  }
0x265: {  	s20 =	sadd.s32 $0x380, s16;
	s28 =	simm.s32 $0x7000  }
0x266: {  	[hbm4b:s20+s4] =	stream.linear.scatter [tilespmem:s28], [sflag:$0x2], $0x400, $0x38;
	[tilespmem:$0x1A000] =	vst v63  }
0x267: {  	s21 =	sadd.s32 $0xA00, s16;
	s28 =	simm.s32 $0xA400  }
0x268: {  	[hbm4b:s21+s4] =	stream.linear.scatter [tilespmem:s28], [sflag:$0x2], $0x400, $0x38;
	[tilespmem:$0x1A000] =	vst v63  }
0x269: {  	s20 =	sadd.s32 $0x400, s15;
	s28 =	simm.s32 $0x7400  }
0x26a: {  	[hbm4b:s20+s4] =	stream.linear.scatter [tilespmem:s28], [sflag:$0x2], $0x400, $0x38;
	[tilespmem:$0x1A000] =	vst v63  }
0x26b: {  	s21 =	sadd.s32 $0xA80, s15;
	s28 =	simm.s32 $0xA800  }
0x26c: {  	[hbm4b:s21+s4] =	stream.linear.scatter [tilespmem:s28], [sflag:$0x2], $0x400, $0x38;
	[tilespmem:$0x1A000] =	vst v63  }
0x26d: {  	s20 =	sadd.s32 $0x400, s16;
	s28 =	simm.s32 $0x7800  }
0x26e: {  	[hbm4b:s20+s4] =	stream.linear.scatter [tilespmem:s28], [sflag:$0x2], $0x400, $0x38;
	[tilespmem:$0x1A000] =	vst v63  }
0x26f: {  	s21 =	sadd.s32 $0xA80, s16;
	s28 =	simm.s32 $0xAC00  }
0x270: {  	[hbm4b:s21+s4] =	stream.linear.scatter [tilespmem:s28], [sflag:$0x2], $0x400, $0x38;
	[tilespmem:$0x1A000] =	vst v63  }
0x271: {  	s20 =	sadd.s32 $0x480, s15;
	s28 =	simm.s32 $0x7C00  }
0x272: {  	[hbm4b:s20+s4] =	stream.linear.scatter [tilespmem:s28], [sflag:$0x2], $0x400, $0x38;
	[tilespmem:$0x1A000] =	vst v63  }
0x273: {  	s21 =	sadd.s32 $0xB00, s15;
	s28 =	simm.s32 $0xB000  }
0x274: {  	[hbm4b:s21+s4] =	stream.linear.scatter [tilespmem:s28], [sflag:$0x2], $0x400, $0x38;
	[tilespmem:$0x1A000] =	vst v63  }
0x275: {  	s20 =	sadd.s32 $0x480, s16;
	s28 =	simm.s32 $0x8000  }
0x276: {  	[hbm4b:s20+s4] =	stream.linear.scatter [tilespmem:s28], [sflag:$0x2], $0x400, $0x38;
	[tilespmem:$0x1A000] =	vst v63  }
0x277: {  	s21 =	sadd.s32 $0xB00, s16;
	s28 =	simm.s32 $0xB400  }
0x278: {  	[hbm4b:s21+s4] =	stream.linear.scatter [tilespmem:s28], [sflag:$0x2], $0x400, $0x38;
	[tilespmem:$0x1A000] =	vst v63  }
0x279: {  	s20 =	sadd.s32 $0x500, s15;
	s28 =	simm.s32 $0x8400  }
0x27a: {  	[hbm4b:s20+s4] =	stream.linear.scatter [tilespmem:s28], [sflag:$0x2], $0x400, $0x38;
	[tilespmem:$0x1A000] =	vst v63  }
0x27b: {  	s21 =	sadd.s32 $0xB80, s15;
	s28 =	simm.s32 $0xB800  }
0x27c: {  	[hbm4b:s21+s4] =	stream.linear.scatter [tilespmem:s28], [sflag:$0x2], $0x400, $0x38;
	[tilespmem:$0x1A000] =	vst v63  }
0x27d: {  	s20 =	sadd.s32 $0x500, s16;
	s28 =	simm.s32 $0x8800  }
0x27e: {  	[hbm4b:s20+s4] =	stream.linear.scatter [tilespmem:s28], [sflag:$0x2], $0x400, $0x38;
	[tilespmem:$0x1A000] =	vst v63  }
0x27f: {  	s21 =	sadd.s32 $0xB80, s16;
	s28 =	simm.s32 $0xBC00  }
0x280: {  	[hbm4b:s21+s4] =	stream.linear.scatter [tilespmem:s28], [sflag:$0x2], $0x400, $0x38;
	[tilespmem:$0x1A000] =	vst v63  }
0x281: {  	s20 =	sadd.s32 $0x580, s15;
	s28 =	simm.s32 $0x8C00  }
0x282: {  	[hbm4b:s20+s4] =	stream.linear.scatter [tilespmem:s28], [sflag:$0x2], $0x400, $0x38;
	[tilespmem:$0x1A000] =	vst v63  }
0x283: {  	s21 =	sadd.s32 $0xC00, s15;
	s28 =	simm.s32 $0xC000  }
0x284: {  	[hbm4b:s21+s4] =	stream.linear.scatter [tilespmem:s28], [sflag:$0x2], $0x400, $0x38;
	[tilespmem:$0x1A000] =	vst v63  }
0x285: {  	s20 =	sadd.s32 $0x580, s16;
	s28 =	simm.s32 $0x9000  }
0x286: {  	[hbm4b:s20+s4] =	stream.linear.scatter [tilespmem:s28], [sflag:$0x2], $0x400, $0x38;
	[tilespmem:$0x1A000] =	vst v63  }
0x287: {  	s21 =	sadd.s32 $0xC00, s16;
	s28 =	simm.s32 $0xC400  }
0x288: {  	[hbm4b:s21+s4] =	stream.linear.scatter [tilespmem:s28], [sflag:$0x2], $0x400, $0x38;
	[tilespmem:$0x1A000] =	vst v63  }
0x289: {  	s20 =	sadd.s32 $0x600, s15;
	s28 =	simm.s32 $0x9400  }
0x28a: {  	[hbm4b:s20+s4] =	stream.linear.scatter [tilespmem:s28], [sflag:$0x2], $0x400, $0x38;
	[tilespmem:$0x1A000] =	vst v63  }
0x28b: {  	s21 =	sadd.s32 $0xC80, s15;
	s28 =	simm.s32 $0xC800  }
0x28c: {  	[hbm4b:s21+s4] =	stream.linear.scatter [tilespmem:s28], [sflag:$0x2], $0x400, $0x38;
	[tilespmem:$0x1A000] =	vst v63  }
0x28d: {  	s20 =	sadd.s32 $0x600, s16;
	s28 =	simm.s32 $0x9800  }
0x28e: {  	[hbm4b:s20+s4] =	stream.linear.scatter [tilespmem:s28], [sflag:$0x2], $0x400, $0x38;
	[tilespmem:$0x1A000] =	vst v63  }
0x28f: {  	s21 =	sadd.s32 $0xC80, s16;
	s28 =	simm.s32 $0xCC00  }
0x290: {  	[hbm4b:s21+s4] =	stream.linear.scatter [tilespmem:s28], [sflag:$0x2], $0x400, $0x38;
	[tilespmem:$0x1A000] =	vst v63  }
0x291: {  	_ =	swait.ge [sflag:s12], $0x6800  }
0x292: {  	[sflag:s12] =	ssyncset.done $0x0  }
0x293: {  	[sflag:s12] =	ssyncadd.s32 $0xFFFF9800  }
0x294: {  	_ =	swait.ge [sflag:s12], $0x6800  }
0x295: {  	[sflag:s12] =	ssyncset.done $0x0  }
0x296: {  	s17 =	sadd.s32 $0xD00, s17;
	[sflag:s12] =	ssyncadd.s32 $0xFFFF9800  }
0x297: {  	[tilespmem:s5], [sflag:$0x1] =	stream.linear.gather [hbm4b:s17+s4], $0x6800, $0x38;
	[tilespmem:$0x1A000] =	vst v63  }
0x298: {  	s18 =	sadd.s32 $0xD00, s18  }
0x299: {  	[tilespmem:s6], [sflag:$0x1] =	stream.linear.gather [hbm4b:s18+s4], $0x6800, $0x38;
	[tilespmem:$0x1A000] =	vst v63  }
0x29a: {  	_ =	swait.ge [sflag:s31], $0x6800  }
0x29b: {  	[sflag:s31] =	ssyncset.done $0x0  }
0x29c: {  	[sflag:s31] =	ssyncadd.s32 $0xFFFF9800  }
0x29d: {  	_ =	swait.ge [sflag:s31], $0x6800  }
0x29e: {  	[sflag:s31] =	ssyncset.done $0x0  }
0x29f: {  	s18 =	sadd.s32 $0xD00, s15;
	[sflag:s31] =	ssyncadd.s32 $0xFFFF9800  }
0x2a0: {  	[hbm4b:s18+s4] =	stream.linear.scatter [tilespmem:s5], [sflag:$0x3], $0x400, $0x38;
	[tilespmem:$0x1A000] =	vst v63  }
0x2a1: {  	s20 =	sadd.s32 $0x1380, s15;
	s28 =	simm.s32 $0x10400  }
0x2a2: {  	[hbm4b:s20+s4] =	stream.linear.scatter [tilespmem:s28], [sflag:$0x3], $0x400, $0x38;
	[tilespmem:$0x1A000] =	vst v63  }
0x2a3: {  	s19 =	sadd.s32 $0xD00, s19;
	s17 =	sadd.s32 $0xD00, s16;
	s28 =	simm.s32 $0xD400  }
0x2a4: {  	[hbm4b:s17+s4] =	stream.linear.scatter [tilespmem:s28], [sflag:$0x3], $0x400, $0x38;
	[tilespmem:$0x1A000] =	vst v63  }
0x2a5: {  	s19 =	sor.u32 $0x80, s19;
	s18 =	sadd.s32 $0x1380, s16;
	s28 =	simm.s32 $0x10800  }
0x2a6: {  	[hbm4b:s18+s4] =	stream.linear.scatter [tilespmem:s28], [sflag:$0x3], $0x400, $0x38;
	[tilespmem:$0x1A000] =	vst v63  }
0x2a7: {  	s17 =	sadd.s32 s2, s19;
	s28 =	simm.s32 $0xD800  }
0x2a8: {  	[hbm4b:s17+s4] =	stream.linear.scatter [tilespmem:s28], [sflag:$0x3], $0x400, $0x38;
	[tilespmem:$0x1A000] =	vst v63  }
0x2a9: {  	s20 =	simm.s32 $0x10C00;
	s18 =	sadd.s32 $0x680, s17  }
0x2aa: {  	[hbm4b:s18+s4] =	stream.linear.scatter [tilespmem:s20], [sflag:$0x3], $0x400, $0x38;
	[tilespmem:$0x1A000] =	vst v63  }
0x2ab: {  	s17 =	sadd.s32 s3, s19;
	s28 =	simm.s32 $0xDC00  }
0x2ac: {  	[hbm4b:s17+s4] =	stream.linear.scatter [tilespmem:s28], [sflag:$0x3], $0x400, $0x38;
	[tilespmem:$0x1A000] =	vst v63  }
0x2ad: {  	s18 =	sadd.s32 $0x680, s17;
	s20 =	simm.s32 $0x11000  }
0x2ae: {  	[hbm4b:s18+s4] =	stream.linear.scatter [tilespmem:s20], [sflag:$0x3], $0x400, $0x38;
	[tilespmem:$0x1A000] =	vst v63  }
0x2af: {  	s17 =	sadd.s32 $0xE00, s15;
	s28 =	simm.s32 $0xE000  }
0x2b0: {  	[hbm4b:s17+s4] =	stream.linear.scatter [tilespmem:s28], [sflag:$0x3], $0x400, $0x38;
	[tilespmem:$0x1A000] =	vst v63  }
0x2b1: {  	s18 =	sadd.s32 $0x1480, s15;
	s20 =	simm.s32 $0x11400  }
0x2b2: {  	[hbm4b:s18+s4] =	stream.linear.scatter [tilespmem:s20], [sflag:$0x3], $0x400, $0x38;
	[tilespmem:$0x1A000] =	vst v63  }
0x2b3: {  	s17 =	sadd.s32 $0xE00, s16;
	s28 =	simm.s32 $0xE400  }
0x2b4: {  	[hbm4b:s17+s4] =	stream.linear.scatter [tilespmem:s28], [sflag:$0x3], $0x400, $0x38;
	[tilespmem:$0x1A000] =	vst v63  }
0x2b5: {  	s18 =	sadd.s32 $0x1480, s16;
	s20 =	simm.s32 $0x11800  }
0x2b6: {  	[hbm4b:s18+s4] =	stream.linear.scatter [tilespmem:s20], [sflag:$0x3], $0x400, $0x38;
	[tilespmem:$0x1A000] =	vst v63  }
0x2b7: {  	s17 =	sadd.s32 $0xE80, s15;
	s28 =	simm.s32 $0xE800  }
0x2b8: {  	[hbm4b:s17+s4] =	stream.linear.scatter [tilespmem:s28], [sflag:$0x3], $0x400, $0x38;
	[tilespmem:$0x1A000] =	vst v63  }
0x2b9: {  	s18 =	sadd.s32 $0x1500, s15;
	s20 =	simm.s32 $0x11C00  }
0x2ba: {  	[hbm4b:s18+s4] =	stream.linear.scatter [tilespmem:s20], [sflag:$0x3], $0x400, $0x38;
	[tilespmem:$0x1A000] =	vst v63  }
0x2bb: {  	s17 =	sadd.s32 $0xE80, s16;
	s28 =	simm.s32 $0xEC00  }
0x2bc: {  	[hbm4b:s17+s4] =	stream.linear.scatter [tilespmem:s28], [sflag:$0x3], $0x400, $0x38;
	[tilespmem:$0x1A000] =	vst v63  }
0x2bd: {  	s18 =	sadd.s32 $0x1500, s16;
	s20 =	simm.s32 $0x12000  }
0x2be: {  	[hbm4b:s18+s4] =	stream.linear.scatter [tilespmem:s20], [sflag:$0x3], $0x400, $0x38;
	[tilespmem:$0x1A000] =	vst v63  }
0x2bf: {  	s17 =	sadd.s32 $0xF00, s15;
	s28 =	simm.s32 $0xF000  }
0x2c0: {  	[hbm4b:s17+s4] =	stream.linear.scatter [tilespmem:s28], [sflag:$0x3], $0x400, $0x38;
	[tilespmem:$0x1A000] =	vst v63  }
0x2c1: {  	s18 =	sadd.s32 $0x1580, s15;
	s20 =	simm.s32 $0x12400  }
0x2c2: {  	[hbm4b:s18+s4] =	stream.linear.scatter [tilespmem:s20], [sflag:$0x3], $0x400, $0x38;
	[tilespmem:$0x1A000] =	vst v63  }
0x2c3: {  	s17 =	sadd.s32 $0xF00, s16;
	s28 =	simm.s32 $0xF400  }
0x2c4: {  	[hbm4b:s17+s4] =	stream.linear.scatter [tilespmem:s28], [sflag:$0x3], $0x400, $0x38;
	[tilespmem:$0x1A000] =	vst v63  }
0x2c5: {  	s18 =	sadd.s32 $0x1580, s16;
	s20 =	simm.s32 $0x12800  }
0x2c6: {  	[hbm4b:s18+s4] =	stream.linear.scatter [tilespmem:s20], [sflag:$0x3], $0x400, $0x38;
	[tilespmem:$0x1A000] =	vst v63  }
0x2c7: {  	s17 =	sadd.s32 $0xF80, s15;
	s28 =	simm.s32 $0xF800  }
0x2c8: {  	[hbm4b:s17+s4] =	stream.linear.scatter [tilespmem:s28], [sflag:$0x3], $0x400, $0x38;
	[tilespmem:$0x1A000] =	vst v63  }
0x2c9: {  	s18 =	sadd.s32 $0x1600, s15;
	s20 =	simm.s32 $0x12C00  }
0x2ca: {  	[hbm4b:s18+s4] =	stream.linear.scatter [tilespmem:s20], [sflag:$0x3], $0x400, $0x38;
	[tilespmem:$0x1A000] =	vst v63  }
0x2cb: {  	s17 =	sadd.s32 $0xF80, s16;
	s28 =	simm.s32 $0xFC00  }
0x2cc: {  	[hbm4b:s17+s4] =	stream.linear.scatter [tilespmem:s28], [sflag:$0x3], $0x400, $0x38;
	[tilespmem:$0x1A000] =	vst v63  }
0x2cd: {  	s18 =	sadd.s32 $0x1600, s16;
	s20 =	simm.s32 $0x13000  }
0x2ce: {  	[hbm4b:s18+s4] =	stream.linear.scatter [tilespmem:s20], [sflag:$0x3], $0x400, $0x38;
	[tilespmem:$0x1A000] =	vst v63  }
0x2cf: {  	s17 =	sadd.s32 $0x1000, s15;
	s28 =	simm.s32 $0x10000  }
0x2d0: {  	[hbm4b:s17+s4] =	stream.linear.scatter [tilespmem:s28], [sflag:$0x3], $0x400, $0x38;
	[tilespmem:$0x1A000] =	vst v63  }
0x2d1: {  	s18 =	sadd.s32 $0x1680, s15;
	s28 =	simm.s32 $0x13400  }
0x2d2: {  	[hbm4b:s18+s4] =	stream.linear.scatter [tilespmem:s28], [sflag:$0x3], $0x400, $0x38;
	[tilespmem:$0x1A000] =	vst v63  }
0x2d3: {  	s20 =	sadd.s32 $0x1000, s16  }
0x2d4: {  	[hbm4b:s20+s4] =	stream.linear.scatter [tilespmem:s6], [sflag:$0x3], $0x400, $0x38;
	[tilespmem:$0x1A000] =	vst v63  }
0x2d5: {  	s19 =	sadd.s32 $0x1680, s16;
	s20 =	simm.s32 $0x16C00  }
0x2d6: {  	[hbm4b:s19+s4] =	stream.linear.scatter [tilespmem:s20], [sflag:$0x3], $0x400, $0x38;
	[tilespmem:$0x1A000] =	vst v63  }
0x2d7: {  	s17 =	sadd.s32 $0x1080, s15;
	s28 =	simm.s32 $0x13C00  }
0x2d8: {  	[hbm4b:s17+s4] =	stream.linear.scatter [tilespmem:s28], [sflag:$0x3], $0x400, $0x38;
	[tilespmem:$0x1A000] =	vst v63  }
0x2d9: {  	s18 =	sadd.s32 $0x1700, s15;
	s20 =	simm.s32 $0x17000  }
0x2da: {  	[hbm4b:s18+s4] =	stream.linear.scatter [tilespmem:s20], [sflag:$0x3], $0x400, $0x38;
	[tilespmem:$0x1A000] =	vst v63  }
0x2db: {  	s17 =	sadd.s32 $0x1080, s16;
	s28 =	simm.s32 $0x14000  }
0x2dc: {  	[hbm4b:s17+s4] =	stream.linear.scatter [tilespmem:s28], [sflag:$0x3], $0x400, $0x38;
	[tilespmem:$0x1A000] =	vst v63  }
0x2dd: {  	s18 =	sadd.s32 $0x1700, s16;
	s20 =	simm.s32 $0x17400  }
0x2de: {  	[hbm4b:s18+s4] =	stream.linear.scatter [tilespmem:s20], [sflag:$0x3], $0x400, $0x38;
	[tilespmem:$0x1A000] =	vst v63  }
0x2df: {  	s17 =	sadd.s32 $0x1100, s15;
	s28 =	simm.s32 $0x14400  }
0x2e0: {  	[hbm4b:s17+s4] =	stream.linear.scatter [tilespmem:s28], [sflag:$0x3], $0x400, $0x38;
	[tilespmem:$0x1A000] =	vst v63  }
0x2e1: {  	s18 =	sadd.s32 $0x1780, s15;
	s20 =	simm.s32 $0x17800  }
0x2e2: {  	[hbm4b:s18+s4] =	stream.linear.scatter [tilespmem:s20], [sflag:$0x3], $0x400, $0x38;
	[tilespmem:$0x1A000] =	vst v63  }
0x2e3: {  	s17 =	sadd.s32 $0x1100, s16;
	s28 =	simm.s32 $0x14800  }
0x2e4: {  	[hbm4b:s17+s4] =	stream.linear.scatter [tilespmem:s28], [sflag:$0x3], $0x400, $0x38;
	[tilespmem:$0x1A000] =	vst v63  }
0x2e5: {  	s18 =	sadd.s32 $0x1780, s16;
	s20 =	simm.s32 $0x17C00  }
0x2e6: {  	[hbm4b:s18+s4] =	stream.linear.scatter [tilespmem:s20], [sflag:$0x3], $0x400, $0x38;
	[tilespmem:$0x1A000] =	vst v63  }
0x2e7: {  	s17 =	sadd.s32 $0x1180, s15;
	s28 =	simm.s32 $0x14C00  }
0x2e8: {  	[hbm4b:s17+s4] =	stream.linear.scatter [tilespmem:s28], [sflag:$0x3], $0x400, $0x38;
	[tilespmem:$0x1A000] =	vst v63  }
0x2e9: {  	s18 =	sadd.s32 $0x1800, s15;
	s20 =	simm.s32 $0x18000  }
0x2ea: {  	[hbm4b:s18+s4] =	stream.linear.scatter [tilespmem:s20], [sflag:$0x3], $0x400, $0x38;
	[tilespmem:$0x1A000] =	vst v63  }
0x2eb: {  	s17 =	sadd.s32 $0x1180, s16;
	s28 =	simm.s32 $0x15000  }
0x2ec: {  	[hbm4b:s17+s4] =	stream.linear.scatter [tilespmem:s28], [sflag:$0x3], $0x400, $0x38;
	[tilespmem:$0x1A000] =	vst v63  }
0x2ed: {  	s18 =	sadd.s32 $0x1800, s16;
	s20 =	simm.s32 $0x18400  }
0x2ee: {  	[hbm4b:s18+s4] =	stream.linear.scatter [tilespmem:s20], [sflag:$0x3], $0x400, $0x38;
	[tilespmem:$0x1A000] =	vst v63  }
0x2ef: {  	s17 =	sadd.s32 $0x1200, s15;
	s28 =	simm.s32 $0x15400  }
0x2f0: {  	[hbm4b:s17+s4] =	stream.linear.scatter [tilespmem:s28], [sflag:$0x3], $0x400, $0x38;
	[tilespmem:$0x1A000] =	vst v63  }
0x2f1: {  	s18 =	sadd.s32 $0x1880, s15;
	s20 =	simm.s32 $0x18800  }
0x2f2: {  	[hbm4b:s18+s4] =	stream.linear.scatter [tilespmem:s20], [sflag:$0x3], $0x400, $0x38;
	[tilespmem:$0x1A000] =	vst v63  }
0x2f3: {  	s17 =	sadd.s32 $0x1200, s16;
	s28 =	simm.s32 $0x15800  }
0x2f4: {  	[hbm4b:s17+s4] =	stream.linear.scatter [tilespmem:s28], [sflag:$0x3], $0x400, $0x38;
	[tilespmem:$0x1A000] =	vst v63  }
0x2f5: {  	s18 =	sadd.s32 $0x1880, s16;
	s20 =	simm.s32 $0x18C00  }
0x2f6: {  	[hbm4b:s18+s4] =	stream.linear.scatter [tilespmem:s20], [sflag:$0x3], $0x400, $0x38;
	[tilespmem:$0x1A000] =	vst v63  }
0x2f7: {  	s17 =	sadd.s32 $0x1280, s15;
	s28 =	simm.s32 $0x15C00  }
0x2f8: {  	[hbm4b:s17+s4] =	stream.linear.scatter [tilespmem:s28], [sflag:$0x3], $0x400, $0x38;
	[tilespmem:$0x1A000] =	vst v63  }
0x2f9: {  	s18 =	sadd.s32 $0x1900, s15;
	s20 =	simm.s32 $0x19000  }
0x2fa: {  	[hbm4b:s18+s4] =	stream.linear.scatter [tilespmem:s20], [sflag:$0x3], $0x400, $0x38;
	[tilespmem:$0x1A000] =	vst v63  }
0x2fb: {  	s17 =	sadd.s32 $0x1280, s16;
	s28 =	simm.s32 $0x16000  }
0x2fc: {  	[hbm4b:s17+s4] =	stream.linear.scatter [tilespmem:s28], [sflag:$0x3], $0x400, $0x38;
	[tilespmem:$0x1A000] =	vst v63  }
0x2fd: {  	p0 =	sne.s32 s14, $0x16C00;
	s18 =	sadd.s32 $0x1900, s16;
	s20 =	simm.s32 $0x19400  }
0x2fe: {  	[hbm4b:s18+s4] =	stream.linear.scatter [tilespmem:s20], [sflag:$0x3], $0x400, $0x38;
	[tilespmem:$0x1A000] =	vst v63  }
0x2ff: {  	s14 =	sadd.s32 $0x1A00, s14;
	s17 =	sadd.s32 $0x1300, s15;
	s28 =	simm.s32 $0x16400  }
0x300: {  	[hbm4b:s17+s4] =	stream.linear.scatter [tilespmem:s28], [sflag:$0x3], $0x400, $0x38;
	[tilespmem:$0x1A000] =	vst v63  }
.Ltmp0:
0x301: {  	s23 =	simm.s32 $0x3800;
	s22 =	simm.s32 $0x400;
	(pc) =	sbr.rel @p0 .LBB2_2-.Ltmp0, $4  }
0x302: {  	s21 =	simm.s32 $0x3400;
	s15 =	sadd.s32 $0x1980, s15;
	s20 =	simm.s32 $0x19800  }
0x303: {  	[hbm4b:s15+s4] =	stream.linear.scatter [tilespmem:s20], [sflag:$0x3], $0x400, $0x38;
	[tilespmem:$0x1A000] =	vst v63  }
0x304: {  	s19 =	sadd.s32 $0x1300, s16;
	s28 =	simm.s32 $0x16800;
	s15 =	sadd.s32 $0x1980, s16  }
0x305: {  	[hbm4b:s19+s4] =	stream.linear.scatter [tilespmem:s28], [sflag:$0x3], $0x400, $0x38;
	[tilespmem:$0x1A000] =	vst v63  }
0x306: {  	s1 =	simm.s32 $0x19C00  }
0x307: {  	[hbm4b:s15+s4] =	stream.linear.scatter [tilespmem:s1], [sflag:$0x3], $0x400, $0x38;
	[tilespmem:$0x1A000] =	vst v63  }
0x308: {  	_ =	swait.ge [sflag:s11], $0x6800  }
0x309: {  	[sflag:s11] =	ssyncset.done $0x0  }
0x30a: {  	[sflag:s11] =	ssyncadd.s32 $0xFFFF9800  }
0x30b: {  	_ =	swait.ge [sflag:s11], $0x6800  }
0x30c: {  	[sflag:s11] =	ssyncset.done $0x0  }
0x30d: {  	[sflag:s11] =	ssyncadd.s32 $0xFFFF9800  }
0x30e: {  	_ =	swait.ge [sflag:s12], $0x6800  }
0x30f: {  	[sflag:s12] =	ssyncset.done $0x0  }
0x310: {  	[sflag:s12] =	ssyncadd.s32 $0xFFFF9800  }
0x311: {  	_ =	swait.ge [sflag:s12], $0x6800  }
0x312: {  	s26 =	sld [smem:$0x7FD]  }
0x313: {  	s20 =	simm.s32 $0x800;
	s14 =	sld [smem:$0x7FC]  }
0x314: {  	s29 =	simm.s32 $0x3C00;
	s30 =	simm.s32 $0xC00;
	s24 =	simm.s32 $0x4000  }
0x315: {  	s25 =	simm.s32 $0x1000;
	s13 =	simm.s32 $0x1400;
	s1 =	sadd.s32 $0x1, s26  }
0x316: {  	s10 =	simm.s32 $0x4800;
	s7 =	simm.s32 $0x4C00;
	p0 =	sne.s32 s1, s14  }
.Ltmp1:
0x317: {  	s8 =	simm.s32 $0x1C00;
	s9 =	simm.s32 $0x5000;
	(pc) =	sbr.rel @p0 .LBB2_1-.Ltmp1, $4  }
0x318: {  	s16 =	smov.u32 s0;
	s28 =	simm.s32 $0x6800;
	s0 =	simm.s32 $0x2000  }
0x319: {  	s17 =	simm.s32 $0x2400;
	s18 =	simm.s32 $0x5800;
	[sflag:s12] =	ssyncset.done $0x0  }
0x31a: {  	s19 =	simm.s32 $0x2800;
	s15 =	simm.s32 $0x5400;
	[sflag:s12] =	ssyncadd.s32 $0xFFFF9800  }
0x31b: {  	s26 =	simm.s32 $0x4400;
	[smem:$0x7FD] =	sst s1;
	s1 =	simm.s32 $0x1800  }
0x31c: {  	_ =	sfence.sel $0x180000  }
0x31d: {  	[bflag:$0x0] =	sbarrier.arrive $0xFFFF  }
0x31e: {  	_ =	strace $0x90000047  }
0x31f: {  	s0 =	stileid.u32;
	[bflag:$0x2] =	sbarrier.arrive $0xFFFF  }
0x320: {  	p0 =	sne.s32 s0, $0x0;
	s0 =	rddreg [dreg:$0x4]  }
0x321: {  	s0 =	sadd.s32 @!p0 $0x100000, s0  }
0x322: {  	[sflag:s0] =	ssyncadd.tile.s32 @!p0 $0x1;
	_ =	shalt  }
.Lfunc_end2:
_tile_overlayer_lowered:
.L_overlay_start_2:
0x323: {  	(tag) =	ssettag $0x2  }
0x324: {  	s0 =	rddreg [dreg:$0x0];
	s2 =	stileid.u32  }
0x325: {  	s1 =	rddreg [dreg:$0x1];
	p0 =	sne.s32 s2, $0x0  }
0x326: {  	s3 =	rddreg [dreg:$0x2];
	[bflag:$0x3] =	sbarrier.arrive $0xFFFF;
	s2 =	simm.s32 @!p0 $0x1C04  }
0x327: {  	[timem:s3], [sflag:s2] =	dma.local @!p0 [hbm:s0], s1  }
0x328: {  	s0 =	simm.s32 @!p0 $0x4  }
0x329: {  	_ =	swait.ge @!p0 [sflag:s0], s1  }
0x32a: {  	s1 =	ssub.s32 @!p0 $0x0, s1;
	[sflag:s0] =	ssyncset.done @!p0 $0x0  }
0x32b: {  	[sflag:s0] =	ssyncadd.s32 @!p0 s1  }
0x32c: {  	[bflag:$0x3] =	sbarrier.arrive $0xFFFF  }
0x32d: {  	_ =	shalt  }

</sc_bundles>
